<compile_context>
chip_gen: v7x
topology: tpu7x:2x2x1
jax: 0.10.2.dev20260603
libtpu: 0.0.44.dev20260713+nightly
codegen_flags: <defaults>
</compile_context>

<pallas_src>
import functools

import jax
import jax.numpy as jnp
from jax import lax
from jax.experimental import pallas as pl
from jax.experimental.pallas import tpu as pltpu
from jax.experimental.pallas import tpu_sc as plsc

NC = 2
NS = 16
L = 16
NW = NC * NS

N_ROWS = 8192
EMB = 1024

B_PER_W = N_ROWS // NW
CH = 16
NCHUNK = B_PER_W // CH
NBUF = 7

_mesh = plsc.VectorSubcoreMesh(core_axis_name="c", subcore_axis_name="s")


@functools.partial(
    pl.kernel,
    mesh=_mesh,
    out_type=jax.ShapeDtypeStruct((N_ROWS, EMB), jnp.float32),
    scratch_types=[
        pltpu.VMEM((L,), jnp.int32),
        pltpu.VMEM((B_PER_W,), jnp.int32),
        pltpu.VMEM((NBUF, CH, EMB), jnp.float32),
    ]
    + [pltpu.SemaphoreType.DMA] * (2 * NBUF),
)
def _sc_lookup(params_hbm, table_hbm, out_hbm, params_v, idx_v, rows_v,
               *sems):
    gsems, wsems = sems[:NBUF], sems[NBUF:]
    wid = lax.axis_index("s") * NC + lax.axis_index("c")
    base = wid * B_PER_W

    pltpu.sync_copy(params_hbm, params_v)
    pv = params_v[...]
    seq_len = pv[0]
    start_pos = pv[1]
    last = jnp.minimum(seq_len - 1, N_ROWS - 1)

    for g in range(B_PER_W // L):
        v = lax.iota(jnp.int32, L) + (base + g * L)
        v = jnp.minimum(v, last) + start_pos
        v = jnp.clip(v, 0, N_ROWS - 1)
        idx_v[pl.ds(g * L, L)] = v

    src0 = jnp.clip(jnp.minimum(base, last) + start_pos, 0, N_ROWS - 1)
    src_end = jnp.clip(
        jnp.minimum(base + B_PER_W - 1, last) + start_pos, 0, N_ROWS - 1)
    contiguous = jnp.logical_and(
        (src_end - src0) == (B_PER_W - 1), src0 % 8 == 0)

    def run_pipeline(start_gather, buf, ch, nchunk, nbuf):
        gathers = {}
        writes = {}
        for j in range(min(nbuf, nchunk)):
            gathers[j] = start_gather(j)
        for j in range(nchunk):
            slot = j % nbuf
            gathers[j].wait()
            writes[j] = pltpu.async_copy(
                buf(slot), out_hbm.at[pl.ds(base + j * ch, ch), :],
                wsems[slot])
            nj = j + nbuf
            if nj < nchunk:
                writes[nj - nbuf].wait()
                gathers[nj] = start_gather(nj)
        for j in range(max(0, nchunk - nbuf), nchunk):
            writes[j].wait()

    @pl.when(contiguous)
    def _fast():
        src0a = pl.multiple_of(src0, 8)

        def start_linear(j):
            return pltpu.async_copy(
                table_hbm.at[pl.ds(src0a + j * CH, CH), :],
                rows_v.at[j % NBUF], gsems[j % NBUF])

        run_pipeline(start_linear, lambda slot: rows_v.at[slot],
                     CH, NCHUNK, NBUF)

    @pl.when(jnp.logical_not(contiguous))
    def _general():
        def start_indirect(j):
            return pltpu.async_copy(
                table_hbm.at[idx_v.at[pl.ds(j * CH, CH)]],
                rows_v.at[j % NBUF], gsems[j % NBUF])

        run_pipeline(start_indirect, lambda slot: rows_v.at[slot],
                     CH, NCHUNK, NBUF)


def kernel(seq_len, start_pos, table):
    params = jnp.zeros((L,), jnp.int32)
    params = params.at[0].set(jnp.asarray(seq_len, jnp.int32))
    params = params.at[1].set(jnp.asarray(start_pos, jnp.int32))
    return _sc_lookup(params, table)

# --- scband reference (transcript-rebuilt; emitter-appended) ---
"""Pipeline reference for scband-positional-embeddings-8478265442803 (READ-ONLY COPY).

The authoritative reference and input builder live on the scoring server;
editing this copy changes nothing except your own understanding.
"""

import jax, jax.numpy as jnp
import numpy as np

MAX_SEQ_LEN = 8192
EMB_SIZE = 1024

def setup_inputs(seed: int = 0) -> dict:
    key = jax.random.key(seed)
    k_table, = jax.random.split(key, 1)
    table = jax.random.normal(k_table, (MAX_SEQ_LEN, EMB_SIZE), dtype=jnp.float32) * 0.02
    return {"seq_len": 8192, "start_pos": 0, "table": table}

def reference(seq_len, start_pos, table):
    # Faithful translation of PositionalEmbeddings.forward:
    # positions = arange(start_pos, start_pos + seq_len); return embedding(positions)
    n = table.shape[0]
    idx = jnp.arange(n, dtype=jnp.int32)
    idx = jnp.minimum(idx, jnp.asarray(seq_len, dtype=jnp.int32) - 1)
    positions = jnp.asarray(start_pos, dtype=jnp.int32) + idx
    return jnp.take(table, positions, axis=0)

if __name__ == "__main__":
    import jax
    _d = setup_inputs()
    print(jax.jit(kernel)(*tuple(_d.values())))

</pallas_src>

<mosaic_0001>
#map = affine_map<(d0, d1) -> (0)>
#map1 = affine_map<(d0, d1) -> (0, 0)>
module attributes {stable_mosaic.version = 14 : i64} {
  func.func @_sc_lookup(%arg0: i32, %arg1: i32, %arg2: memref<16xi32, #tpu.memory_space<hbm>>, %arg3: memref<8192x1024xf32, #tpu.memory_space<hbm>>, %arg4: memref<8192x1024xf32, #tpu.memory_space<hbm>>, %arg5: memref<16xi32, #tpu.memory_space<vmem>>, %arg6: memref<256xi32, #tpu.memory_space<vmem>>, %arg7: memref<7x16x1024xf32, #tpu.memory_space<vmem>>, %arg8: memref<!tpu.dma_semaphore, #tpu.memory_space<semaphore_mem>>, %arg9: memref<!tpu.dma_semaphore, #tpu.memory_space<semaphore_mem>>, %arg10: memref<!tpu.dma_semaphore, #tpu.memory_space<semaphore_mem>>, %arg11: memref<!tpu.dma_semaphore, #tpu.memory_space<semaphore_mem>>, %arg12: memref<!tpu.dma_semaphore, #tpu.memory_space<semaphore_mem>>, %arg13: memref<!tpu.dma_semaphore, #tpu.memory_space<semaphore_mem>>, %arg14: memref<!tpu.dma_semaphore, #tpu.memory_space<semaphore_mem>>, %arg15: memref<!tpu.dma_semaphore, #tpu.memory_space<semaphore_mem>>, %arg16: memref<!tpu.dma_semaphore, #tpu.memory_space<semaphore_mem>>, %arg17: memref<!tpu.dma_semaphore, #tpu.memory_space<semaphore_mem>>, %arg18: memref<!tpu.dma_semaphore, #tpu.memory_space<semaphore_mem>>, %arg19: memref<!tpu.dma_semaphore, #tpu.memory_space<semaphore_mem>>, %arg20: memref<!tpu.dma_semaphore, #tpu.memory_space<semaphore_mem>>, %arg21: memref<!tpu.dma_semaphore, #tpu.memory_space<semaphore_mem>>) attributes {dimension_semantics = [#tpu.dimension_semantics<core_parallel>, #tpu.dimension_semantics<subcore_parallel>], iteration_bounds = array<i64: 2, 16>, scalar_prefetch = 0 : i64, scratch_operands = 17 : i64, tpu.core_type = #tpu.core_type<sc_vector_subcore>, window_params = [{transform_indices = #map}, {transform_indices = #map1}, {transform_indices = #map1}]} {
    %mul3A = arith.constant 2 : i32
    %mul3A_0 = arith.muli %arg1, %mul3A : i32
    %add3A = arith.addi %mul3A_0, %arg0 : i32
    %mul3A_1 = arith.constant 256 : i32
    %mul3A_2 = arith.muli %add3A, %mul3A_1 : i32
    "tpu.region"() ({
      %run_scoped3A = tpu.sem_alloc : memref<!tpu.dma_semaphore, #tpu.memory_space<semaphore_mem>>
      tpu.enqueue_dma source(%arg2 : memref<16xi32, #tpu.memory_space<hbm>>) target(%arg5 : memref<16xi32, #tpu.memory_space<vmem>>) target_semaphore(%run_scoped3A : memref<!tpu.dma_semaphore, #tpu.memory_space<semaphore_mem>>)
      tpu.wait_dma2 semaphore(%run_scoped3A : memref<!tpu.dma_semaphore, #tpu.memory_space<semaphore_mem>>) src(%arg2 : memref<16xi32, #tpu.memory_space<hbm>>) dst(%arg5 : memref<16xi32, #tpu.memory_space<vmem>>)
      tpu.yield
    }) : () -> ()
    %get3A = arith.constant 0 : index
    %get3A_3 = tpu.vector_load %arg5[%get3A] {strides = array<i32>} : memref<16xi32, #tpu.memory_space<vmem>>, vector<16xi32>,
    %get3A_4 = vector.shape_cast %get3A_3 : vector<16xi32> to vector<16xi32>
    %slice3A = vector.extract_strided_slice %get3A_4 {offsets = [0], sizes = [1], strides = [1]} : vector<16xi32> to vector<1xi32>
    %squeeze3A = vector.extract %slice3A[0] : i32 from vector<1xi32>
    %slice3A_5 = vector.extract_strided_slice %get3A_4 {offsets = [1], sizes = [1], strides = [1]} : vector<16xi32> to vector<1xi32>
    %squeeze3A_6 = vector.extract %slice3A_5[0] : i32 from vector<1xi32>
    %sub3A = arith.constant 1 : i32
    %sub3A_7 = arith.subi %squeeze3A, %sub3A : i32
    %min3A = arith.constant 8191 : i32
    %min3A_8 = arith.minsi %sub3A_7, %min3A : i32
    %iota3A = tpu.iota {dimensions = array<i32: 0>} : vector<16xi32>
    %add3A_9 = arith.constant 0 : i32
    %add3A_10 = arith.addi %mul3A_2, %add3A_9 : i32
    %add3A_11 = vector.broadcast %add3A_10 : i32 to vector<16xi32>
    %add3A_12 = arith.addi %iota3A, %add3A_11 : vector<16xi32>
    %min3A_13 = vector.broadcast %min3A_8 : i32 to vector<16xi32>
    %min3A_14 = arith.minsi %add3A_12, %min3A_13 : vector<16xi32>
    %add3A_15 = vector.broadcast %squeeze3A_6 : i32 to vector<16xi32>
    %add3A_16 = arith.addi %min3A_14, %add3A_15 : vector<16xi32>
    %jit3A = arith.constant 0 : i32
    %jit3A_17 = arith.constant 8191 : i32
    %max3A = vector.broadcast %jit3A : i32 to vector<16xi32>
    %max3A_18 = arith.maxsi %max3A, %add3A_16 : vector<16xi32>
    %min3A_19 = vector.broadcast %jit3A_17 : i32 to vector<16xi32>
    %min3A_20 = arith.minsi %min3A_19, %max3A_18 : vector<16xi32>
    %swap3A = arith.constant 0 : index
    %swap3A_21 = tpu.vector_load %arg6[%swap3A] {strides = array<i32>} : memref<256xi32, #tpu.memory_space<vmem>>, vector<16xi32>,
    %swap3A_22 = vector.shape_cast %swap3A_21 : vector<16xi32> to vector<16xi32>
    %swap3A_23 = vector.shape_cast %min3A_20 : vector<16xi32> to vector<16xi32>
    tpu.vector_store %arg6[%swap3A], %swap3A_23 {strides = array<i32>} : memref<256xi32, #tpu.memory_space<vmem>>, vector<16xi32>,
    %iota3A_24 = tpu.iota {dimensions = array<i32: 0>} : vector<16xi32>
    %add3A_25 = arith.constant 16 : i32
    %add3A_26 = arith.addi %mul3A_2, %add3A_25 : i32
    %add3A_27 = vector.broadcast %add3A_26 : i32 to vector<16xi32>
    %add3A_28 = arith.addi %iota3A_24, %add3A_27 : vector<16xi32>
    %min3A_29 = vector.broadcast %min3A_8 : i32 to vector<16xi32>
    %min3A_30 = arith.minsi %add3A_28, %min3A_29 : vector<16xi32>
    %add3A_31 = vector.broadcast %squeeze3A_6 : i32 to vector<16xi32>
    %add3A_32 = arith.addi %min3A_30, %add3A_31 : vector<16xi32>
    %jit3A_33 = arith.constant 0 : i32
    %jit3A_34 = arith.constant 8191 : i32
    %max3A_35 = vector.broadcast %jit3A_33 : i32 to vector<16xi32>
    %max3A_36 = arith.maxsi %max3A_35, %add3A_32 : vector<16xi32>
    %min3A_37 = vector.broadcast %jit3A_34 : i32 to vector<16xi32>
    %min3A_38 = arith.minsi %min3A_37, %max3A_36 : vector<16xi32>
    %swap3A_39 = arith.constant 16 : index
    %swap3A_40 = tpu.vector_load %arg6[%swap3A_39] {strides = array<i32>} : memref<256xi32, #tpu.memory_space<vmem>>, vector<16xi32>,
    %swap3A_41 = vector.shape_cast %swap3A_40 : vector<16xi32> to vector<16xi32>
    %swap3A_42 = vector.shape_cast %min3A_38 : vector<16xi32> to vector<16xi32>
    tpu.vector_store %arg6[%swap3A_39], %swap3A_42 {strides = array<i32>} : memref<256xi32, #tpu.memory_space<vmem>>, vector<16xi32>,
    %iota3A_43 = tpu.iota {dimensions = array<i32: 0>} : vector<16xi32>
    %add3A_44 = arith.constant 32 : i32
    %add3A_45 = arith.addi %mul3A_2, %add3A_44 : i32
    %add3A_46 = vector.broadcast %add3A_45 : i32 to vector<16xi32>
    %add3A_47 = arith.addi %iota3A_43, %add3A_46 : vector<16xi32>
    %min3A_48 = vector.broadcast %min3A_8 : i32 to vector<16xi32>
    %min3A_49 = arith.minsi %add3A_47, %min3A_48 : vector<16xi32>
    %add3A_50 = vector.broadcast %squeeze3A_6 : i32 to vector<16xi32>
    %add3A_51 = arith.addi %min3A_49, %add3A_50 : vector<16xi32>
    %jit3A_52 = arith.constant 0 : i32
    %jit3A_53 = arith.constant 8191 : i32
    %max3A_54 = vector.broadcast %jit3A_52 : i32 to vector<16xi32>
    %max3A_55 = arith.maxsi %max3A_54, %add3A_51 : vector<16xi32>
    %min3A_56 = vector.broadcast %jit3A_53 : i32 to vector<16xi32>
    %min3A_57 = arith.minsi %min3A_56, %max3A_55 : vector<16xi32>
    %swap3A_58 = arith.constant 32 : index
    %swap3A_59 = tpu.vector_load %arg6[%swap3A_58] {strides = array<i32>} : memref<256xi32, #tpu.memory_space<vmem>>, vector<16xi32>,
    %swap3A_60 = vector.shape_cast %swap3A_59 : vector<16xi32> to vector<16xi32>
    %swap3A_61 = vector.shape_cast %min3A_57 : vector<16xi32> to vector<16xi32>
    tpu.vector_store %arg6[%swap3A_58], %swap3A_61 {strides = array<i32>} : memref<256xi32, #tpu.memory_space<vmem>>, vector<16xi32>,
    %iota3A_62 = tpu.iota {dimensions = array<i32: 0>} : vector<16xi32>
    %add3A_63 = arith.constant 48 : i32
    %add3A_64 = arith.addi %mul3A_2, %add3A_63 : i32
    %add3A_65 = vector.broadcast %add3A_64 : i32 to vector<16xi32>
    %add3A_66 = arith.addi %iota3A_62, %add3A_65 : vector<16xi32>
    %min3A_67 = vector.broadcast %min3A_8 : i32 to vector<16xi32>
    %min3A_68 = arith.minsi %add3A_66, %min3A_67 : vector<16xi32>
    %add3A_69 = vector.broadcast %squeeze3A_6 : i32 to vector<16xi32>
    %add3A_70 = arith.addi %min3A_68, %add3A_69 : vector<16xi32>
    %jit3A_71 = arith.constant 0 : i32
    %jit3A_72 = arith.constant 8191 : i32
    %max3A_73 = vector.broadcast %jit3A_71 : i32 to vector<16xi32>
    %max3A_74 = arith.maxsi %max3A_73, %add3A_70 : vector<16xi32>
    %min3A_75 = vector.broadcast %jit3A_72 : i32 to vector<16xi32>
    %min3A_76 = arith.minsi %min3A_75, %max3A_74 : vector<16xi32>
    %swap3A_77 = arith.constant 48 : index
    %swap3A_78 = tpu.vector_load %arg6[%swap3A_77] {strides = array<i32>} : memref<256xi32, #tpu.memory_space<vmem>>, vector<16xi32>,
    %swap3A_79 = vector.shape_cast %swap3A_78 : vector<16xi32> to vector<16xi32>
    %swap3A_80 = vector.shape_cast %min3A_76 : vector<16xi32> to vector<16xi32>
    tpu.vector_store %arg6[%swap3A_77], %swap3A_80 {strides = array<i32>} : memref<256xi32, #tpu.memory_space<vmem>>, vector<16xi32>,
    %iota3A_81 = tpu.iota {dimensions = array<i32: 0>} : vector<16xi32>
    %add3A_82 = arith.constant 64 : i32
    %add3A_83 = arith.addi %mul3A_2, %add3A_82 : i32
    %add3A_84 = vector.broadcast %add3A_83 : i32 to vector<16xi32>
    %add3A_85 = arith.addi %iota3A_81, %add3A_84 : vector<16xi32>
    %min3A_86 = vector.broadcast %min3A_8 : i32 to vector<16xi32>
    %min3A_87 = arith.minsi %add3A_85, %min3A_86 : vector<16xi32>
    %add3A_88 = vector.broadcast %squeeze3A_6 : i32 to vector<16xi32>
    %add3A_89 = arith.addi %min3A_87, %add3A_88 : vector<16xi32>
    %jit3A_90 = arith.constant 0 : i32
    %jit3A_91 = arith.constant 8191 : i32
    %max3A_92 = vector.broadcast %jit3A_90 : i32 to vector<16xi32>
    %max3A_93 = arith.maxsi %max3A_92, %add3A_89 : vector<16xi32>
    %min3A_94 = vector.broadcast %jit3A_91 : i32 to vector<16xi32>
    %min3A_95 = arith.minsi %min3A_94, %max3A_93 : vector<16xi32>
    %swap3A_96 = arith.constant 64 : index
    %swap3A_97 = tpu.vector_load %arg6[%swap3A_96] {strides = array<i32>} : memref<256xi32, #tpu.memory_space<vmem>>, vector<16xi32>,
    %swap3A_98 = vector.shape_cast %swap3A_97 : vector<16xi32> to vector<16xi32>
    %swap3A_99 = vector.shape_cast %min3A_95 : vector<16xi32> to vector<16xi32>
    tpu.vector_store %arg6[%swap3A_96], %swap3A_99 {strides = array<i32>} : memref<256xi32, #tpu.memory_space<vmem>>, vector<16xi32>,
    %iota3A_100 = tpu.iota {dimensions = array<i32: 0>} : vector<16xi32>
    %add3A_101 = arith.constant 80 : i32
    %add3A_102 = arith.addi %mul3A_2, %add3A_101 : i32
    %add3A_103 = vector.broadcast %add3A_102 : i32 to vector<16xi32>
    %add3A_104 = arith.addi %iota3A_100, %add3A_103 : vector<16xi32>
    %min3A_105 = vector.broadcast %min3A_8 : i32 to vector<16xi32>
    %min3A_106 = arith.minsi %add3A_104, %min3A_105 : vector<16xi32>
    %add3A_107 = vector.broadcast %squeeze3A_6 : i32 to vector<16xi32>
    %add3A_108 = arith.addi %min3A_106, %add3A_107 : vector<16xi32>
    %jit3A_109 = arith.constant 0 : i32
    %jit3A_110 = arith.constant 8191 : i32
    %max3A_111 = vector.broadcast %jit3A_109 : i32 to vector<16xi32>
    %max3A_112 = arith.maxsi %max3A_111, %add3A_108 : vector<16xi32>
    %min3A_113 = vector.broadcast %jit3A_110 : i32 to vector<16xi32>
    %min3A_114 = arith.minsi %min3A_113, %max3A_112 : vector<16xi32>
    %swap3A_115 = arith.constant 80 : index
    %swap3A_116 = tpu.vector_load %arg6[%swap3A_115] {strides = array<i32>} : memref<256xi32, #tpu.memory_space<vmem>>, vector<16xi32>,
    %swap3A_117 = vector.shape_cast %swap3A_116 : vector<16xi32> to vector<16xi32>
    %swap3A_118 = vector.shape_cast %min3A_114 : vector<16xi32> to vector<16xi32>
    tpu.vector_store %arg6[%swap3A_115], %swap3A_118 {strides = array<i32>} : memref<256xi32, #tpu.memory_space<vmem>>, vector<16xi32>,
    %iota3A_119 = tpu.iota {dimensions = array<i32: 0>} : vector<16xi32>
    %add3A_120 = arith.constant 96 : i32
    %add3A_121 = arith.addi %mul3A_2, %add3A_120 : i32
    %add3A_122 = vector.broadcast %add3A_121 : i32 to vector<16xi32>
    %add3A_123 = arith.addi %iota3A_119, %add3A_122 : vector<16xi32>
    %min3A_124 = vector.broadcast %min3A_8 : i32 to vector<16xi32>
    %min3A_125 = arith.minsi %add3A_123, %min3A_124 : vector<16xi32>
    %add3A_126 = vector.broadcast %squeeze3A_6 : i32 to vector<16xi32>
    %add3A_127 = arith.addi %min3A_125, %add3A_126 : vector<16xi32>
    %jit3A_128 = arith.constant 0 : i32
    %jit3A_129 = arith.constant 8191 : i32
    %max3A_130 = vector.broadcast %jit3A_128 : i32 to vector<16xi32>
    %max3A_131 = arith.maxsi %max3A_130, %add3A_127 : vector<16xi32>
    %min3A_132 = vector.broadcast %jit3A_129 : i32 to vector<16xi32>
    %min3A_133 = arith.minsi %min3A_132, %max3A_131 : vector<16xi32>
    %swap3A_134 = arith.constant 96 : index
    %swap3A_135 = tpu.vector_load %arg6[%swap3A_134] {strides = array<i32>} : memref<256xi32, #tpu.memory_space<vmem>>, vector<16xi32>,
    %swap3A_136 = vector.shape_cast %swap3A_135 : vector<16xi32> to vector<16xi32>
    %swap3A_137 = vector.shape_cast %min3A_133 : vector<16xi32> to vector<16xi32>
    tpu.vector_store %arg6[%swap3A_134], %swap3A_137 {strides = array<i32>} : memref<256xi32, #tpu.memory_space<vmem>>, vector<16xi32>,
    %iota3A_138 = tpu.iota {dimensions = array<i32: 0>} : vector<16xi32>
    %add3A_139 = arith.constant 112 : i32
    %add3A_140 = arith.addi %mul3A_2, %add3A_139 : i32
    %add3A_141 = vector.broadcast %add3A_140 : i32 to vector<16xi32>
    %add3A_142 = arith.addi %iota3A_138, %add3A_141 : vector<16xi32>
    %min3A_143 = vector.broadcast %min3A_8 : i32 to vector<16xi32>
    %min3A_144 = arith.minsi %add3A_142, %min3A_143 : vector<16xi32>
    %add3A_145 = vector.broadcast %squeeze3A_6 : i32 to vector<16xi32>
    %add3A_146 = arith.addi %min3A_144, %add3A_145 : vector<16xi32>
    %jit3A_147 = arith.constant 0 : i32
    %jit3A_148 = arith.constant 8191 : i32
    %max3A_149 = vector.broadcast %jit3A_147 : i32 to vector<16xi32>
    %max3A_150 = arith.maxsi %max3A_149, %add3A_146 : vector<16xi32>
    %min3A_151 = vector.broadcast %jit3A_148 : i32 to vector<16xi32>
    %min3A_152 = arith.minsi %min3A_151, %max3A_150 : vector<16xi32>
    %swap3A_153 = arith.constant 112 : index
    %swap3A_154 = tpu.vector_load %arg6[%swap3A_153] {strides = array<i32>} : memref<256xi32, #tpu.memory_space<vmem>>, vector<16xi32>,
    %swap3A_155 = vector.shape_cast %swap3A_154 : vector<16xi32> to vector<16xi32>
    %swap3A_156 = vector.shape_cast %min3A_152 : vector<16xi32> to vector<16xi32>
    tpu.vector_store %arg6[%swap3A_153], %swap3A_156 {strides = array<i32>} : memref<256xi32, #tpu.memory_space<vmem>>, vector<16xi32>,
    %iota3A_157 = tpu.iota {dimensions = array<i32: 0>} : vector<16xi32>
    %add3A_158 = arith.constant 128 : i32
    %add3A_159 = arith.addi %mul3A_2, %add3A_158 : i32
    %add3A_160 = vector.broadcast %add3A_159 : i32 to vector<16xi32>
    %add3A_161 = arith.addi %iota3A_157, %add3A_160 : vector<16xi32>
    %min3A_162 = vector.broadcast %min3A_8 : i32 to vector<16xi32>
    %min3A_163 = arith.minsi %add3A_161, %min3A_162 : vector<16xi32>
    %add3A_164 = vector.broadcast %squeeze3A_6 : i32 to vector<16xi32>
    %add3A_165 = arith.addi %min3A_163, %add3A_164 : vector<16xi32>
    %jit3A_166 = arith.constant 0 : i32
    %jit3A_167 = arith.constant 8191 : i32
    %max3A_168 = vector.broadcast %jit3A_166 : i32 to vector<16xi32>
    %max3A_169 = arith.maxsi %max3A_168, %add3A_165 : vector<16xi32>
    %min3A_170 = vector.broadcast %jit3A_167 : i32 to vector<16xi32>
    %min3A_171 = arith.minsi %min3A_170, %max3A_169 : vector<16xi32>
    %swap3A_172 = arith.constant 128 : index
    %swap3A_173 = tpu.vector_load %arg6[%swap3A_172] {strides = array<i32>} : memref<256xi32, #tpu.memory_space<vmem>>, vector<16xi32>,
    %swap3A_174 = vector.shape_cast %swap3A_173 : vector<16xi32> to vector<16xi32>
    %swap3A_175 = vector.shape_cast %min3A_171 : vector<16xi32> to vector<16xi32>
    tpu.vector_store %arg6[%swap3A_172], %swap3A_175 {strides = array<i32>} : memref<256xi32, #tpu.memory_space<vmem>>, vector<16xi32>,
    %iota3A_176 = tpu.iota {dimensions = array<i32: 0>} : vector<16xi32>
    %add3A_177 = arith.constant 144 : i32
    %add3A_178 = arith.addi %mul3A_2, %add3A_177 : i32
    %add3A_179 = vector.broadcast %add3A_178 : i32 to vector<16xi32>
    %add3A_180 = arith.addi %iota3A_176, %add3A_179 : vector<16xi32>
    %min3A_181 = vector.broadcast %min3A_8 : i32 to vector<16xi32>
    %min3A_182 = arith.minsi %add3A_180, %min3A_181 : vector<16xi32>
    %add3A_183 = vector.broadcast %squeeze3A_6 : i32 to vector<16xi32>
    %add3A_184 = arith.addi %min3A_182, %add3A_183 : vector<16xi32>
    %jit3A_185 = arith.constant 0 : i32
    %jit3A_186 = arith.constant 8191 : i32
    %max3A_187 = vector.broadcast %jit3A_185 : i32 to vector<16xi32>
    %max3A_188 = arith.maxsi %max3A_187, %add3A_184 : vector<16xi32>
    %min3A_189 = vector.broadcast %jit3A_186 : i32 to vector<16xi32>
    %min3A_190 = arith.minsi %min3A_189, %max3A_188 : vector<16xi32>
    %swap3A_191 = arith.constant 144 : index
    %swap3A_192 = tpu.vector_load %arg6[%swap3A_191] {strides = array<i32>} : memref<256xi32, #tpu.memory_space<vmem>>, vector<16xi32>,
    %swap3A_193 = vector.shape_cast %swap3A_192 : vector<16xi32> to vector<16xi32>
    %swap3A_194 = vector.shape_cast %min3A_190 : vector<16xi32> to vector<16xi32>
    tpu.vector_store %arg6[%swap3A_191], %swap3A_194 {strides = array<i32>} : memref<256xi32, #tpu.memory_space<vmem>>, vector<16xi32>,
    %iota3A_195 = tpu.iota {dimensions = array<i32: 0>} : vector<16xi32>
    %add3A_196 = arith.constant 160 : i32
    %add3A_197 = arith.addi %mul3A_2, %add3A_196 : i32
    %add3A_198 = vector.broadcast %add3A_197 : i32 to vector<16xi32>
    %add3A_199 = arith.addi %iota3A_195, %add3A_198 : vector<16xi32>
    %min3A_200 = vector.broadcast %min3A_8 : i32 to vector<16xi32>
    %min3A_201 = arith.minsi %add3A_199, %min3A_200 : vector<16xi32>
    %add3A_202 = vector.broadcast %squeeze3A_6 : i32 to vector<16xi32>
    %add3A_203 = arith.addi %min3A_201, %add3A_202 : vector<16xi32>
    %jit3A_204 = arith.constant 0 : i32
    %jit3A_205 = arith.constant 8191 : i32
    %max3A_206 = vector.broadcast %jit3A_204 : i32 to vector<16xi32>
    %max3A_207 = arith.maxsi %max3A_206, %add3A_203 : vector<16xi32>
    %min3A_208 = vector.broadcast %jit3A_205 : i32 to vector<16xi32>
    %min3A_209 = arith.minsi %min3A_208, %max3A_207 : vector<16xi32>
    %swap3A_210 = arith.constant 160 : index
    %swap3A_211 = tpu.vector_load %arg6[%swap3A_210] {strides = array<i32>} : memref<256xi32, #tpu.memory_space<vmem>>, vector<16xi32>,
    %swap3A_212 = vector.shape_cast %swap3A_211 : vector<16xi32> to vector<16xi32>
    %swap3A_213 = vector.shape_cast %min3A_209 : vector<16xi32> to vector<16xi32>
    tpu.vector_store %arg6[%swap3A_210], %swap3A_213 {strides = array<i32>} : memref<256xi32, #tpu.memory_space<vmem>>, vector<16xi32>,
    %iota3A_214 = tpu.iota {dimensions = array<i32: 0>} : vector<16xi32>
    %add3A_215 = arith.constant 176 : i32
    %add3A_216 = arith.addi %mul3A_2, %add3A_215 : i32
    %add3A_217 = vector.broadcast %add3A_216 : i32 to vector<16xi32>
    %add3A_218 = arith.addi %iota3A_214, %add3A_217 : vector<16xi32>
    %min3A_219 = vector.broadcast %min3A_8 : i32 to vector<16xi32>
    %min3A_220 = arith.minsi %add3A_218, %min3A_219 : vector<16xi32>
    %add3A_221 = vector.broadcast %squeeze3A_6 : i32 to vector<16xi32>
    %add3A_222 = arith.addi %min3A_220, %add3A_221 : vector<16xi32>
    %jit3A_223 = arith.constant 0 : i32
    %jit3A_224 = arith.constant 8191 : i32
    %max3A_225 = vector.broadcast %jit3A_223 : i32 to vector<16xi32>
    %max3A_226 = arith.maxsi %max3A_225, %add3A_222 : vector<16xi32>
    %min3A_227 = vector.broadcast %jit3A_224 : i32 to vector<16xi32>
    %min3A_228 = arith.minsi %min3A_227, %max3A_226 : vector<16xi32>
    %swap3A_229 = arith.constant 176 : index
    %swap3A_230 = tpu.vector_load %arg6[%swap3A_229] {strides = array<i32>} : memref<256xi32, #tpu.memory_space<vmem>>, vector<16xi32>,
    %swap3A_231 = vector.shape_cast %swap3A_230 : vector<16xi32> to vector<16xi32>
    %swap3A_232 = vector.shape_cast %min3A_228 : vector<16xi32> to vector<16xi32>
    tpu.vector_store %arg6[%swap3A_229], %swap3A_232 {strides = array<i32>} : memref<256xi32, #tpu.memory_space<vmem>>, vector<16xi32>,
    %iota3A_233 = tpu.iota {dimensions = array<i32: 0>} : vector<16xi32>
    %add3A_234 = arith.constant 192 : i32
    %add3A_235 = arith.addi %mul3A_2, %add3A_234 : i32
    %add3A_236 = vector.broadcast %add3A_235 : i32 to vector<16xi32>
    %add3A_237 = arith.addi %iota3A_233, %add3A_236 : vector<16xi32>
    %min3A_238 = vector.broadcast %min3A_8 : i32 to vector<16xi32>
    %min3A_239 = arith.minsi %add3A_237, %min3A_238 : vector<16xi32>
    %add3A_240 = vector.broadcast %squeeze3A_6 : i32 to vector<16xi32>
    %add3A_241 = arith.addi %min3A_239, %add3A_240 : vector<16xi32>
    %jit3A_242 = arith.constant 0 : i32
    %jit3A_243 = arith.constant 8191 : i32
    %max3A_244 = vector.broadcast %jit3A_242 : i32 to vector<16xi32>
    %max3A_245 = arith.maxsi %max3A_244, %add3A_241 : vector<16xi32>
    %min3A_246 = vector.broadcast %jit3A_243 : i32 to vector<16xi32>
    %min3A_247 = arith.minsi %min3A_246, %max3A_245 : vector<16xi32>
    %swap3A_248 = arith.constant 192 : index
    %swap3A_249 = tpu.vector_load %arg6[%swap3A_248] {strides = array<i32>} : memref<256xi32, #tpu.memory_space<vmem>>, vector<16xi32>,
    %swap3A_250 = vector.shape_cast %swap3A_249 : vector<16xi32> to vector<16xi32>
    %swap3A_251 = vector.shape_cast %min3A_247 : vector<16xi32> to vector<16xi32>
    tpu.vector_store %arg6[%swap3A_248], %swap3A_251 {strides = array<i32>} : memref<256xi32, #tpu.memory_space<vmem>>, vector<16xi32>,
    %iota3A_252 = tpu.iota {dimensions = array<i32: 0>} : vector<16xi32>
    %add3A_253 = arith.constant 208 : i32
    %add3A_254 = arith.addi %mul3A_2, %add3A_253 : i32
    %add3A_255 = vector.broadcast %add3A_254 : i32 to vector<16xi32>
    %add3A_256 = arith.addi %iota3A_252, %add3A_255 : vector<16xi32>
    %min3A_257 = vector.broadcast %min3A_8 : i32 to vector<16xi32>
    %min3A_258 = arith.minsi %add3A_256, %min3A_257 : vector<16xi32>
    %add3A_259 = vector.broadcast %squeeze3A_6 : i32 to vector<16xi32>
    %add3A_260 = arith.addi %min3A_258, %add3A_259 : vector<16xi32>
    %jit3A_261 = arith.constant 0 : i32
    %jit3A_262 = arith.constant 8191 : i32
    %max3A_263 = vector.broadcast %jit3A_261 : i32 to vector<16xi32>
    %max3A_264 = arith.maxsi %max3A_263, %add3A_260 : vector<16xi32>
    %min3A_265 = vector.broadcast %jit3A_262 : i32 to vector<16xi32>
    %min3A_266 = arith.minsi %min3A_265, %max3A_264 : vector<16xi32>
    %swap3A_267 = arith.constant 208 : index
    %swap3A_268 = tpu.vector_load %arg6[%swap3A_267] {strides = array<i32>} : memref<256xi32, #tpu.memory_space<vmem>>, vector<16xi32>,
    %swap3A_269 = vector.shape_cast %swap3A_268 : vector<16xi32> to vector<16xi32>
    %swap3A_270 = vector.shape_cast %min3A_266 : vector<16xi32> to vector<16xi32>
    tpu.vector_store %arg6[%swap3A_267], %swap3A_270 {strides = array<i32>} : memref<256xi32, #tpu.memory_space<vmem>>, vector<16xi32>,
    %iota3A_271 = tpu.iota {dimensions = array<i32: 0>} : vector<16xi32>
    %add3A_272 = arith.constant 224 : i32
    %add3A_273 = arith.addi %mul3A_2, %add3A_272 : i32
    %add3A_274 = vector.broadcast %add3A_273 : i32 to vector<16xi32>
    %add3A_275 = arith.addi %iota3A_271, %add3A_274 : vector<16xi32>
    %min3A_276 = vector.broadcast %min3A_8 : i32 to vector<16xi32>
    %min3A_277 = arith.minsi %add3A_275, %min3A_276 : vector<16xi32>
    %add3A_278 = vector.broadcast %squeeze3A_6 : i32 to vector<16xi32>
    %add3A_279 = arith.addi %min3A_277, %add3A_278 : vector<16xi32>
    %jit3A_280 = arith.constant 0 : i32
    %jit3A_281 = arith.constant 8191 : i32
    %max3A_282 = vector.broadcast %jit3A_280 : i32 to vector<16xi32>
    %max3A_283 = arith.maxsi %max3A_282, %add3A_279 : vector<16xi32>
    %min3A_284 = vector.broadcast %jit3A_281 : i32 to vector<16xi32>
    %min3A_285 = arith.minsi %min3A_284, %max3A_283 : vector<16xi32>
    %swap3A_286 = arith.constant 224 : index
    %swap3A_287 = tpu.vector_load %arg6[%swap3A_286] {strides = array<i32>} : memref<256xi32, #tpu.memory_space<vmem>>, vector<16xi32>,
    %swap3A_288 = vector.shape_cast %swap3A_287 : vector<16xi32> to vector<16xi32>
    %swap3A_289 = vector.shape_cast %min3A_285 : vector<16xi32> to vector<16xi32>
    tpu.vector_store %arg6[%swap3A_286], %swap3A_289 {strides = array<i32>} : memref<256xi32, #tpu.memory_space<vmem>>, vector<16xi32>,
    %iota3A_290 = tpu.iota {dimensions = array<i32: 0>} : vector<16xi32>
    %add3A_291 = arith.constant 240 : i32
    %add3A_292 = arith.addi %mul3A_2, %add3A_291 : i32
    %add3A_293 = vector.broadcast %add3A_292 : i32 to vector<16xi32>
    %add3A_294 = arith.addi %iota3A_290, %add3A_293 : vector<16xi32>
    %min3A_295 = vector.broadcast %min3A_8 : i32 to vector<16xi32>
    %min3A_296 = arith.minsi %add3A_294, %min3A_295 : vector<16xi32>
    %add3A_297 = vector.broadcast %squeeze3A_6 : i32 to vector<16xi32>
    %add3A_298 = arith.addi %min3A_296, %add3A_297 : vector<16xi32>
    %jit3A_299 = arith.constant 0 : i32
    %jit3A_300 = arith.constant 8191 : i32
    %max3A_301 = vector.broadcast %jit3A_299 : i32 to vector<16xi32>
    %max3A_302 = arith.maxsi %max3A_301, %add3A_298 : vector<16xi32>
    %min3A_303 = vector.broadcast %jit3A_300 : i32 to vector<16xi32>
    %min3A_304 = arith.minsi %min3A_303, %max3A_302 : vector<16xi32>
    %swap3A_305 = arith.constant 240 : index
    %swap3A_306 = tpu.vector_load %arg6[%swap3A_305] {strides = array<i32>} : memref<256xi32, #tpu.memory_space<vmem>>, vector<16xi32>,
    %swap3A_307 = vector.shape_cast %swap3A_306 : vector<16xi32> to vector<16xi32>
    %swap3A_308 = vector.shape_cast %min3A_304 : vector<16xi32> to vector<16xi32>
    tpu.vector_store %arg6[%swap3A_305], %swap3A_308 {strides = array<i32>} : memref<256xi32, #tpu.memory_space<vmem>>, vector<16xi32>,
    %min3A_309 = arith.minsi %mul3A_2, %min3A_8 : i32
    %add3A_310 = arith.addi %min3A_309, %squeeze3A_6 : i32
    %jit3A_311 = arith.constant 0 : i32
    %jit3A_312 = arith.constant 8191 : i32
    %max3A_313 = arith.maxsi %jit3A_311, %add3A_310 : i32
    %min3A_314 = arith.minsi %jit3A_312, %max3A_313 : i32
    %add3A_315 = arith.constant 256 : i32
    %add3A_316 = arith.addi %mul3A_2, %add3A_315 : i32
    %sub3A_317 = arith.constant 1 : i32
    %sub3A_318 = arith.subi %add3A_316, %sub3A_317 : i32
    %min3A_319 = arith.minsi %sub3A_318, %min3A_8 : i32
    %add3A_320 = arith.addi %min3A_319, %squeeze3A_6 : i32
    %jit3A_321 = arith.constant 0 : i32
    %jit3A_322 = arith.constant 8191 : i32
    %max3A_323 = arith.maxsi %jit3A_321, %add3A_320 : i32
    %min3A_324 = arith.minsi %jit3A_322, %max3A_323 : i32
    %sub3A_325 = arith.subi %min3A_324, %min3A_314 : i32
    %eq3A = arith.constant 255 : i32
    %eq3A_326 = arith.cmpi eq, %sub3A_325, %eq3A : i32
    %jit3A_327 = arith.constant 8 : i32
    %eq3A_328 = arith.constant 0 : i32
    %eq3A_329 = arith.cmpi eq, %jit3A_327, %eq3A_328 : i32
    %jit3A_330 = arith.constant 1 : i32
    %select_n3A = arith.select %eq3A_329, %jit3A_330, %jit3A_327 : i32
    %rem3A = arith.remsi %min3A_314, %select_n3A : i32
    %ne3A = arith.constant 0 : i32
    %ne3A_331 = arith.cmpi ne, %rem3A, %ne3A : i32
    %lt3A = arith.constant 0 : i32
    %lt3A_332 = arith.cmpi slt, %rem3A, %lt3A : i32
    %lt3A_333 = arith.constant 0 : i32
    %lt3A_334 = arith.cmpi slt, %select_n3A, %lt3A_333 : i32
    %ne3A_335 = arith.xori %lt3A_332, %lt3A_334 : i1
    %and3A = arith.andi %ne3A_335, %ne3A_331 : i1
    %add3A_336 = arith.addi %rem3A, %select_n3A : i32
    %select_n3A_337 = arith.select %and3A, %add3A_336, %rem3A : i32
    %eq3A_338 = arith.constant 0 : i32
    %eq3A_339 = arith.cmpi eq, %select_n3A_337, %eq3A_338 : i32
    %and3A_340 = arith.andi %eq3A_326, %eq3A_339 : i1
    %convert_element_type3A = arith.extui %and3A_340 : i1 to i32
    %cond3A = arith.constant 0 : i32
    %cond3A_341 = arith.cmpi ne, %convert_element_type3A, %cond3A : i32
    scf.if %cond3A_341 {
      %multiple_of3A = tpu.assume_multiple %min3A_314, 8 : i32
      %add3A_346 = arith.constant 0 : i32
      %add3A_347 = arith.addi %multiple_of3A, %add3A_346 : i32
      %dma_start3A = arith.constant 0 : i32
      %dma_start3A_348 = arith.constant 0 : i32
      %dma_start3A_349 = arith.constant 0 : i32
      %dma_start3A_350 = tpu.memref_slice %arg7[%dma_start3A, %dma_start3A_348, %dma_start3A_349] : memref<7x16x1024xf32, #tpu.memory_space<vmem>> -> memref<1x16x1024xf32, #tpu.memory_space<vmem>>
      %dma_start3A_351 = tpu.memref_squeeze %dma_start3A_350 : memref<1x16x1024xf32, #tpu.memory_space<vmem>> -> memref<16x1024xf32, #tpu.memory_space<vmem>>
      %dma_start3A_352 = arith.constant 0 : i32
      %dma_start3A_353 = tpu.memref_slice %arg3[%add3A_347, %dma_start3A_352] : memref<8192x1024xf32, #tpu.memory_space<hbm>> -> memref<16x1024xf32, #tpu.memory_space<hbm>>
      %dma_start3A_354 = arith.constant 0 : i32
      %dma_start3A_355 = arith.constant 0 : i32
      %dma_start3A_356 = tpu.memref_slice %arg7[%dma_start3A, %dma_start3A_354, %dma_start3A_355] : memref<7x16x1024xf32, #tpu.memory_space<vmem>> -> memref<1x16x1024xf32, #tpu.memory_space<vmem>>
      %dma_start3A_357 = tpu.memref_squeeze %dma_start3A_356 : memref<1x16x1024xf32, #tpu.memory_space<vmem>> -> memref<16x1024xf32, #tpu.memory_space<vmem>>
      %dma_start3A_358 = arith.constant 0 : i32
      %dma_start3A_359 = tpu.memref_slice %arg3[%add3A_347, %dma_start3A_358] : memref<8192x1024xf32, #tpu.memory_space<hbm>> -> memref<16x1024xf32, #tpu.memory_space<hbm>>
      tpu.enqueue_dma source(%dma_start3A_359 : memref<16x1024xf32, #tpu.memory_space<hbm>>) target(%dma_start3A_357 : memref<16x1024xf32, #tpu.memory_space<vmem>>) target_semaphore(%arg8 : memref<!tpu.dma_semaphore, #tpu.memory_space<semaphore_mem>>)
      %add3A_360 = arith.constant 16 : i32
      %add3A_361 = arith.addi %multiple_of3A, %add3A_360 : i32
      %dma_start3A_362 = arith.constant 1 : i32
      %dma_start3A_363 = arith.constant 0 : i32
      %dma_start3A_364 = arith.constant 0 : i32
      %dma_start3A_365 = tpu.memref_slice %arg7[%dma_start3A_362, %dma_start3A_363, %dma_start3A_364] : memref<7x16x1024xf32, #tpu.memory_space<vmem>> -> memref<1x16x1024xf32, #tpu.memory_space<vmem>>
      %dma_start3A_366 = tpu.memref_squeeze %dma_start3A_365 : memref<1x16x1024xf32, #tpu.memory_space<vmem>> -> memref<16x1024xf32, #tpu.memory_space<vmem>>
      %dma_start3A_367 = arith.constant 0 : i32
      %dma_start3A_368 = tpu.memref_slice %arg3[%add3A_361, %dma_start3A_367] : memref<8192x1024xf32, #tpu.memory_space<hbm>> -> memref<16x1024xf32, #tpu.memory_space<hbm>>
      %dma_start3A_369 = arith.constant 0 : i32
      %dma_start3A_370 = arith.constant 0 : i32
      %dma_start3A_371 = tpu.memref_slice %arg7[%dma_start3A_362, %dma_start3A_369, %dma_start3A_370] : memref<7x16x1024xf32, #tpu.memory_space<vmem>> -> memref<1x16x1024xf32, #tpu.memory_space<vmem>>
      %dma_start3A_372 = tpu.memref_squeeze %dma_start3A_371 : memref<1x16x1024xf32, #tpu.memory_space<vmem>> -> memref<16x1024xf32, #tpu.memory_space<vmem>>
      %dma_start3A_373 = arith.constant 0 : i32
      %dma_start3A_374 = tpu.memref_slice %arg3[%add3A_361, %dma_start3A_373] : memref<8192x1024xf32, #tpu.memory_space<hbm>> -> memref<16x1024xf32, #tpu.memory_space<hbm>>
      tpu.enqueue_dma source(%dma_start3A_374 : memref<16x1024xf32, #tpu.memory_space<hbm>>) target(%dma_start3A_372 : memref<16x1024xf32, #tpu.memory_space<vmem>>) target_semaphore(%arg9 : memref<!tpu.dma_semaphore, #tpu.memory_space<semaphore_mem>>)
      %add3A_375 = arith.constant 32 : i32
      %add3A_376 = arith.addi %multiple_of3A, %add3A_375 : i32
      %dma_start3A_377 = arith.constant 2 : i32
      %dma_start3A_378 = arith.constant 0 : i32
      %dma_start3A_379 = arith.constant 0 : i32
      %dma_start3A_380 = tpu.memref_slice %arg7[%dma_start3A_377, %dma_start3A_378, %dma_start3A_379] : memref<7x16x1024xf32, #tpu.memory_space<vmem>> -> memref<1x16x1024xf32, #tpu.memory_space<vmem>>
      %dma_start3A_381 = tpu.memref_squeeze %dma_start3A_380 : memref<1x16x1024xf32, #tpu.memory_space<vmem>> -> memref<16x1024xf32, #tpu.memory_space<vmem>>
      %dma_start3A_382 = arith.constant 0 : i32
      %dma_start3A_383 = tpu.memref_slice %arg3[%add3A_376, %dma_start3A_382] : memref<8192x1024xf32, #tpu.memory_space<hbm>> -> memref<16x1024xf32, #tpu.memory_space<hbm>>
      %dma_start3A_384 = arith.constant 0 : i32
      %dma_start3A_385 = arith.constant 0 : i32
      %dma_start3A_386 = tpu.memref_slice %arg7[%dma_start3A_377, %dma_start3A_384, %dma_start3A_385] : memref<7x16x1024xf32, #tpu.memory_space<vmem>> -> memref<1x16x1024xf32, #tpu.memory_space<vmem>>
      %dma_start3A_387 = tpu.memref_squeeze %dma_start3A_386 : memref<1x16x1024xf32, #tpu.memory_space<vmem>> -> memref<16x1024xf32, #tpu.memory_space<vmem>>
      %dma_start3A_388 = arith.constant 0 : i32
      %dma_start3A_389 = tpu.memref_slice %arg3[%add3A_376, %dma_start3A_388] : memref<8192x1024xf32, #tpu.memory_space<hbm>> -> memref<16x1024xf32, #tpu.memory_space<hbm>>
      tpu.enqueue_dma source(%dma_start3A_389 : memref<16x1024xf32, #tpu.memory_space<hbm>>) target(%dma_start3A_387 : memref<16x1024xf32, #tpu.memory_space<vmem>>) target_semaphore(%arg10 : memref<!tpu.dma_semaphore, #tpu.memory_space<semaphore_mem>>)
      %add3A_390 = arith.constant 48 : i32
      %add3A_391 = arith.addi %multiple_of3A, %add3A_390 : i32
      %dma_start3A_392 = arith.constant 3 : i32
      %dma_start3A_393 = arith.constant 0 : i32
      %dma_start3A_394 = arith.constant 0 : i32
      %dma_start3A_395 = tpu.memref_slice %arg7[%dma_start3A_392, %dma_start3A_393, %dma_start3A_394] : memref<7x16x1024xf32, #tpu.memory_space<vmem>> -> memref<1x16x1024xf32, #tpu.memory_space<vmem>>
      %dma_start3A_396 = tpu.memref_squeeze %dma_start3A_395 : memref<1x16x1024xf32, #tpu.memory_space<vmem>> -> memref<16x1024xf32, #tpu.memory_space<vmem>>
      %dma_start3A_397 = arith.constant 0 : i32
      %dma_start3A_398 = tpu.memref_slice %arg3[%add3A_391, %dma_start3A_397] : memref<8192x1024xf32, #tpu.memory_space<hbm>> -> memref<16x1024xf32, #tpu.memory_space<hbm>>
      %dma_start3A_399 = arith.constant 0 : i32
      %dma_start3A_400 = arith.constant 0 : i32
      %dma_start3A_401 = tpu.memref_slice %arg7[%dma_start3A_392, %dma_start3A_399, %dma_start3A_400] : memref<7x16x1024xf32, #tpu.memory_space<vmem>> -> memref<1x16x1024xf32, #tpu.memory_space<vmem>>
      %dma_start3A_402 = tpu.memref_squeeze %dma_start3A_401 : memref<1x16x1024xf32, #tpu.memory_space<vmem>> -> memref<16x1024xf32, #tpu.memory_space<vmem>>
      %dma_start3A_403 = arith.constant 0 : i32
      %dma_start3A_404 = tpu.memref_slice %arg3[%add3A_391, %dma_start3A_403] : memref<8192x1024xf32, #tpu.memory_space<hbm>> -> memref<16x1024xf32, #tpu.memory_space<hbm>>
      tpu.enqueue_dma source(%dma_start3A_404 : memref<16x1024xf32, #tpu.memory_space<hbm>>) target(%dma_start3A_402 : memref<16x1024xf32, #tpu.memory_space<vmem>>) target_semaphore(%arg11 : memref<!tpu.dma_semaphore, #tpu.memory_space<semaphore_mem>>)
      %add3A_405 = arith.constant 64 : i32
      %add3A_406 = arith.addi %multiple_of3A, %add3A_405 : i32
      %dma_start3A_407 = arith.constant 4 : i32
      %dma_start3A_408 = arith.constant 0 : i32
      %dma_start3A_409 = arith.constant 0 : i32
      %dma_start3A_410 = tpu.memref_slice %arg7[%dma_start3A_407, %dma_start3A_408, %dma_start3A_409] : memref<7x16x1024xf32, #tpu.memory_space<vmem>> -> memref<1x16x1024xf32, #tpu.memory_space<vmem>>
      %dma_start3A_411 = tpu.memref_squeeze %dma_start3A_410 : memref<1x16x1024xf32, #tpu.memory_space<vmem>> -> memref<16x1024xf32, #tpu.memory_space<vmem>>
      %dma_start3A_412 = arith.constant 0 : i32
      %dma_start3A_413 = tpu.memref_slice %arg3[%add3A_406, %dma_start3A_412] : memref<8192x1024xf32, #tpu.memory_space<hbm>> -> memref<16x1024xf32, #tpu.memory_space<hbm>>
      %dma_start3A_414 = arith.constant 0 : i32
      %dma_start3A_415 = arith.constant 0 : i32
      %dma_start3A_416 = tpu.memref_slice %arg7[%dma_start3A_407, %dma_start3A_414, %dma_start3A_415] : memref<7x16x1024xf32, #tpu.memory_space<vmem>> -> memref<1x16x1024xf32, #tpu.memory_space<vmem>>
      %dma_start3A_417 = tpu.memref_squeeze %dma_start3A_416 : memref<1x16x1024xf32, #tpu.memory_space<vmem>> -> memref<16x1024xf32, #tpu.memory_space<vmem>>
      %dma_start3A_418 = arith.constant 0 : i32
      %dma_start3A_419 = tpu.memref_slice %arg3[%add3A_406, %dma_start3A_418] : memref<8192x1024xf32, #tpu.memory_space<hbm>> -> memref<16x1024xf32, #tpu.memory_space<hbm>>
      tpu.enqueue_dma source(%dma_start3A_419 : memref<16x1024xf32, #tpu.memory_space<hbm>>) target(%dma_start3A_417 : memref<16x1024xf32, #tpu.memory_space<vmem>>) target_semaphore(%arg12 : memref<!tpu.dma_semaphore, #tpu.memory_space<semaphore_mem>>)
      %add3A_420 = arith.constant 80 : i32
      %add3A_421 = arith.addi %multiple_of3A, %add3A_420 : i32
      %dma_start3A_422 = arith.constant 5 : i32
      %dma_start3A_423 = arith.constant 0 : i32
      %dma_start3A_424 = arith.constant 0 : i32
      %dma_start3A_425 = tpu.memref_slice %arg7[%dma_start3A_422, %dma_start3A_423, %dma_start3A_424] : memref<7x16x1024xf32, #tpu.memory_space<vmem>> -> memref<1x16x1024xf32, #tpu.memory_space<vmem>>
      %dma_start3A_426 = tpu.memref_squeeze %dma_start3A_425 : memref<1x16x1024xf32, #tpu.memory_space<vmem>> -> memref<16x1024xf32, #tpu.memory_space<vmem>>
      %dma_start3A_427 = arith.constant 0 : i32
      %dma_start3A_428 = tpu.memref_slice %arg3[%add3A_421, %dma_start3A_427] : memref<8192x1024xf32, #tpu.memory_space<hbm>> -> memref<16x1024xf32, #tpu.memory_space<hbm>>
      %dma_start3A_429 = arith.constant 0 : i32
      %dma_start3A_430 = arith.constant 0 : i32
      %dma_start3A_431 = tpu.memref_slice %arg7[%dma_start3A_422, %dma_start3A_429, %dma_start3A_430] : memref<7x16x1024xf32, #tpu.memory_space<vmem>> -> memref<1x16x1024xf32, #tpu.memory_space<vmem>>
      %dma_start3A_432 = tpu.memref_squeeze %dma_start3A_431 : memref<1x16x1024xf32, #tpu.memory_space<vmem>> -> memref<16x1024xf32, #tpu.memory_space<vmem>>
      %dma_start3A_433 = arith.constant 0 : i32
      %dma_start3A_434 = tpu.memref_slice %arg3[%add3A_421, %dma_start3A_433] : memref<8192x1024xf32, #tpu.memory_space<hbm>> -> memref<16x1024xf32, #tpu.memory_space<hbm>>
      tpu.enqueue_dma source(%dma_start3A_434 : memref<16x1024xf32, #tpu.memory_space<hbm>>) target(%dma_start3A_432 : memref<16x1024xf32, #tpu.memory_space<vmem>>) target_semaphore(%arg13 : memref<!tpu.dma_semaphore, #tpu.memory_space<semaphore_mem>>)
      %add3A_435 = arith.constant 96 : i32
      %add3A_436 = arith.addi %multiple_of3A, %add3A_435 : i32
      %dma_start3A_437 = arith.constant 6 : i32
      %dma_start3A_438 = arith.constant 0 : i32
      %dma_start3A_439 = arith.constant 0 : i32
      %dma_start3A_440 = tpu.memref_slice %arg7[%dma_start3A_437, %dma_start3A_438, %dma_start3A_439] : memref<7x16x1024xf32, #tpu.memory_space<vmem>> -> memref<1x16x1024xf32, #tpu.memory_space<vmem>>
      %dma_start3A_441 = tpu.memref_squeeze %dma_start3A_440 : memref<1x16x1024xf32, #tpu.memory_space<vmem>> -> memref<16x1024xf32, #tpu.memory_space<vmem>>
      %dma_start3A_442 = arith.constant 0 : i32
      %dma_start3A_443 = tpu.memref_slice %arg3[%add3A_436, %dma_start3A_442] : memref<8192x1024xf32, #tpu.memory_space<hbm>> -> memref<16x1024xf32, #tpu.memory_space<hbm>>
      %dma_start3A_444 = arith.constant 0 : i32
      %dma_start3A_445 = arith.constant 0 : i32
      %dma_start3A_446 = tpu.memref_slice %arg7[%dma_start3A_437, %dma_start3A_444, %dma_start3A_445] : memref<7x16x1024xf32, #tpu.memory_space<vmem>> -> memref<1x16x1024xf32, #tpu.memory_space<vmem>>
      %dma_start3A_447 = tpu.memref_squeeze %dma_start3A_446 : memref<1x16x1024xf32, #tpu.memory_space<vmem>> -> memref<16x1024xf32, #tpu.memory_space<vmem>>
      %dma_start3A_448 = arith.constant 0 : i32
      %dma_start3A_449 = tpu.memref_slice %arg3[%add3A_436, %dma_start3A_448] : memref<8192x1024xf32, #tpu.memory_space<hbm>> -> memref<16x1024xf32, #tpu.memory_space<hbm>>
      tpu.enqueue_dma source(%dma_start3A_449 : memref<16x1024xf32, #tpu.memory_space<hbm>>) target(%dma_start3A_447 : memref<16x1024xf32, #tpu.memory_space<vmem>>) target_semaphore(%arg14 : memref<!tpu.dma_semaphore, #tpu.memory_space<semaphore_mem>>)
      %dma_wait3A = arith.constant 0 : i32
      %dma_wait3A_450 = arith.constant 0 : i32
      %dma_wait3A_451 = arith.constant 0 : i32
      %dma_wait3A_452 = tpu.memref_slice %arg7[%dma_wait3A, %dma_wait3A_450, %dma_wait3A_451] : memref<7x16x1024xf32, #tpu.memory_space<vmem>> -> memref<1x16x1024xf32, #tpu.memory_space<vmem>>
      %dma_wait3A_453 = tpu.memref_squeeze %dma_wait3A_452 : memref<1x16x1024xf32, #tpu.memory_space<vmem>> -> memref<16x1024xf32, #tpu.memory_space<vmem>>
      %dma_wait3A_454 = arith.constant 0 : i32
      %dma_wait3A_455 = tpu.memref_slice %arg3[%add3A_347, %dma_wait3A_454] : memref<8192x1024xf32, #tpu.memory_space<hbm>> -> memref<16x1024xf32, #tpu.memory_space<hbm>>
      %dma_wait3A_456 = arith.constant 0 : i32
      %dma_wait3A_457 = arith.constant 0 : i32
      %dma_wait3A_458 = tpu.memref_slice %arg7[%dma_wait3A, %dma_wait3A_456, %dma_wait3A_457] : memref<7x16x1024xf32, #tpu.memory_space<vmem>> -> memref<1x16x1024xf32, #tpu.memory_space<vmem>>
      %dma_wait3A_459 = tpu.memref_squeeze %dma_wait3A_458 : memref<1x16x1024xf32, #tpu.memory_space<vmem>> -> memref<16x1024xf32, #tpu.memory_space<vmem>>
      %dma_wait3A_460 = arith.constant 0 : i32
      %dma_wait3A_461 = tpu.memref_slice %arg3[%add3A_347, %dma_wait3A_460] : memref<8192x1024xf32, #tpu.memory_space<hbm>> -> memref<16x1024xf32, #tpu.memory_space<hbm>>
      tpu.wait_dma2 semaphore(%arg8 : memref<!tpu.dma_semaphore, #tpu.memory_space<semaphore_mem>>) src(%dma_wait3A_461 : memref<16x1024xf32, #tpu.memory_space<hbm>>) dst(%dma_wait3A_459 : memref<16x1024xf32, #tpu.memory_space<vmem>>)
      %add3A_462 = arith.constant 0 : i32
      %add3A_463 = arith.addi %mul3A_2, %add3A_462 : i32
      %dma_start3A_464 = arith.constant 0 : i32
      %dma_start3A_465 = arith.constant 0 : i32
      %dma_start3A_466 = arith.constant 0 : i32
      %dma_start3A_467 = tpu.memref_slice %arg7[%dma_start3A_464, %dma_start3A_465, %dma_start3A_466] : memref<7x16x1024xf32, #tpu.memory_space<vmem>> -> memref<1x16x1024xf32, #tpu.memory_space<vmem>>
      %dma_start3A_468 = tpu.memref_squeeze %dma_start3A_467 : memref<1x16x1024xf32, #tpu.memory_space<vmem>> -> memref<16x1024xf32, #tpu.memory_space<vmem>>
      %dma_start3A_469 = arith.constant 0 : i32
      %dma_start3A_470 = tpu.memref_slice %arg4[%add3A_463, %dma_start3A_469] : memref<8192x1024xf32, #tpu.memory_space<hbm>> -> memref<16x1024xf32, #tpu.memory_space<hbm>>
      %dma_start3A_471 = arith.constant 0 : i32
      %dma_start3A_472 = tpu.memref_slice %arg4[%add3A_463, %dma_start3A_471] : memref<8192x1024xf32, #tpu.memory_space<hbm>> -> memref<16x1024xf32, #tpu.memory_space<hbm>>
      %dma_start3A_473 = arith.constant 0 : i32
      %dma_start3A_474 = arith.constant 0 : i32
      %dma_start3A_475 = tpu.memref_slice %arg7[%dma_start3A_464, %dma_start3A_473, %dma_start3A_474] : memref<7x16x1024xf32, #tpu.memory_space<vmem>> -> memref<1x16x1024xf32, #tpu.memory_space<vmem>>
      %dma_start3A_476 = tpu.memref_squeeze %dma_start3A_475 : memref<1x16x1024xf32, #tpu.memory_space<vmem>> -> memref<16x1024xf32, #tpu.memory_space<vmem>>
      tpu.enqueue_dma source(%dma_start3A_476 : memref<16x1024xf32, #tpu.memory_space<vmem>>) target(%dma_start3A_472 : memref<16x1024xf32, #tpu.memory_space<hbm>>) target_semaphore(%arg15 : memref<!tpu.dma_semaphore, #tpu.memory_space<semaphore_mem>>)
      %dma_wait3A_477 = arith.constant 0 : i32
      %dma_wait3A_478 = arith.constant 0 : i32
      %dma_wait3A_479 = arith.constant 0 : i32
      %dma_wait3A_480 = tpu.memref_slice %arg7[%dma_wait3A_477, %dma_wait3A_478, %dma_wait3A_479] : memref<7x16x1024xf32, #tpu.memory_space<vmem>> -> memref<1x16x1024xf32, #tpu.memory_space<vmem>>
      %dma_wait3A_481 = tpu.memref_squeeze %dma_wait3A_480 : memref<1x16x1024xf32, #tpu.memory_space<vmem>> -> memref<16x1024xf32, #tpu.memory_space<vmem>>
      %dma_wait3A_482 = arith.constant 0 : i32
      %dma_wait3A_483 = tpu.memref_slice %arg4[%add3A_463, %dma_wait3A_482] : memref<8192x1024xf32, #tpu.memory_space<hbm>> -> memref<16x1024xf32, #tpu.memory_space<hbm>>
      %dma_wait3A_484 = arith.constant 0 : i32
      %dma_wait3A_485 = tpu.memref_slice %arg4[%add3A_463, %dma_wait3A_484] : memref<8192x1024xf32, #tpu.memory_space<hbm>> -> memref<16x1024xf32, #tpu.memory_space<hbm>>
      %dma_wait3A_486 = arith.constant 0 : i32
      %dma_wait3A_487 = arith.constant 0 : i32
      %dma_wait3A_488 = tpu.memref_slice %arg7[%dma_wait3A_477, %dma_wait3A_486, %dma_wait3A_487] : memref<7x16x1024xf32, #tpu.memory_space<vmem>> -> memref<1x16x1024xf32, #tpu.memory_space<vmem>>
      %dma_wait3A_489 = tpu.memref_squeeze %dma_wait3A_488 : memref<1x16x1024xf32, #tpu.memory_space<vmem>> -> memref<16x1024xf32, #tpu.memory_space<vmem>>
      tpu.wait_dma2 semaphore(%arg15 : memref<!tpu.dma_semaphore, #tpu.memory_space<semaphore_mem>>) src(%dma_wait3A_489 : memref<16x1024xf32, #tpu.memory_space<vmem>>) dst(%dma_wait3A_485 : memref<16x1024xf32, #tpu.memory_space<hbm>>)
      %add3A_490 = arith.constant 112 : i32
      %add3A_491 = arith.addi %multiple_of3A, %add3A_490 : i32
      %dma_start3A_492 = arith.constant 0 : i32
      %dma_start3A_493 = arith.constant 0 : i32
      %dma_start3A_494 = arith.constant 0 : i32
      %dma_start3A_495 = tpu.memref_slice %arg7[%dma_start3A_492, %dma_start3A_493, %dma_start3A_494] : memref<7x16x1024xf32, #tpu.memory_space<vmem>> -> memref<1x16x1024xf32, #tpu.memory_space<vmem>>
      %dma_start3A_496 = tpu.memref_squeeze %dma_start3A_495 : memref<1x16x1024xf32, #tpu.memory_space<vmem>> -> memref<16x1024xf32, #tpu.memory_space<vmem>>
      %dma_start3A_497 = arith.constant 0 : i32
      %dma_start3A_498 = tpu.memref_slice %arg3[%add3A_491, %dma_start3A_497] : memref<8192x1024xf32, #tpu.memory_space<hbm>> -> memref<16x1024xf32, #tpu.memory_space<hbm>>
      %dma_start3A_499 = arith.constant 0 : i32
      %dma_start3A_500 = arith.constant 0 : i32
      %dma_start3A_501 = tpu.memref_slice %arg7[%dma_start3A_492, %dma_start3A_499, %dma_start3A_500] : memref<7x16x1024xf32, #tpu.memory_space<vmem>> -> memref<1x16x1024xf32, #tpu.memory_space<vmem>>
      %dma_start3A_502 = tpu.memref_squeeze %dma_start3A_501 : memref<1x16x1024xf32, #tpu.memory_space<vmem>> -> memref<16x1024xf32, #tpu.memory_space<vmem>>
      %dma_start3A_503 = arith.constant 0 : i32
      %dma_start3A_504 = tpu.memref_slice %arg3[%add3A_491, %dma_start3A_503] : memref<8192x1024xf32, #tpu.memory_space<hbm>> -> memref<16x1024xf32, #tpu.memory_space<hbm>>
      tpu.enqueue_dma source(%dma_start3A_504 : memref<16x1024xf32, #tpu.memory_space<hbm>>) target(%dma_start3A_502 : memref<16x1024xf32, #tpu.memory_space<vmem>>) target_semaphore(%arg8 : memref<!tpu.dma_semaphore, #tpu.memory_space<semaphore_mem>>)
      %dma_wait3A_505 = arith.constant 1 : i32
      %dma_wait3A_506 = arith.constant 0 : i32
      %dma_wait3A_507 = arith.constant 0 : i32
      %dma_wait3A_508 = tpu.memref_slice %arg7[%dma_wait3A_505, %dma_wait3A_506, %dma_wait3A_507] : memref<7x16x1024xf32, #tpu.memory_space<vmem>> -> memref<1x16x1024xf32, #tpu.memory_space<vmem>>
      %dma_wait3A_509 = tpu.memref_squeeze %dma_wait3A_508 : memref<1x16x1024xf32, #tpu.memory_space<vmem>> -> memref<16x1024xf32, #tpu.memory_space<vmem>>
      %dma_wait3A_510 = arith.constant 0 : i32
      %dma_wait3A_511 = tpu.memref_slice %arg3[%add3A_361, %dma_wait3A_510] : memref<8192x1024xf32, #tpu.memory_space<hbm>> -> memref<16x1024xf32, #tpu.memory_space<hbm>>
      %dma_wait3A_512 = arith.constant 0 : i32
      %dma_wait3A_513 = arith.constant 0 : i32
      %dma_wait3A_514 = tpu.memref_slice %arg7[%dma_wait3A_505, %dma_wait3A_512, %dma_wait3A_513] : memref<7x16x1024xf32, #tpu.memory_space<vmem>> -> memref<1x16x1024xf32, #tpu.memory_space<vmem>>
      %dma_wait3A_515 = tpu.memref_squeeze %dma_wait3A_514 : memref<1x16x1024xf32, #tpu.memory_space<vmem>> -> memref<16x1024xf32, #tpu.memory_space<vmem>>
      %dma_wait3A_516 = arith.constant 0 : i32
      %dma_wait3A_517 = tpu.memref_slice %arg3[%add3A_361, %dma_wait3A_516] : memref<8192x1024xf32, #tpu.memory_space<hbm>> -> memref<16x1024xf32, #tpu.memory_space<hbm>>
      tpu.wait_dma2 semaphore(%arg9 : memref<!tpu.dma_semaphore, #tpu.memory_space<semaphore_mem>>) src(%dma_wait3A_517 : memref<16x1024xf32, #tpu.memory_space<hbm>>) dst(%dma_wait3A_515 : memref<16x1024xf32, #tpu.memory_space<vmem>>)
      %add3A_518 = arith.constant 16 : i32
      %add3A_519 = arith.addi %mul3A_2, %add3A_518 : i32
      %dma_start3A_520 = arith.constant 1 : i32
      %dma_start3A_521 = arith.constant 0 : i32
      %dma_start3A_522 = arith.constant 0 : i32
      %dma_start3A_523 = tpu.memref_slice %arg7[%dma_start3A_520, %dma_start3A_521, %dma_start3A_522] : memref<7x16x1024xf32, #tpu.memory_space<vmem>> -> memref<1x16x1024xf32, #tpu.memory_space<vmem>>
      %dma_start3A_524 = tpu.memref_squeeze %dma_start3A_523 : memref<1x16x1024xf32, #tpu.memory_space<vmem>> -> memref<16x1024xf32, #tpu.memory_space<vmem>>
      %dma_start3A_525 = arith.constant 0 : i32
      %dma_start3A_526 = tpu.memref_slice %arg4[%add3A_519, %dma_start3A_525] : memref<8192x1024xf32, #tpu.memory_space<hbm>> -> memref<16x1024xf32, #tpu.memory_space<hbm>>
      %dma_start3A_527 = arith.constant 0 : i32
      %dma_start3A_528 = tpu.memref_slice %arg4[%add3A_519, %dma_start3A_527] : memref<8192x1024xf32, #tpu.memory_space<hbm>> -> memref<16x1024xf32, #tpu.memory_space<hbm>>
      %dma_start3A_529 = arith.constant 0 : i32
      %dma_start3A_530 = arith.constant 0 : i32
      %dma_start3A_531 = tpu.memref_slice %arg7[%dma_start3A_520, %dma_start3A_529, %dma_start3A_530] : memref<7x16x1024xf32, #tpu.memory_space<vmem>> -> memref<1x16x1024xf32, #tpu.memory_space<vmem>>
      %dma_start3A_532 = tpu.memref_squeeze %dma_start3A_531 : memref<1x16x1024xf32, #tpu.memory_space<vmem>> -> memref<16x1024xf32, #tpu.memory_space<vmem>>
      tpu.enqueue_dma source(%dma_start3A_532 : memref<16x1024xf32, #tpu.memory_space<vmem>>) target(%dma_start3A_528 : memref<16x1024xf32, #tpu.memory_space<hbm>>) target_semaphore(%arg16 : memref<!tpu.dma_semaphore, #tpu.memory_space<semaphore_mem>>)
      %dma_wait3A_533 = arith.constant 1 : i32
      %dma_wait3A_534 = arith.constant 0 : i32
      %dma_wait3A_535 = arith.constant 0 : i32
      %dma_wait3A_536 = tpu.memref_slice %arg7[%dma_wait3A_533, %dma_wait3A_534, %dma_wait3A_535] : memref<7x16x1024xf32, #tpu.memory_space<vmem>> -> memref<1x16x1024xf32, #tpu.memory_space<vmem>>
      %dma_wait3A_537 = tpu.memref_squeeze %dma_wait3A_536 : memref<1x16x1024xf32, #tpu.memory_space<vmem>> -> memref<16x1024xf32, #tpu.memory_space<vmem>>
      %dma_wait3A_538 = arith.constant 0 : i32
      %dma_wait3A_539 = tpu.memref_slice %arg4[%add3A_519, %dma_wait3A_538] : memref<8192x1024xf32, #tpu.memory_space<hbm>> -> memref<16x1024xf32, #tpu.memory_space<hbm>>
      %dma_wait3A_540 = arith.constant 0 : i32
      %dma_wait3A_541 = tpu.memref_slice %arg4[%add3A_519, %dma_wait3A_540] : memref<8192x1024xf32, #tpu.memory_space<hbm>> -> memref<16x1024xf32, #tpu.memory_space<hbm>>
      %dma_wait3A_542 = arith.constant 0 : i32
      %dma_wait3A_543 = arith.constant 0 : i32
      %dma_wait3A_544 = tpu.memref_slice %arg7[%dma_wait3A_533, %dma_wait3A_542, %dma_wait3A_543] : memref<7x16x1024xf32, #tpu.memory_space<vmem>> -> memref<1x16x1024xf32, #tpu.memory_space<vmem>>
      %dma_wait3A_545 = tpu.memref_squeeze %dma_wait3A_544 : memref<1x16x1024xf32, #tpu.memory_space<vmem>> -> memref<16x1024xf32, #tpu.memory_space<vmem>>
      tpu.wait_dma2 semaphore(%arg16 : memref<!tpu.dma_semaphore, #tpu.memory_space<semaphore_mem>>) src(%dma_wait3A_545 : memref<16x1024xf32, #tpu.memory_space<vmem>>) dst(%dma_wait3A_541 : memref<16x1024xf32, #tpu.memory_space<hbm>>)
      %add3A_546 = arith.constant 128 : i32
      %add3A_547 = arith.addi %multiple_of3A, %add3A_546 : i32
      %dma_start3A_548 = arith.constant 1 : i32
      %dma_start3A_549 = arith.constant 0 : i32
      %dma_start3A_550 = arith.constant 0 : i32
      %dma_start3A_551 = tpu.memref_slice %arg7[%dma_start3A_548, %dma_start3A_549, %dma_start3A_550] : memref<7x16x1024xf32, #tpu.memory_space<vmem>> -> memref<1x16x1024xf32, #tpu.memory_space<vmem>>
      %dma_start3A_552 = tpu.memref_squeeze %dma_start3A_551 : memref<1x16x1024xf32, #tpu.memory_space<vmem>> -> memref<16x1024xf32, #tpu.memory_space<vmem>>
      %dma_start3A_553 = arith.constant 0 : i32
      %dma_start3A_554 = tpu.memref_slice %arg3[%add3A_547, %dma_start3A_553] : memref<8192x1024xf32, #tpu.memory_space<hbm>> -> memref<16x1024xf32, #tpu.memory_space<hbm>>
      %dma_start3A_555 = arith.constant 0 : i32
      %dma_start3A_556 = arith.constant 0 : i32
      %dma_start3A_557 = tpu.memref_slice %arg7[%dma_start3A_548, %dma_start3A_555, %dma_start3A_556] : memref<7x16x1024xf32, #tpu.memory_space<vmem>> -> memref<1x16x1024xf32, #tpu.memory_space<vmem>>
      %dma_start3A_558 = tpu.memref_squeeze %dma_start3A_557 : memref<1x16x1024xf32, #tpu.memory_space<vmem>> -> memref<16x1024xf32, #tpu.memory_space<vmem>>
      %dma_start3A_559 = arith.constant 0 : i32
      %dma_start3A_560 = tpu.memref_slice %arg3[%add3A_547, %dma_start3A_559] : memref<8192x1024xf32, #tpu.memory_space<hbm>> -> memref<16x1024xf32, #tpu.memory_space<hbm>>
      tpu.enqueue_dma source(%dma_start3A_560 : memref<16x1024xf32, #tpu.memory_space<hbm>>) target(%dma_start3A_558 : memref<16x1024xf32, #tpu.memory_space<vmem>>) target_semaphore(%arg9 : memref<!tpu.dma_semaphore, #tpu.memory_space<semaphore_mem>>)
      %dma_wait3A_561 = arith.constant 2 : i32
      %dma_wait3A_562 = arith.constant 0 : i32
      %dma_wait3A_563 = arith.constant 0 : i32
      %dma_wait3A_564 = tpu.memref_slice %arg7[%dma_wait3A_561, %dma_wait3A_562, %dma_wait3A_563] : memref<7x16x1024xf32, #tpu.memory_space<vmem>> -> memref<1x16x1024xf32, #tpu.memory_space<vmem>>
      %dma_wait3A_565 = tpu.memref_squeeze %dma_wait3A_564 : memref<1x16x1024xf32, #tpu.memory_space<vmem>> -> memref<16x1024xf32, #tpu.memory_space<vmem>>
      %dma_wait3A_566 = arith.constant 0 : i32
      %dma_wait3A_567 = tpu.memref_slice %arg3[%add3A_376, %dma_wait3A_566] : memref<8192x1024xf32, #tpu.memory_space<hbm>> -> memref<16x1024xf32, #tpu.memory_space<hbm>>
      %dma_wait3A_568 = arith.constant 0 : i32
      %dma_wait3A_569 = arith.constant 0 : i32
      %dma_wait3A_570 = tpu.memref_slice %arg7[%dma_wait3A_561, %dma_wait3A_568, %dma_wait3A_569] : memref<7x16x1024xf32, #tpu.memory_space<vmem>> -> memref<1x16x1024xf32, #tpu.memory_space<vmem>>
      %dma_wait3A_571 = tpu.memref_squeeze %dma_wait3A_570 : memref<1x16x1024xf32, #tpu.memory_space<vmem>> -> memref<16x1024xf32, #tpu.memory_space<vmem>>
      %dma_wait3A_572 = arith.constant 0 : i32
      %dma_wait3A_573 = tpu.memref_slice %arg3[%add3A_376, %dma_wait3A_572] : memref<8192x1024xf32, #tpu.memory_space<hbm>> -> memref<16x1024xf32, #tpu.memory_space<hbm>>
      tpu.wait_dma2 semaphore(%arg10 : memref<!tpu.dma_semaphore, #tpu.memory_space<semaphore_mem>>) src(%dma_wait3A_573 : memref<16x1024xf32, #tpu.memory_space<hbm>>) dst(%dma_wait3A_571 : memref<16x1024xf32, #tpu.memory_space<vmem>>)
      %add3A_574 = arith.constant 32 : i32
      %add3A_575 = arith.addi %mul3A_2, %add3A_574 : i32
      %dma_start3A_576 = arith.constant 2 : i32
      %dma_start3A_577 = arith.constant 0 : i32
      %dma_start3A_578 = arith.constant 0 : i32
      %dma_start3A_579 = tpu.memref_slice %arg7[%dma_start3A_576, %dma_start3A_577, %dma_start3A_578] : memref<7x16x1024xf32, #tpu.memory_space<vmem>> -> memref<1x16x1024xf32, #tpu.memory_space<vmem>>
      %dma_start3A_580 = tpu.memref_squeeze %dma_start3A_579 : memref<1x16x1024xf32, #tpu.memory_space<vmem>> -> memref<16x1024xf32, #tpu.memory_space<vmem>>
      %dma_start3A_581 = arith.constant 0 : i32
      %dma_start3A_582 = tpu.memref_slice %arg4[%add3A_575, %dma_start3A_581] : memref<8192x1024xf32, #tpu.memory_space<hbm>> -> memref<16x1024xf32, #tpu.memory_space<hbm>>
      %dma_start3A_583 = arith.constant 0 : i32
      %dma_start3A_584 = tpu.memref_slice %arg4[%add3A_575, %dma_start3A_583] : memref<8192x1024xf32, #tpu.memory_space<hbm>> -> memref<16x1024xf32, #tpu.memory_space<hbm>>
      %dma_start3A_585 = arith.constant 0 : i32
      %dma_start3A_586 = arith.constant 0 : i32
      %dma_start3A_587 = tpu.memref_slice %arg7[%dma_start3A_576, %dma_start3A_585, %dma_start3A_586] : memref<7x16x1024xf32, #tpu.memory_space<vmem>> -> memref<1x16x1024xf32, #tpu.memory_space<vmem>>
      %dma_start3A_588 = tpu.memref_squeeze %dma_start3A_587 : memref<1x16x1024xf32, #tpu.memory_space<vmem>> -> memref<16x1024xf32, #tpu.memory_space<vmem>>
      tpu.enqueue_dma source(%dma_start3A_588 : memref<16x1024xf32, #tpu.memory_space<vmem>>) target(%dma_start3A_584 : memref<16x1024xf32, #tpu.memory_space<hbm>>) target_semaphore(%arg17 : memref<!tpu.dma_semaphore, #tpu.memory_space<semaphore_mem>>)
      %dma_wait3A_589 = arith.constant 2 : i32
      %dma_wait3A_590 = arith.constant 0 : i32
      %dma_wait3A_591 = arith.constant 0 : i32
      %dma_wait3A_592 = tpu.memref_slice %arg7[%dma_wait3A_589, %dma_wait3A_590, %dma_wait3A_591] : memref<7x16x1024xf32, #tpu.memory_space<vmem>> -> memref<1x16x1024xf32, #tpu.memory_space<vmem>>
      %dma_wait3A_593 = tpu.memref_squeeze %dma_wait3A_592 : memref<1x16x1024xf32, #tpu.memory_space<vmem>> -> memref<16x1024xf32, #tpu.memory_space<vmem>>
      %dma_wait3A_594 = arith.constant 0 : i32
      %dma_wait3A_595 = tpu.memref_slice %arg4[%add3A_575, %dma_wait3A_594] : memref<8192x1024xf32, #tpu.memory_space<hbm>> -> memref<16x1024xf32, #tpu.memory_space<hbm>>
      %dma_wait3A_596 = arith.constant 0 : i32
      %dma_wait3A_597 = tpu.memref_slice %arg4[%add3A_575, %dma_wait3A_596] : memref<8192x1024xf32, #tpu.memory_space<hbm>> -> memref<16x1024xf32, #tpu.memory_space<hbm>>
      %dma_wait3A_598 = arith.constant 0 : i32
      %dma_wait3A_599 = arith.constant 0 : i32
      %dma_wait3A_600 = tpu.memref_slice %arg7[%dma_wait3A_589, %dma_wait3A_598, %dma_wait3A_599] : memref<7x16x1024xf32, #tpu.memory_space<vmem>> -> memref<1x16x1024xf32, #tpu.memory_space<vmem>>
      %dma_wait3A_601 = tpu.memref_squeeze %dma_wait3A_600 : memref<1x16x1024xf32, #tpu.memory_space<vmem>> -> memref<16x1024xf32, #tpu.memory_space<vmem>>
      tpu.wait_dma2 semaphore(%arg17 : memref<!tpu.dma_semaphore, #tpu.memory_space<semaphore_mem>>) src(%dma_wait3A_601 : memref<16x1024xf32, #tpu.memory_space<vmem>>) dst(%dma_wait3A_597 : memref<16x1024xf32, #tpu.memory_space<hbm>>)
      %add3A_602 = arith.constant 144 : i32
      %add3A_603 = arith.addi %multiple_of3A, %add3A_602 : i32
      %dma_start3A_604 = arith.constant 2 : i32
      %dma_start3A_605 = arith.constant 0 : i32
      %dma_start3A_606 = arith.constant 0 : i32
      %dma_start3A_607 = tpu.memref_slice %arg7[%dma_start3A_604, %dma_start3A_605, %dma_start3A_606] : memref<7x16x1024xf32, #tpu.memory_space<vmem>> -> memref<1x16x1024xf32, #tpu.memory_space<vmem>>
      %dma_start3A_608 = tpu.memref_squeeze %dma_start3A_607 : memref<1x16x1024xf32, #tpu.memory_space<vmem>> -> memref<16x1024xf32, #tpu.memory_space<vmem>>
      %dma_start3A_609 = arith.constant 0 : i32
      %dma_start3A_610 = tpu.memref_slice %arg3[%add3A_603, %dma_start3A_609] : memref<8192x1024xf32, #tpu.memory_space<hbm>> -> memref<16x1024xf32, #tpu.memory_space<hbm>>
      %dma_start3A_611 = arith.constant 0 : i32
      %dma_start3A_612 = arith.constant 0 : i32
      %dma_start3A_613 = tpu.memref_slice %arg7[%dma_start3A_604, %dma_start3A_611, %dma_start3A_612] : memref<7x16x1024xf32, #tpu.memory_space<vmem>> -> memref<1x16x1024xf32, #tpu.memory_space<vmem>>
      %dma_start3A_614 = tpu.memref_squeeze %dma_start3A_613 : memref<1x16x1024xf32, #tpu.memory_space<vmem>> -> memref<16x1024xf32, #tpu.memory_space<vmem>>
      %dma_start3A_615 = arith.constant 0 : i32
      %dma_start3A_616 = tpu.memref_slice %arg3[%add3A_603, %dma_start3A_615] : memref<8192x1024xf32, #tpu.memory_space<hbm>> -> memref<16x1024xf32, #tpu.memory_space<hbm>>
      tpu.enqueue_dma source(%dma_start3A_616 : memref<16x1024xf32, #tpu.memory_space<hbm>>) target(%dma_start3A_614 : memref<16x1024xf32, #tpu.memory_space<vmem>>) target_semaphore(%arg10 : memref<!tpu.dma_semaphore, #tpu.memory_space<semaphore_mem>>)
      %dma_wait3A_617 = arith.constant 3 : i32
      %dma_wait3A_618 = arith.constant 0 : i32
      %dma_wait3A_619 = arith.constant 0 : i32
      %dma_wait3A_620 = tpu.memref_slice %arg7[%dma_wait3A_617, %dma_wait3A_618, %dma_wait3A_619] : memref<7x16x1024xf32, #tpu.memory_space<vmem>> -> memref<1x16x1024xf32, #tpu.memory_space<vmem>>
      %dma_wait3A_621 = tpu.memref_squeeze %dma_wait3A_620 : memref<1x16x1024xf32, #tpu.memory_space<vmem>> -> memref<16x1024xf32, #tpu.memory_space<vmem>>
      %dma_wait3A_622 = arith.constant 0 : i32
      %dma_wait3A_623 = tpu.memref_slice %arg3[%add3A_391, %dma_wait3A_622] : memref<8192x1024xf32, #tpu.memory_space<hbm>> -> memref<16x1024xf32, #tpu.memory_space<hbm>>
      %dma_wait3A_624 = arith.constant 0 : i32
      %dma_wait3A_625 = arith.constant 0 : i32
      %dma_wait3A_626 = tpu.memref_slice %arg7[%dma_wait3A_617, %dma_wait3A_624, %dma_wait3A_625] : memref<7x16x1024xf32, #tpu.memory_space<vmem>> -> memref<1x16x1024xf32, #tpu.memory_space<vmem>>
      %dma_wait3A_627 = tpu.memref_squeeze %dma_wait3A_626 : memref<1x16x1024xf32, #tpu.memory_space<vmem>> -> memref<16x1024xf32, #tpu.memory_space<vmem>>
      %dma_wait3A_628 = arith.constant 0 : i32
      %dma_wait3A_629 = tpu.memref_slice %arg3[%add3A_391, %dma_wait3A_628] : memref<8192x1024xf32, #tpu.memory_space<hbm>> -> memref<16x1024xf32, #tpu.memory_space<hbm>>
      tpu.wait_dma2 semaphore(%arg11 : memref<!tpu.dma_semaphore, #tpu.memory_space<semaphore_mem>>) src(%dma_wait3A_629 : memref<16x1024xf32, #tpu.memory_space<hbm>>) dst(%dma_wait3A_627 : memref<16x1024xf32, #tpu.memory_space<vmem>>)
      %add3A_630 = arith.constant 48 : i32
      %add3A_631 = arith.addi %mul3A_2, %add3A_630 : i32
      %dma_start3A_632 = arith.constant 3 : i32
      %dma_start3A_633 = arith.constant 0 : i32
      %dma_start3A_634 = arith.constant 0 : i32
      %dma_start3A_635 = tpu.memref_slice %arg7[%dma_start3A_632, %dma_start3A_633, %dma_start3A_634] : memref<7x16x1024xf32, #tpu.memory_space<vmem>> -> memref<1x16x1024xf32, #tpu.memory_space<vmem>>
      %dma_start3A_636 = tpu.memref_squeeze %dma_start3A_635 : memref<1x16x1024xf32, #tpu.memory_space<vmem>> -> memref<16x1024xf32, #tpu.memory_space<vmem>>
      %dma_start3A_637 = arith.constant 0 : i32
      %dma_start3A_638 = tpu.memref_slice %arg4[%add3A_631, %dma_start3A_637] : memref<8192x1024xf32, #tpu.memory_space<hbm>> -> memref<16x1024xf32, #tpu.memory_space<hbm>>
      %dma_start3A_639 = arith.constant 0 : i32
      %dma_start3A_640 = tpu.memref_slice %arg4[%add3A_631, %dma_start3A_639] : memref<8192x1024xf32, #tpu.memory_space<hbm>> -> memref<16x1024xf32, #tpu.memory_space<hbm>>
      %dma_start3A_641 = arith.constant 0 : i32
      %dma_start3A_642 = arith.constant 0 : i32
      %dma_start3A_643 = tpu.memref_slice %arg7[%dma_start3A_632, %dma_start3A_641, %dma_start3A_642] : memref<7x16x1024xf32, #tpu.memory_space<vmem>> -> memref<1x16x1024xf32, #tpu.memory_space<vmem>>
      %dma_start3A_644 = tpu.memref_squeeze %dma_start3A_643 : memref<1x16x1024xf32, #tpu.memory_space<vmem>> -> memref<16x1024xf32, #tpu.memory_space<vmem>>
      tpu.enqueue_dma source(%dma_start3A_644 : memref<16x1024xf32, #tpu.memory_space<vmem>>) target(%dma_start3A_640 : memref<16x1024xf32, #tpu.memory_space<hbm>>) target_semaphore(%arg18 : memref<!tpu.dma_semaphore, #tpu.memory_space<semaphore_mem>>)
      %dma_wait3A_645 = arith.constant 3 : i32
      %dma_wait3A_646 = arith.constant 0 : i32
      %dma_wait3A_647 = arith.constant 0 : i32
      %dma_wait3A_648 = tpu.memref_slice %arg7[%dma_wait3A_645, %dma_wait3A_646, %dma_wait3A_647] : memref<7x16x1024xf32, #tpu.memory_space<vmem>> -> memref<1x16x1024xf32, #tpu.memory_space<vmem>>
      %dma_wait3A_649 = tpu.memref_squeeze %dma_wait3A_648 : memref<1x16x1024xf32, #tpu.memory_space<vmem>> -> memref<16x1024xf32, #tpu.memory_space<vmem>>
      %dma_wait3A_650 = arith.constant 0 : i32
      %dma_wait3A_651 = tpu.memref_slice %arg4[%add3A_631, %dma_wait3A_650] : memref<8192x1024xf32, #tpu.memory_space<hbm>> -> memref<16x1024xf32, #tpu.memory_space<hbm>>
      %dma_wait3A_652 = arith.constant 0 : i32
      %dma_wait3A_653 = tpu.memref_slice %arg4[%add3A_631, %dma_wait3A_652] : memref<8192x1024xf32, #tpu.memory_space<hbm>> -> memref<16x1024xf32, #tpu.memory_space<hbm>>
      %dma_wait3A_654 = arith.constant 0 : i32
      %dma_wait3A_655 = arith.constant 0 : i32
      %dma_wait3A_656 = tpu.memref_slice %arg7[%dma_wait3A_645, %dma_wait3A_654, %dma_wait3A_655] : memref<7x16x1024xf32, #tpu.memory_space<vmem>> -> memref<1x16x1024xf32, #tpu.memory_space<vmem>>
      %dma_wait3A_657 = tpu.memref_squeeze %dma_wait3A_656 : memref<1x16x1024xf32, #tpu.memory_space<vmem>> -> memref<16x1024xf32, #tpu.memory_space<vmem>>
      tpu.wait_dma2 semaphore(%arg18 : memref<!tpu.dma_semaphore, #tpu.memory_space<semaphore_mem>>) src(%dma_wait3A_657 : memref<16x1024xf32, #tpu.memory_space<vmem>>) dst(%dma_wait3A_653 : memref<16x1024xf32, #tpu.memory_space<hbm>>)
      %add3A_658 = arith.constant 160 : i32
      %add3A_659 = arith.addi %multiple_of3A, %add3A_658 : i32
      %dma_start3A_660 = arith.constant 3 : i32
      %dma_start3A_661 = arith.constant 0 : i32
      %dma_start3A_662 = arith.constant 0 : i32
      %dma_start3A_663 = tpu.memref_slice %arg7[%dma_start3A_660, %dma_start3A_661, %dma_start3A_662] : memref<7x16x1024xf32, #tpu.memory_space<vmem>> -> memref<1x16x1024xf32, #tpu.memory_space<vmem>>
      %dma_start3A_664 = tpu.memref_squeeze %dma_start3A_663 : memref<1x16x1024xf32, #tpu.memory_space<vmem>> -> memref<16x1024xf32, #tpu.memory_space<vmem>>
      %dma_start3A_665 = arith.constant 0 : i32
      %dma_start3A_666 = tpu.memref_slice %arg3[%add3A_659, %dma_start3A_665] : memref<8192x1024xf32, #tpu.memory_space<hbm>> -> memref<16x1024xf32, #tpu.memory_space<hbm>>
      %dma_start3A_667 = arith.constant 0 : i32
      %dma_start3A_668 = arith.constant 0 : i32
      %dma_start3A_669 = tpu.memref_slice %arg7[%dma_start3A_660, %dma_start3A_667, %dma_start3A_668] : memref<7x16x1024xf32, #tpu.memory_space<vmem>> -> memref<1x16x1024xf32, #tpu.memory_space<vmem>>
      %dma_start3A_670 = tpu.memref_squeeze %dma_start3A_669 : memref<1x16x1024xf32, #tpu.memory_space<vmem>> -> memref<16x1024xf32, #tpu.memory_space<vmem>>
      %dma_start3A_671 = arith.constant 0 : i32
      %dma_start3A_672 = tpu.memref_slice %arg3[%add3A_659, %dma_start3A_671] : memref<8192x1024xf32, #tpu.memory_space<hbm>> -> memref<16x1024xf32, #tpu.memory_space<hbm>>
      tpu.enqueue_dma source(%dma_start3A_672 : memref<16x1024xf32, #tpu.memory_space<hbm>>) target(%dma_start3A_670 : memref<16x1024xf32, #tpu.memory_space<vmem>>) target_semaphore(%arg11 : memref<!tpu.dma_semaphore, #tpu.memory_space<semaphore_mem>>)
      %dma_wait3A_673 = arith.constant 4 : i32
      %dma_wait3A_674 = arith.constant 0 : i32
      %dma_wait3A_675 = arith.constant 0 : i32
      %dma_wait3A_676 = tpu.memref_slice %arg7[%dma_wait3A_673, %dma_wait3A_674, %dma_wait3A_675] : memref<7x16x1024xf32, #tpu.memory_space<vmem>> -> memref<1x16x1024xf32, #tpu.memory_space<vmem>>
      %dma_wait3A_677 = tpu.memref_squeeze %dma_wait3A_676 : memref<1x16x1024xf32, #tpu.memory_space<vmem>> -> memref<16x1024xf32, #tpu.memory_space<vmem>>
      %dma_wait3A_678 = arith.constant 0 : i32
      %dma_wait3A_679 = tpu.memref_slice %arg3[%add3A_406, %dma_wait3A_678] : memref<8192x1024xf32, #tpu.memory_space<hbm>> -> memref<16x1024xf32, #tpu.memory_space<hbm>>
      %dma_wait3A_680 = arith.constant 0 : i32
      %dma_wait3A_681 = arith.constant 0 : i32
      %dma_wait3A_682 = tpu.memref_slice %arg7[%dma_wait3A_673, %dma_wait3A_680, %dma_wait3A_681] : memref<7x16x1024xf32, #tpu.memory_space<vmem>> -> memref<1x16x1024xf32, #tpu.memory_space<vmem>>
      %dma_wait3A_683 = tpu.memref_squeeze %dma_wait3A_682 : memref<1x16x1024xf32, #tpu.memory_space<vmem>> -> memref<16x1024xf32, #tpu.memory_space<vmem>>
      %dma_wait3A_684 = arith.constant 0 : i32
      %dma_wait3A_685 = tpu.memref_slice %arg3[%add3A_406, %dma_wait3A_684] : memref<8192x1024xf32, #tpu.memory_space<hbm>> -> memref<16x1024xf32, #tpu.memory_space<hbm>>
      tpu.wait_dma2 semaphore(%arg12 : memref<!tpu.dma_semaphore, #tpu.memory_space<semaphore_mem>>) src(%dma_wait3A_685 : memref<16x1024xf32, #tpu.memory_space<hbm>>) dst(%dma_wait3A_683 : memref<16x1024xf32, #tpu.memory_space<vmem>>)
      %add3A_686 = arith.constant 64 : i32
      %add3A_687 = arith.addi %mul3A_2, %add3A_686 : i32
      %dma_start3A_688 = arith.constant 4 : i32
      %dma_start3A_689 = arith.constant 0 : i32
      %dma_start3A_690 = arith.constant 0 : i32
      %dma_start3A_691 = tpu.memref_slice %arg7[%dma_start3A_688, %dma_start3A_689, %dma_start3A_690] : memref<7x16x1024xf32, #tpu.memory_space<vmem>> -> memref<1x16x1024xf32, #tpu.memory_space<vmem>>
      %dma_start3A_692 = tpu.memref_squeeze %dma_start3A_691 : memref<1x16x1024xf32, #tpu.memory_space<vmem>> -> memref<16x1024xf32, #tpu.memory_space<vmem>>
      %dma_start3A_693 = arith.constant 0 : i32
      %dma_start3A_694 = tpu.memref_slice %arg4[%add3A_687, %dma_start3A_693] : memref<8192x1024xf32, #tpu.memory_space<hbm>> -> memref<16x1024xf32, #tpu.memory_space<hbm>>
      %dma_start3A_695 = arith.constant 0 : i32
      %dma_start3A_696 = tpu.memref_slice %arg4[%add3A_687, %dma_start3A_695] : memref<8192x1024xf32, #tpu.memory_space<hbm>> -> memref<16x1024xf32, #tpu.memory_space<hbm>>
      %dma_start3A_697 = arith.constant 0 : i32
      %dma_start3A_698 = arith.constant 0 : i32
      %dma_start3A_699 = tpu.memref_slice %arg7[%dma_start3A_688, %dma_start3A_697, %dma_start3A_698] : memref<7x16x1024xf32, #tpu.memory_space<vmem>> -> memref<1x16x1024xf32, #tpu.memory_space<vmem>>
      %dma_start3A_700 = tpu.memref_squeeze %dma_start3A_699 : memref<1x16x1024xf32, #tpu.memory_space<vmem>> -> memref<16x1024xf32, #tpu.memory_space<vmem>>
      tpu.enqueue_dma source(%dma_start3A_700 : memref<16x1024xf32, #tpu.memory_space<vmem>>) target(%dma_start3A_696 : memref<16x1024xf32, #tpu.memory_space<hbm>>) target_semaphore(%arg19 : memref<!tpu.dma_semaphore, #tpu.memory_space<semaphore_mem>>)
      %dma_wait3A_701 = arith.constant 4 : i32
      %dma_wait3A_702 = arith.constant 0 : i32
      %dma_wait3A_703 = arith.constant 0 : i32
      %dma_wait3A_704 = tpu.memref_slice %arg7[%dma_wait3A_701, %dma_wait3A_702, %dma_wait3A_703] : memref<7x16x1024xf32, #tpu.memory_space<vmem>> -> memref<1x16x1024xf32, #tpu.memory_space<vmem>>
      %dma_wait3A_705 = tpu.memref_squeeze %dma_wait3A_704 : memref<1x16x1024xf32, #tpu.memory_space<vmem>> -> memref<16x1024xf32, #tpu.memory_space<vmem>>
      %dma_wait3A_706 = arith.constant 0 : i32
      %dma_wait3A_707 = tpu.memref_slice %arg4[%add3A_687, %dma_wait3A_706] : memref<8192x1024xf32, #tpu.memory_space<hbm>> -> memref<16x1024xf32, #tpu.memory_space<hbm>>
      %dma_wait3A_708 = arith.constant 0 : i32
      %dma_wait3A_709 = tpu.memref_slice %arg4[%add3A_687, %dma_wait3A_708] : memref<8192x1024xf32, #tpu.memory_space<hbm>> -> memref<16x1024xf32, #tpu.memory_space<hbm>>
      %dma_wait3A_710 = arith.constant 0 : i32
      %dma_wait3A_711 = arith.constant 0 : i32
      %dma_wait3A_712 = tpu.memref_slice %arg7[%dma_wait3A_701, %dma_wait3A_710, %dma_wait3A_711] : memref<7x16x1024xf32, #tpu.memory_space<vmem>> -> memref<1x16x1024xf32, #tpu.memory_space<vmem>>
      %dma_wait3A_713 = tpu.memref_squeeze %dma_wait3A_712 : memref<1x16x1024xf32, #tpu.memory_space<vmem>> -> memref<16x1024xf32, #tpu.memory_space<vmem>>
      tpu.wait_dma2 semaphore(%arg19 : memref<!tpu.dma_semaphore, #tpu.memory_space<semaphore_mem>>) src(%dma_wait3A_713 : memref<16x1024xf32, #tpu.memory_space<vmem>>) dst(%dma_wait3A_709 : memref<16x1024xf32, #tpu.memory_space<hbm>>)
      %add3A_714 = arith.constant 176 : i32
      %add3A_715 = arith.addi %multiple_of3A, %add3A_714 : i32
      %dma_start3A_716 = arith.constant 4 : i32
      %dma_start3A_717 = arith.constant 0 : i32
      %dma_start3A_718 = arith.constant 0 : i32
      %dma_start3A_719 = tpu.memref_slice %arg7[%dma_start3A_716, %dma_start3A_717, %dma_start3A_718] : memref<7x16x1024xf32, #tpu.memory_space<vmem>> -> memref<1x16x1024xf32, #tpu.memory_space<vmem>>
      %dma_start3A_720 = tpu.memref_squeeze %dma_start3A_719 : memref<1x16x1024xf32, #tpu.memory_space<vmem>> -> memref<16x1024xf32, #tpu.memory_space<vmem>>
      %dma_start3A_721 = arith.constant 0 : i32
      %dma_start3A_722 = tpu.memref_slice %arg3[%add3A_715, %dma_start3A_721] : memref<8192x1024xf32, #tpu.memory_space<hbm>> -> memref<16x1024xf32, #tpu.memory_space<hbm>>
      %dma_start3A_723 = arith.constant 0 : i32
      %dma_start3A_724 = arith.constant 0 : i32
      %dma_start3A_725 = tpu.memref_slice %arg7[%dma_start3A_716, %dma_start3A_723, %dma_start3A_724] : memref<7x16x1024xf32, #tpu.memory_space<vmem>> -> memref<1x16x1024xf32, #tpu.memory_space<vmem>>
      %dma_start3A_726 = tpu.memref_squeeze %dma_start3A_725 : memref<1x16x1024xf32, #tpu.memory_space<vmem>> -> memref<16x1024xf32, #tpu.memory_space<vmem>>
      %dma_start3A_727 = arith.constant 0 : i32
      %dma_start3A_728 = tpu.memref_slice %arg3[%add3A_715, %dma_start3A_727] : memref<8192x1024xf32, #tpu.memory_space<hbm>> -> memref<16x1024xf32, #tpu.memory_space<hbm>>
      tpu.enqueue_dma source(%dma_start3A_728 : memref<16x1024xf32, #tpu.memory_space<hbm>>) target(%dma_start3A_726 : memref<16x1024xf32, #tpu.memory_space<vmem>>) target_semaphore(%arg12 : memref<!tpu.dma_semaphore, #tpu.memory_space<semaphore_mem>>)
      %dma_wait3A_729 = arith.constant 5 : i32
      %dma_wait3A_730 = arith.constant 0 : i32
      %dma_wait3A_731 = arith.constant 0 : i32
      %dma_wait3A_732 = tpu.memref_slice %arg7[%dma_wait3A_729, %dma_wait3A_730, %dma_wait3A_731] : memref<7x16x1024xf32, #tpu.memory_space<vmem>> -> memref<1x16x1024xf32, #tpu.memory_space<vmem>>
      %dma_wait3A_733 = tpu.memref_squeeze %dma_wait3A_732 : memref<1x16x1024xf32, #tpu.memory_space<vmem>> -> memref<16x1024xf32, #tpu.memory_space<vmem>>
      %dma_wait3A_734 = arith.constant 0 : i32
      %dma_wait3A_735 = tpu.memref_slice %arg3[%add3A_421, %dma_wait3A_734] : memref<8192x1024xf32, #tpu.memory_space<hbm>> -> memref<16x1024xf32, #tpu.memory_space<hbm>>
      %dma_wait3A_736 = arith.constant 0 : i32
      %dma_wait3A_737 = arith.constant 0 : i32
      %dma_wait3A_738 = tpu.memref_slice %arg7[%dma_wait3A_729, %dma_wait3A_736, %dma_wait3A_737] : memref<7x16x1024xf32, #tpu.memory_space<vmem>> -> memref<1x16x1024xf32, #tpu.memory_space<vmem>>
      %dma_wait3A_739 = tpu.memref_squeeze %dma_wait3A_738 : memref<1x16x1024xf32, #tpu.memory_space<vmem>> -> memref<16x1024xf32, #tpu.memory_space<vmem>>
      %dma_wait3A_740 = arith.constant 0 : i32
      %dma_wait3A_741 = tpu.memref_slice %arg3[%add3A_421, %dma_wait3A_740] : memref<8192x1024xf32, #tpu.memory_space<hbm>> -> memref<16x1024xf32, #tpu.memory_space<hbm>>
      tpu.wait_dma2 semaphore(%arg13 : memref<!tpu.dma_semaphore, #tpu.memory_space<semaphore_mem>>) src(%dma_wait3A_741 : memref<16x1024xf32, #tpu.memory_space<hbm>>) dst(%dma_wait3A_739 : memref<16x1024xf32, #tpu.memory_space<vmem>>)
      %add3A_742 = arith.constant 80 : i32
      %add3A_743 = arith.addi %mul3A_2, %add3A_742 : i32
      %dma_start3A_744 = arith.constant 5 : i32
      %dma_start3A_745 = arith.constant 0 : i32
      %dma_start3A_746 = arith.constant 0 : i32
      %dma_start3A_747 = tpu.memref_slice %arg7[%dma_start3A_744, %dma_start3A_745, %dma_start3A_746] : memref<7x16x1024xf32, #tpu.memory_space<vmem>> -> memref<1x16x1024xf32, #tpu.memory_space<vmem>>
      %dma_start3A_748 = tpu.memref_squeeze %dma_start3A_747 : memref<1x16x1024xf32, #tpu.memory_space<vmem>> -> memref<16x1024xf32, #tpu.memory_space<vmem>>
      %dma_start3A_749 = arith.constant 0 : i32
      %dma_start3A_750 = tpu.memref_slice %arg4[%add3A_743, %dma_start3A_749] : memref<8192x1024xf32, #tpu.memory_space<hbm>> -> memref<16x1024xf32, #tpu.memory_space<hbm>>
      %dma_start3A_751 = arith.constant 0 : i32
      %dma_start3A_752 = tpu.memref_slice %arg4[%add3A_743, %dma_start3A_751] : memref<8192x1024xf32, #tpu.memory_space<hbm>> -> memref<16x1024xf32, #tpu.memory_space<hbm>>
      %dma_start3A_753 = arith.constant 0 : i32
      %dma_start3A_754 = arith.constant 0 : i32
      %dma_start3A_755 = tpu.memref_slice %arg7[%dma_start3A_744, %dma_start3A_753, %dma_start3A_754] : memref<7x16x1024xf32, #tpu.memory_space<vmem>> -> memref<1x16x1024xf32, #tpu.memory_space<vmem>>
      %dma_start3A_756 = tpu.memref_squeeze %dma_start3A_755 : memref<1x16x1024xf32, #tpu.memory_space<vmem>> -> memref<16x1024xf32, #tpu.memory_space<vmem>>
      tpu.enqueue_dma source(%dma_start3A_756 : memref<16x1024xf32, #tpu.memory_space<vmem>>) target(%dma_start3A_752 : memref<16x1024xf32, #tpu.memory_space<hbm>>) target_semaphore(%arg20 : memref<!tpu.dma_semaphore, #tpu.memory_space<semaphore_mem>>)
      %dma_wait3A_757 = arith.constant 5 : i32
      %dma_wait3A_758 = arith.constant 0 : i32
      %dma_wait3A_759 = arith.constant 0 : i32
      %dma_wait3A_760 = tpu.memref_slice %arg7[%dma_wait3A_757, %dma_wait3A_758, %dma_wait3A_759] : memref<7x16x1024xf32, #tpu.memory_space<vmem>> -> memref<1x16x1024xf32, #tpu.memory_space<vmem>>
      %dma_wait3A_761 = tpu.memref_squeeze %dma_wait3A_760 : memref<1x16x1024xf32, #tpu.memory_space<vmem>> -> memref<16x1024xf32, #tpu.memory_space<vmem>>
      %dma_wait3A_762 = arith.constant 0 : i32
      %dma_wait3A_763 = tpu.memref_slice %arg4[%add3A_743, %dma_wait3A_762] : memref<8192x1024xf32, #tpu.memory_space<hbm>> -> memref<16x1024xf32, #tpu.memory_space<hbm>>
      %dma_wait3A_764 = arith.constant 0 : i32
      %dma_wait3A_765 = tpu.memref_slice %arg4[%add3A_743, %dma_wait3A_764] : memref<8192x1024xf32, #tpu.memory_space<hbm>> -> memref<16x1024xf32, #tpu.memory_space<hbm>>
      %dma_wait3A_766 = arith.constant 0 : i32
      %dma_wait3A_767 = arith.constant 0 : i32
      %dma_wait3A_768 = tpu.memref_slice %arg7[%dma_wait3A_757, %dma_wait3A_766, %dma_wait3A_767] : memref<7x16x1024xf32, #tpu.memory_space<vmem>> -> memref<1x16x1024xf32, #tpu.memory_space<vmem>>
      %dma_wait3A_769 = tpu.memref_squeeze %dma_wait3A_768 : memref<1x16x1024xf32, #tpu.memory_space<vmem>> -> memref<16x1024xf32, #tpu.memory_space<vmem>>
      tpu.wait_dma2 semaphore(%arg20 : memref<!tpu.dma_semaphore, #tpu.memory_space<semaphore_mem>>) src(%dma_wait3A_769 : memref<16x1024xf32, #tpu.memory_space<vmem>>) dst(%dma_wait3A_765 : memref<16x1024xf32, #tpu.memory_space<hbm>>)
      %add3A_770 = arith.constant 192 : i32
      %add3A_771 = arith.addi %multiple_of3A, %add3A_770 : i32
      %dma_start3A_772 = arith.constant 5 : i32
      %dma_start3A_773 = arith.constant 0 : i32
      %dma_start3A_774 = arith.constant 0 : i32
      %dma_start3A_775 = tpu.memref_slice %arg7[%dma_start3A_772, %dma_start3A_773, %dma_start3A_774] : memref<7x16x1024xf32, #tpu.memory_space<vmem>> -> memref<1x16x1024xf32, #tpu.memory_space<vmem>>
      %dma_start3A_776 = tpu.memref_squeeze %dma_start3A_775 : memref<1x16x1024xf32, #tpu.memory_space<vmem>> -> memref<16x1024xf32, #tpu.memory_space<vmem>>
      %dma_start3A_777 = arith.constant 0 : i32
      %dma_start3A_778 = tpu.memref_slice %arg3[%add3A_771, %dma_start3A_777] : memref<8192x1024xf32, #tpu.memory_space<hbm>> -> memref<16x1024xf32, #tpu.memory_space<hbm>>
      %dma_start3A_779 = arith.constant 0 : i32
      %dma_start3A_780 = arith.constant 0 : i32
      %dma_start3A_781 = tpu.memref_slice %arg7[%dma_start3A_772, %dma_start3A_779, %dma_start3A_780] : memref<7x16x1024xf32, #tpu.memory_space<vmem>> -> memref<1x16x1024xf32, #tpu.memory_space<vmem>>
      %dma_start3A_782 = tpu.memref_squeeze %dma_start3A_781 : memref<1x16x1024xf32, #tpu.memory_space<vmem>> -> memref<16x1024xf32, #tpu.memory_space<vmem>>
      %dma_start3A_783 = arith.constant 0 : i32
      %dma_start3A_784 = tpu.memref_slice %arg3[%add3A_771, %dma_start3A_783] : memref<8192x1024xf32, #tpu.memory_space<hbm>> -> memref<16x1024xf32, #tpu.memory_space<hbm>>
      tpu.enqueue_dma source(%dma_start3A_784 : memref<16x1024xf32, #tpu.memory_space<hbm>>) target(%dma_start3A_782 : memref<16x1024xf32, #tpu.memory_space<vmem>>) target_semaphore(%arg13 : memref<!tpu.dma_semaphore, #tpu.memory_space<semaphore_mem>>)
      %dma_wait3A_785 = arith.constant 6 : i32
      %dma_wait3A_786 = arith.constant 0 : i32
      %dma_wait3A_787 = arith.constant 0 : i32
      %dma_wait3A_788 = tpu.memref_slice %arg7[%dma_wait3A_785, %dma_wait3A_786, %dma_wait3A_787] : memref<7x16x1024xf32, #tpu.memory_space<vmem>> -> memref<1x16x1024xf32, #tpu.memory_space<vmem>>
      %dma_wait3A_789 = tpu.memref_squeeze %dma_wait3A_788 : memref<1x16x1024xf32, #tpu.memory_space<vmem>> -> memref<16x1024xf32, #tpu.memory_space<vmem>>
      %dma_wait3A_790 = arith.constant 0 : i32
      %dma_wait3A_791 = tpu.memref_slice %arg3[%add3A_436, %dma_wait3A_790] : memref<8192x1024xf32, #tpu.memory_space<hbm>> -> memref<16x1024xf32, #tpu.memory_space<hbm>>
      %dma_wait3A_792 = arith.constant 0 : i32
      %dma_wait3A_793 = arith.constant 0 : i32
      %dma_wait3A_794 = tpu.memref_slice %arg7[%dma_wait3A_785, %dma_wait3A_792, %dma_wait3A_793] : memref<7x16x1024xf32, #tpu.memory_space<vmem>> -> memref<1x16x1024xf32, #tpu.memory_space<vmem>>
      %dma_wait3A_795 = tpu.memref_squeeze %dma_wait3A_794 : memref<1x16x1024xf32, #tpu.memory_space<vmem>> -> memref<16x1024xf32, #tpu.memory_space<vmem>>
      %dma_wait3A_796 = arith.constant 0 : i32
      %dma_wait3A_797 = tpu.memref_slice %arg3[%add3A_436, %dma_wait3A_796] : memref<8192x1024xf32, #tpu.memory_space<hbm>> -> memref<16x1024xf32, #tpu.memory_space<hbm>>
      tpu.wait_dma2 semaphore(%arg14 : memref<!tpu.dma_semaphore, #tpu.memory_space<semaphore_mem>>) src(%dma_wait3A_797 : memref<16x1024xf32, #tpu.memory_space<hbm>>) dst(%dma_wait3A_795 : memref<16x1024xf32, #tpu.memory_space<vmem>>)
      %add3A_798 = arith.constant 96 : i32
      %add3A_799 = arith.addi %mul3A_2, %add3A_798 : i32
      %dma_start3A_800 = arith.constant 6 : i32
      %dma_start3A_801 = arith.constant 0 : i32
      %dma_start3A_802 = arith.constant 0 : i32
      %dma_start3A_803 = tpu.memref_slice %arg7[%dma_start3A_800, %dma_start3A_801, %dma_start3A_802] : memref<7x16x1024xf32, #tpu.memory_space<vmem>> -> memref<1x16x1024xf32, #tpu.memory_space<vmem>>
      %dma_start3A_804 = tpu.memref_squeeze %dma_start3A_803 : memref<1x16x1024xf32, #tpu.memory_space<vmem>> -> memref<16x1024xf32, #tpu.memory_space<vmem>>
      %dma_start3A_805 = arith.constant 0 : i32
      %dma_start3A_806 = tpu.memref_slice %arg4[%add3A_799, %dma_start3A_805] : memref<8192x1024xf32, #tpu.memory_space<hbm>> -> memref<16x1024xf32, #tpu.memory_space<hbm>>
      %dma_start3A_807 = arith.constant 0 : i32
      %dma_start3A_808 = tpu.memref_slice %arg4[%add3A_799, %dma_start3A_807] : memref<8192x1024xf32, #tpu.memory_space<hbm>> -> memref<16x1024xf32, #tpu.memory_space<hbm>>
      %dma_start3A_809 = arith.constant 0 : i32
      %dma_start3A_810 = arith.constant 0 : i32
      %dma_start3A_811 = tpu.memref_slice %arg7[%dma_start3A_800, %dma_start3A_809, %dma_start3A_810] : memref<7x16x1024xf32, #tpu.memory_space<vmem>> -> memref<1x16x1024xf32, #tpu.memory_space<vmem>>
      %dma_start3A_812 = tpu.memref_squeeze %dma_start3A_811 : memref<1x16x1024xf32, #tpu.memory_space<vmem>> -> memref<16x1024xf32, #tpu.memory_space<vmem>>
      tpu.enqueue_dma source(%dma_start3A_812 : memref<16x1024xf32, #tpu.memory_space<vmem>>) target(%dma_start3A_808 : memref<16x1024xf32, #tpu.memory_space<hbm>>) target_semaphore(%arg21 : memref<!tpu.dma_semaphore, #tpu.memory_space<semaphore_mem>>)
      %dma_wait3A_813 = arith.constant 6 : i32
      %dma_wait3A_814 = arith.constant 0 : i32
      %dma_wait3A_815 = arith.constant 0 : i32
      %dma_wait3A_816 = tpu.memref_slice %arg7[%dma_wait3A_813, %dma_wait3A_814, %dma_wait3A_815] : memref<7x16x1024xf32, #tpu.memory_space<vmem>> -> memref<1x16x1024xf32, #tpu.memory_space<vmem>>
      %dma_wait3A_817 = tpu.memref_squeeze %dma_wait3A_816 : memref<1x16x1024xf32, #tpu.memory_space<vmem>> -> memref<16x1024xf32, #tpu.memory_space<vmem>>
      %dma_wait3A_818 = arith.constant 0 : i32
      %dma_wait3A_819 = tpu.memref_slice %arg4[%add3A_799, %dma_wait3A_818] : memref<8192x1024xf32, #tpu.memory_space<hbm>> -> memref<16x1024xf32, #tpu.memory_space<hbm>>
      %dma_wait3A_820 = arith.constant 0 : i32
      %dma_wait3A_821 = tpu.memref_slice %arg4[%add3A_799, %dma_wait3A_820] : memref<8192x1024xf32, #tpu.memory_space<hbm>> -> memref<16x1024xf32, #tpu.memory_space<hbm>>
      %dma_wait3A_822 = arith.constant 0 : i32
      %dma_wait3A_823 = arith.constant 0 : i32
      %dma_wait3A_824 = tpu.memref_slice %arg7[%dma_wait3A_813, %dma_wait3A_822, %dma_wait3A_823] : memref<7x16x1024xf32, #tpu.memory_space<vmem>> -> memref<1x16x1024xf32, #tpu.memory_space<vmem>>
      %dma_wait3A_825 = tpu.memref_squeeze %dma_wait3A_824 : memref<1x16x1024xf32, #tpu.memory_space<vmem>> -> memref<16x1024xf32, #tpu.memory_space<vmem>>
      tpu.wait_dma2 semaphore(%arg21 : memref<!tpu.dma_semaphore, #tpu.memory_space<semaphore_mem>>) src(%dma_wait3A_825 : memref<16x1024xf32, #tpu.memory_space<vmem>>) dst(%dma_wait3A_821 : memref<16x1024xf32, #tpu.memory_space<hbm>>)
      %add3A_826 = arith.constant 208 : i32
      %add3A_827 = arith.addi %multiple_of3A, %add3A_826 : i32
      %dma_start3A_828 = arith.constant 6 : i32
      %dma_start3A_829 = arith.constant 0 : i32
      %dma_start3A_830 = arith.constant 0 : i32
      %dma_start3A_831 = tpu.memref_slice %arg7[%dma_start3A_828, %dma_start3A_829, %dma_start3A_830] : memref<7x16x1024xf32, #tpu.memory_space<vmem>> -> memref<1x16x1024xf32, #tpu.memory_space<vmem>>
      %dma_start3A_832 = tpu.memref_squeeze %dma_start3A_831 : memref<1x16x1024xf32, #tpu.memory_space<vmem>> -> memref<16x1024xf32, #tpu.memory_space<vmem>>
      %dma_start3A_833 = arith.constant 0 : i32
      %dma_start3A_834 = tpu.memref_slice %arg3[%add3A_827, %dma_start3A_833] : memref<8192x1024xf32, #tpu.memory_space<hbm>> -> memref<16x1024xf32, #tpu.memory_space<hbm>>
      %dma_start3A_835 = arith.constant 0 : i32
      %dma_start3A_836 = arith.constant 0 : i32
      %dma_start3A_837 = tpu.memref_slice %arg7[%dma_start3A_828, %dma_start3A_835, %dma_start3A_836] : memref<7x16x1024xf32, #tpu.memory_space<vmem>> -> memref<1x16x1024xf32, #tpu.memory_space<vmem>>
      %dma_start3A_838 = tpu.memref_squeeze %dma_start3A_837 : memref<1x16x1024xf32, #tpu.memory_space<vmem>> -> memref<16x1024xf32, #tpu.memory_space<vmem>>
      %dma_start3A_839 = arith.constant 0 : i32
      %dma_start3A_840 = tpu.memref_slice %arg3[%add3A_827, %dma_start3A_839] : memref<8192x1024xf32, #tpu.memory_space<hbm>> -> memref<16x1024xf32, #tpu.memory_space<hbm>>
      tpu.enqueue_dma source(%dma_start3A_840 : memref<16x1024xf32, #tpu.memory_space<hbm>>) target(%dma_start3A_838 : memref<16x1024xf32, #tpu.memory_space<vmem>>) target_semaphore(%arg14 : memref<!tpu.dma_semaphore, #tpu.memory_space<semaphore_mem>>)
      %dma_wait3A_841 = arith.constant 0 : i32
      %dma_wait3A_842 = arith.constant 0 : i32
      %dma_wait3A_843 = arith.constant 0 : i32
      %dma_wait3A_844 = tpu.memref_slice %arg7[%dma_wait3A_841, %dma_wait3A_842, %dma_wait3A_843] : memref<7x16x1024xf32, #tpu.memory_space<vmem>> -> memref<1x16x1024xf32, #tpu.memory_space<vmem>>
      %dma_wait3A_845 = tpu.memref_squeeze %dma_wait3A_844 : memref<1x16x1024xf32, #tpu.memory_space<vmem>> -> memref<16x1024xf32, #tpu.memory_space<vmem>>
      %dma_wait3A_846 = arith.constant 0 : i32
      %dma_wait3A_847 = tpu.memref_slice %arg3[%add3A_491, %dma_wait3A_846] : memref<8192x1024xf32, #tpu.memory_space<hbm>> -> memref<16x1024xf32, #tpu.memory_space<hbm>>
      %dma_wait3A_848 = arith.constant 0 : i32
      %dma_wait3A_849 = arith.constant 0 : i32
      %dma_wait3A_850 = tpu.memref_slice %arg7[%dma_wait3A_841, %dma_wait3A_848, %dma_wait3A_849] : memref<7x16x1024xf32, #tpu.memory_space<vmem>> -> memref<1x16x1024xf32, #tpu.memory_space<vmem>>
      %dma_wait3A_851 = tpu.memref_squeeze %dma_wait3A_850 : memref<1x16x1024xf32, #tpu.memory_space<vmem>> -> memref<16x1024xf32, #tpu.memory_space<vmem>>
      %dma_wait3A_852 = arith.constant 0 : i32
      %dma_wait3A_853 = tpu.memref_slice %arg3[%add3A_491, %dma_wait3A_852] : memref<8192x1024xf32, #tpu.memory_space<hbm>> -> memref<16x1024xf32, #tpu.memory_space<hbm>>
      tpu.wait_dma2 semaphore(%arg8 : memref<!tpu.dma_semaphore, #tpu.memory_space<semaphore_mem>>) src(%dma_wait3A_853 : memref<16x1024xf32, #tpu.memory_space<hbm>>) dst(%dma_wait3A_851 : memref<16x1024xf32, #tpu.memory_space<vmem>>)
      %add3A_854 = arith.constant 112 : i32
      %add3A_855 = arith.addi %mul3A_2, %add3A_854 : i32
      %dma_start3A_856 = arith.constant 0 : i32
      %dma_start3A_857 = arith.constant 0 : i32
      %dma_start3A_858 = arith.constant 0 : i32
      %dma_start3A_859 = tpu.memref_slice %arg7[%dma_start3A_856, %dma_start3A_857, %dma_start3A_858] : memref<7x16x1024xf32, #tpu.memory_space<vmem>> -> memref<1x16x1024xf32, #tpu.memory_space<vmem>>
      %dma_start3A_860 = tpu.memref_squeeze %dma_start3A_859 : memref<1x16x1024xf32, #tpu.memory_space<vmem>> -> memref<16x1024xf32, #tpu.memory_space<vmem>>
      %dma_start3A_861 = arith.constant 0 : i32
      %dma_start3A_862 = tpu.memref_slice %arg4[%add3A_855, %dma_start3A_861] : memref<8192x1024xf32, #tpu.memory_space<hbm>> -> memref<16x1024xf32, #tpu.memory_space<hbm>>
      %dma_start3A_863 = arith.constant 0 : i32
      %dma_start3A_864 = tpu.memref_slice %arg4[%add3A_855, %dma_start3A_863] : memref<8192x1024xf32, #tpu.memory_space<hbm>> -> memref<16x1024xf32, #tpu.memory_space<hbm>>
      %dma_start3A_865 = arith.constant 0 : i32
      %dma_start3A_866 = arith.constant 0 : i32
      %dma_start3A_867 = tpu.memref_slice %arg7[%dma_start3A_856, %dma_start3A_865, %dma_start3A_866] : memref<7x16x1024xf32, #tpu.memory_space<vmem>> -> memref<1x16x1024xf32, #tpu.memory_space<vmem>>
      %dma_start3A_868 = tpu.memref_squeeze %dma_start3A_867 : memref<1x16x1024xf32, #tpu.memory_space<vmem>> -> memref<16x1024xf32, #tpu.memory_space<vmem>>
      tpu.enqueue_dma source(%dma_start3A_868 : memref<16x1024xf32, #tpu.memory_space<vmem>>) target(%dma_start3A_864 : memref<16x1024xf32, #tpu.memory_space<hbm>>) target_semaphore(%arg15 : memref<!tpu.dma_semaphore, #tpu.memory_space<semaphore_mem>>)
      %dma_wait3A_869 = arith.constant 0 : i32
      %dma_wait3A_870 = arith.constant 0 : i32
      %dma_wait3A_871 = arith.constant 0 : i32
      %dma_wait3A_872 = tpu.memref_slice %arg7[%dma_wait3A_869, %dma_wait3A_870, %dma_wait3A_871] : memref<7x16x1024xf32, #tpu.memory_space<vmem>> -> memref<1x16x1024xf32, #tpu.memory_space<vmem>>
      %dma_wait3A_873 = tpu.memref_squeeze %dma_wait3A_872 : memref<1x16x1024xf32, #tpu.memory_space<vmem>> -> memref<16x1024xf32, #tpu.memory_space<vmem>>
      %dma_wait3A_874 = arith.constant 0 : i32
      %dma_wait3A_875 = tpu.memref_slice %arg4[%add3A_855, %dma_wait3A_874] : memref<8192x1024xf32, #tpu.memory_space<hbm>> -> memref<16x1024xf32, #tpu.memory_space<hbm>>
      %dma_wait3A_876 = arith.constant 0 : i32
      %dma_wait3A_877 = tpu.memref_slice %arg4[%add3A_855, %dma_wait3A_876] : memref<8192x1024xf32, #tpu.memory_space<hbm>> -> memref<16x1024xf32, #tpu.memory_space<hbm>>
      %dma_wait3A_878 = arith.constant 0 : i32
      %dma_wait3A_879 = arith.constant 0 : i32
      %dma_wait3A_880 = tpu.memref_slice %arg7[%dma_wait3A_869, %dma_wait3A_878, %dma_wait3A_879] : memref<7x16x1024xf32, #tpu.memory_space<vmem>> -> memref<1x16x1024xf32, #tpu.memory_space<vmem>>
      %dma_wait3A_881 = tpu.memref_squeeze %dma_wait3A_880 : memref<1x16x1024xf32, #tpu.memory_space<vmem>> -> memref<16x1024xf32, #tpu.memory_space<vmem>>
      tpu.wait_dma2 semaphore(%arg15 : memref<!tpu.dma_semaphore, #tpu.memory_space<semaphore_mem>>) src(%dma_wait3A_881 : memref<16x1024xf32, #tpu.memory_space<vmem>>) dst(%dma_wait3A_877 : memref<16x1024xf32, #tpu.memory_space<hbm>>)
      %add3A_882 = arith.constant 224 : i32
      %add3A_883 = arith.addi %multiple_of3A, %add3A_882 : i32
      %dma_start3A_884 = arith.constant 0 : i32
      %dma_start3A_885 = arith.constant 0 : i32
      %dma_start3A_886 = arith.constant 0 : i32
      %dma_start3A_887 = tpu.memref_slice %arg7[%dma_start3A_884, %dma_start3A_885, %dma_start3A_886] : memref<7x16x1024xf32, #tpu.memory_space<vmem>> -> memref<1x16x1024xf32, #tpu.memory_space<vmem>>
      %dma_start3A_888 = tpu.memref_squeeze %dma_start3A_887 : memref<1x16x1024xf32, #tpu.memory_space<vmem>> -> memref<16x1024xf32, #tpu.memory_space<vmem>>
      %dma_start3A_889 = arith.constant 0 : i32
      %dma_start3A_890 = tpu.memref_slice %arg3[%add3A_883, %dma_start3A_889] : memref<8192x1024xf32, #tpu.memory_space<hbm>> -> memref<16x1024xf32, #tpu.memory_space<hbm>>
      %dma_start3A_891 = arith.constant 0 : i32
      %dma_start3A_892 = arith.constant 0 : i32
      %dma_start3A_893 = tpu.memref_slice %arg7[%dma_start3A_884, %dma_start3A_891, %dma_start3A_892] : memref<7x16x1024xf32, #tpu.memory_space<vmem>> -> memref<1x16x1024xf32, #tpu.memory_space<vmem>>
      %dma_start3A_894 = tpu.memref_squeeze %dma_start3A_893 : memref<1x16x1024xf32, #tpu.memory_space<vmem>> -> memref<16x1024xf32, #tpu.memory_space<vmem>>
      %dma_start3A_895 = arith.constant 0 : i32
      %dma_start3A_896 = tpu.memref_slice %arg3[%add3A_883, %dma_start3A_895] : memref<8192x1024xf32, #tpu.memory_space<hbm>> -> memref<16x1024xf32, #tpu.memory_space<hbm>>
      tpu.enqueue_dma source(%dma_start3A_896 : memref<16x1024xf32, #tpu.memory_space<hbm>>) target(%dma_start3A_894 : memref<16x1024xf32, #tpu.memory_space<vmem>>) target_semaphore(%arg8 : memref<!tpu.dma_semaphore, #tpu.memory_space<semaphore_mem>>)
      %dma_wait3A_897 = arith.constant 1 : i32
      %dma_wait3A_898 = arith.constant 0 : i32
      %dma_wait3A_899 = arith.constant 0 : i32
      %dma_wait3A_900 = tpu.memref_slice %arg7[%dma_wait3A_897, %dma_wait3A_898, %dma_wait3A_899] : memref<7x16x1024xf32, #tpu.memory_space<vmem>> -> memref<1x16x1024xf32, #tpu.memory_space<vmem>>
      %dma_wait3A_901 = tpu.memref_squeeze %dma_wait3A_900 : memref<1x16x1024xf32, #tpu.memory_space<vmem>> -> memref<16x1024xf32, #tpu.memory_space<vmem>>
      %dma_wait3A_902 = arith.constant 0 : i32
      %dma_wait3A_903 = tpu.memref_slice %arg3[%add3A_547, %dma_wait3A_902] : memref<8192x1024xf32, #tpu.memory_space<hbm>> -> memref<16x1024xf32, #tpu.memory_space<hbm>>
      %dma_wait3A_904 = arith.constant 0 : i32
      %dma_wait3A_905 = arith.constant 0 : i32
      %dma_wait3A_906 = tpu.memref_slice %arg7[%dma_wait3A_897, %dma_wait3A_904, %dma_wait3A_905] : memref<7x16x1024xf32, #tpu.memory_space<vmem>> -> memref<1x16x1024xf32, #tpu.memory_space<vmem>>
      %dma_wait3A_907 = tpu.memref_squeeze %dma_wait3A_906 : memref<1x16x1024xf32, #tpu.memory_space<vmem>> -> memref<16x1024xf32, #tpu.memory_space<vmem>>
      %dma_wait3A_908 = arith.constant 0 : i32
      %dma_wait3A_909 = tpu.memref_slice %arg3[%add3A_547, %dma_wait3A_908] : memref<8192x1024xf32, #tpu.memory_space<hbm>> -> memref<16x1024xf32, #tpu.memory_space<hbm>>
      tpu.wait_dma2 semaphore(%arg9 : memref<!tpu.dma_semaphore, #tpu.memory_space<semaphore_mem>>) src(%dma_wait3A_909 : memref<16x1024xf32, #tpu.memory_space<hbm>>) dst(%dma_wait3A_907 : memref<16x1024xf32, #tpu.memory_space<vmem>>)
      %add3A_910 = arith.constant 128 : i32
      %add3A_911 = arith.addi %mul3A_2, %add3A_910 : i32
      %dma_start3A_912 = arith.constant 1 : i32
      %dma_start3A_913 = arith.constant 0 : i32
      %dma_start3A_914 = arith.constant 0 : i32
      %dma_start3A_915 = tpu.memref_slice %arg7[%dma_start3A_912, %dma_start3A_913, %dma_start3A_914] : memref<7x16x1024xf32, #tpu.memory_space<vmem>> -> memref<1x16x1024xf32, #tpu.memory_space<vmem>>
      %dma_start3A_916 = tpu.memref_squeeze %dma_start3A_915 : memref<1x16x1024xf32, #tpu.memory_space<vmem>> -> memref<16x1024xf32, #tpu.memory_space<vmem>>
      %dma_start3A_917 = arith.constant 0 : i32
      %dma_start3A_918 = tpu.memref_slice %arg4[%add3A_911, %dma_start3A_917] : memref<8192x1024xf32, #tpu.memory_space<hbm>> -> memref<16x1024xf32, #tpu.memory_space<hbm>>
      %dma_start3A_919 = arith.constant 0 : i32
      %dma_start3A_920 = tpu.memref_slice %arg4[%add3A_911, %dma_start3A_919] : memref<8192x1024xf32, #tpu.memory_space<hbm>> -> memref<16x1024xf32, #tpu.memory_space<hbm>>
      %dma_start3A_921 = arith.constant 0 : i32
      %dma_start3A_922 = arith.constant 0 : i32
      %dma_start3A_923 = tpu.memref_slice %arg7[%dma_start3A_912, %dma_start3A_921, %dma_start3A_922] : memref<7x16x1024xf32, #tpu.memory_space<vmem>> -> memref<1x16x1024xf32, #tpu.memory_space<vmem>>
      %dma_start3A_924 = tpu.memref_squeeze %dma_start3A_923 : memref<1x16x1024xf32, #tpu.memory_space<vmem>> -> memref<16x1024xf32, #tpu.memory_space<vmem>>
      tpu.enqueue_dma source(%dma_start3A_924 : memref<16x1024xf32, #tpu.memory_space<vmem>>) target(%dma_start3A_920 : memref<16x1024xf32, #tpu.memory_space<hbm>>) target_semaphore(%arg16 : memref<!tpu.dma_semaphore, #tpu.memory_space<semaphore_mem>>)
      %dma_wait3A_925 = arith.constant 1 : i32
      %dma_wait3A_926 = arith.constant 0 : i32
      %dma_wait3A_927 = arith.constant 0 : i32
      %dma_wait3A_928 = tpu.memref_slice %arg7[%dma_wait3A_925, %dma_wait3A_926, %dma_wait3A_927] : memref<7x16x1024xf32, #tpu.memory_space<vmem>> -> memref<1x16x1024xf32, #tpu.memory_space<vmem>>
      %dma_wait3A_929 = tpu.memref_squeeze %dma_wait3A_928 : memref<1x16x1024xf32, #tpu.memory_space<vmem>> -> memref<16x1024xf32, #tpu.memory_space<vmem>>
      %dma_wait3A_930 = arith.constant 0 : i32
      %dma_wait3A_931 = tpu.memref_slice %arg4[%add3A_911, %dma_wait3A_930] : memref<8192x1024xf32, #tpu.memory_space<hbm>> -> memref<16x1024xf32, #tpu.memory_space<hbm>>
      %dma_wait3A_932 = arith.constant 0 : i32
      %dma_wait3A_933 = tpu.memref_slice %arg4[%add3A_911, %dma_wait3A_932] : memref<8192x1024xf32, #tpu.memory_space<hbm>> -> memref<16x1024xf32, #tpu.memory_space<hbm>>
      %dma_wait3A_934 = arith.constant 0 : i32
      %dma_wait3A_935 = arith.constant 0 : i32
      %dma_wait3A_936 = tpu.memref_slice %arg7[%dma_wait3A_925, %dma_wait3A_934, %dma_wait3A_935] : memref<7x16x1024xf32, #tpu.memory_space<vmem>> -> memref<1x16x1024xf32, #tpu.memory_space<vmem>>
      %dma_wait3A_937 = tpu.memref_squeeze %dma_wait3A_936 : memref<1x16x1024xf32, #tpu.memory_space<vmem>> -> memref<16x1024xf32, #tpu.memory_space<vmem>>
      tpu.wait_dma2 semaphore(%arg16 : memref<!tpu.dma_semaphore, #tpu.memory_space<semaphore_mem>>) src(%dma_wait3A_937 : memref<16x1024xf32, #tpu.memory_space<vmem>>) dst(%dma_wait3A_933 : memref<16x1024xf32, #tpu.memory_space<hbm>>)
      %add3A_938 = arith.constant 240 : i32
      %add3A_939 = arith.addi %multiple_of3A, %add3A_938 : i32
      %dma_start3A_940 = arith.constant 1 : i32
      %dma_start3A_941 = arith.constant 0 : i32
      %dma_start3A_942 = arith.constant 0 : i32
      %dma_start3A_943 = tpu.memref_slice %arg7[%dma_start3A_940, %dma_start3A_941, %dma_start3A_942] : memref<7x16x1024xf32, #tpu.memory_space<vmem>> -> memref<1x16x1024xf32, #tpu.memory_space<vmem>>
      %dma_start3A_944 = tpu.memref_squeeze %dma_start3A_943 : memref<1x16x1024xf32, #tpu.memory_space<vmem>> -> memref<16x1024xf32, #tpu.memory_space<vmem>>
      %dma_start3A_945 = arith.constant 0 : i32
      %dma_start3A_946 = tpu.memref_slice %arg3[%add3A_939, %dma_start3A_945] : memref<8192x1024xf32, #tpu.memory_space<hbm>> -> memref<16x1024xf32, #tpu.memory_space<hbm>>
      %dma_start3A_947 = arith.constant 0 : i32
      %dma_start3A_948 = arith.constant 0 : i32
      %dma_start3A_949 = tpu.memref_slice %arg7[%dma_start3A_940, %dma_start3A_947, %dma_start3A_948] : memref<7x16x1024xf32, #tpu.memory_space<vmem>> -> memref<1x16x1024xf32, #tpu.memory_space<vmem>>
      %dma_start3A_950 = tpu.memref_squeeze %dma_start3A_949 : memref<1x16x1024xf32, #tpu.memory_space<vmem>> -> memref<16x1024xf32, #tpu.memory_space<vmem>>
      %dma_start3A_951 = arith.constant 0 : i32
      %dma_start3A_952 = tpu.memref_slice %arg3[%add3A_939, %dma_start3A_951] : memref<8192x1024xf32, #tpu.memory_space<hbm>> -> memref<16x1024xf32, #tpu.memory_space<hbm>>
      tpu.enqueue_dma source(%dma_start3A_952 : memref<16x1024xf32, #tpu.memory_space<hbm>>) target(%dma_start3A_950 : memref<16x1024xf32, #tpu.memory_space<vmem>>) target_semaphore(%arg9 : memref<!tpu.dma_semaphore, #tpu.memory_space<semaphore_mem>>)
      %dma_wait3A_953 = arith.constant 2 : i32
      %dma_wait3A_954 = arith.constant 0 : i32
      %dma_wait3A_955 = arith.constant 0 : i32
      %dma_wait3A_956 = tpu.memref_slice %arg7[%dma_wait3A_953, %dma_wait3A_954, %dma_wait3A_955] : memref<7x16x1024xf32, #tpu.memory_space<vmem>> -> memref<1x16x1024xf32, #tpu.memory_space<vmem>>
      %dma_wait3A_957 = tpu.memref_squeeze %dma_wait3A_956 : memref<1x16x1024xf32, #tpu.memory_space<vmem>> -> memref<16x1024xf32, #tpu.memory_space<vmem>>
      %dma_wait3A_958 = arith.constant 0 : i32
      %dma_wait3A_959 = tpu.memref_slice %arg3[%add3A_603, %dma_wait3A_958] : memref<8192x1024xf32, #tpu.memory_space<hbm>> -> memref<16x1024xf32, #tpu.memory_space<hbm>>
      %dma_wait3A_960 = arith.constant 0 : i32
      %dma_wait3A_961 = arith.constant 0 : i32
      %dma_wait3A_962 = tpu.memref_slice %arg7[%dma_wait3A_953, %dma_wait3A_960, %dma_wait3A_961] : memref<7x16x1024xf32, #tpu.memory_space<vmem>> -> memref<1x16x1024xf32, #tpu.memory_space<vmem>>
      %dma_wait3A_963 = tpu.memref_squeeze %dma_wait3A_962 : memref<1x16x1024xf32, #tpu.memory_space<vmem>> -> memref<16x1024xf32, #tpu.memory_space<vmem>>
      %dma_wait3A_964 = arith.constant 0 : i32
      %dma_wait3A_965 = tpu.memref_slice %arg3[%add3A_603, %dma_wait3A_964] : memref<8192x1024xf32, #tpu.memory_space<hbm>> -> memref<16x1024xf32, #tpu.memory_space<hbm>>
      tpu.wait_dma2 semaphore(%arg10 : memref<!tpu.dma_semaphore, #tpu.memory_space<semaphore_mem>>) src(%dma_wait3A_965 : memref<16x1024xf32, #tpu.memory_space<hbm>>) dst(%dma_wait3A_963 : memref<16x1024xf32, #tpu.memory_space<vmem>>)
      %add3A_966 = arith.constant 144 : i32
      %add3A_967 = arith.addi %mul3A_2, %add3A_966 : i32
      %dma_start3A_968 = arith.constant 2 : i32
      %dma_start3A_969 = arith.constant 0 : i32
      %dma_start3A_970 = arith.constant 0 : i32
      %dma_start3A_971 = tpu.memref_slice %arg7[%dma_start3A_968, %dma_start3A_969, %dma_start3A_970] : memref<7x16x1024xf32, #tpu.memory_space<vmem>> -> memref<1x16x1024xf32, #tpu.memory_space<vmem>>
      %dma_start3A_972 = tpu.memref_squeeze %dma_start3A_971 : memref<1x16x1024xf32, #tpu.memory_space<vmem>> -> memref<16x1024xf32, #tpu.memory_space<vmem>>
      %dma_start3A_973 = arith.constant 0 : i32
      %dma_start3A_974 = tpu.memref_slice %arg4[%add3A_967, %dma_start3A_973] : memref<8192x1024xf32, #tpu.memory_space<hbm>> -> memref<16x1024xf32, #tpu.memory_space<hbm>>
      %dma_start3A_975 = arith.constant 0 : i32
      %dma_start3A_976 = tpu.memref_slice %arg4[%add3A_967, %dma_start3A_975] : memref<8192x1024xf32, #tpu.memory_space<hbm>> -> memref<16x1024xf32, #tpu.memory_space<hbm>>
      %dma_start3A_977 = arith.constant 0 : i32
      %dma_start3A_978 = arith.constant 0 : i32
      %dma_start3A_979 = tpu.memref_slice %arg7[%dma_start3A_968, %dma_start3A_977, %dma_start3A_978] : memref<7x16x1024xf32, #tpu.memory_space<vmem>> -> memref<1x16x1024xf32, #tpu.memory_space<vmem>>
      %dma_start3A_980 = tpu.memref_squeeze %dma_start3A_979 : memref<1x16x1024xf32, #tpu.memory_space<vmem>> -> memref<16x1024xf32, #tpu.memory_space<vmem>>
      tpu.enqueue_dma source(%dma_start3A_980 : memref<16x1024xf32, #tpu.memory_space<vmem>>) target(%dma_start3A_976 : memref<16x1024xf32, #tpu.memory_space<hbm>>) target_semaphore(%arg17 : memref<!tpu.dma_semaphore, #tpu.memory_space<semaphore_mem>>)
      %dma_wait3A_981 = arith.constant 3 : i32
      %dma_wait3A_982 = arith.constant 0 : i32
      %dma_wait3A_983 = arith.constant 0 : i32
      %dma_wait3A_984 = tpu.memref_slice %arg7[%dma_wait3A_981, %dma_wait3A_982, %dma_wait3A_983] : memref<7x16x1024xf32, #tpu.memory_space<vmem>> -> memref<1x16x1024xf32, #tpu.memory_space<vmem>>
      %dma_wait3A_985 = tpu.memref_squeeze %dma_wait3A_984 : memref<1x16x1024xf32, #tpu.memory_space<vmem>> -> memref<16x1024xf32, #tpu.memory_space<vmem>>
      %dma_wait3A_986 = arith.constant 0 : i32
      %dma_wait3A_987 = tpu.memref_slice %arg3[%add3A_659, %dma_wait3A_986] : memref<8192x1024xf32, #tpu.memory_space<hbm>> -> memref<16x1024xf32, #tpu.memory_space<hbm>>
      %dma_wait3A_988 = arith.constant 0 : i32
      %dma_wait3A_989 = arith.constant 0 : i32
      %dma_wait3A_990 = tpu.memref_slice %arg7[%dma_wait3A_981, %dma_wait3A_988, %dma_wait3A_989] : memref<7x16x1024xf32, #tpu.memory_space<vmem>> -> memref<1x16x1024xf32, #tpu.memory_space<vmem>>
      %dma_wait3A_991 = tpu.memref_squeeze %dma_wait3A_990 : memref<1x16x1024xf32, #tpu.memory_space<vmem>> -> memref<16x1024xf32, #tpu.memory_space<vmem>>
      %dma_wait3A_992 = arith.constant 0 : i32
      %dma_wait3A_993 = tpu.memref_slice %arg3[%add3A_659, %dma_wait3A_992] : memref<8192x1024xf32, #tpu.memory_space<hbm>> -> memref<16x1024xf32, #tpu.memory_space<hbm>>
      tpu.wait_dma2 semaphore(%arg11 : memref<!tpu.dma_semaphore, #tpu.memory_space<semaphore_mem>>) src(%dma_wait3A_993 : memref<16x1024xf32, #tpu.memory_space<hbm>>) dst(%dma_wait3A_991 : memref<16x1024xf32, #tpu.memory_space<vmem>>)
      %add3A_994 = arith.constant 160 : i32
      %add3A_995 = arith.addi %mul3A_2, %add3A_994 : i32
      %dma_start3A_996 = arith.constant 3 : i32
      %dma_start3A_997 = arith.constant 0 : i32
      %dma_start3A_998 = arith.constant 0 : i32
      %dma_start3A_999 = tpu.memref_slice %arg7[%dma_start3A_996, %dma_start3A_997, %dma_start3A_998] : memref<7x16x1024xf32, #tpu.memory_space<vmem>> -> memref<1x16x1024xf32, #tpu.memory_space<vmem>>
      %dma_start3A_1000 = tpu.memref_squeeze %dma_start3A_999 : memref<1x16x1024xf32, #tpu.memory_space<vmem>> -> memref<16x1024xf32, #tpu.memory_space<vmem>>
      %dma_start3A_1001 = arith.constant 0 : i32
      %dma_start3A_1002 = tpu.memref_slice %arg4[%add3A_995, %dma_start3A_1001] : memref<8192x1024xf32, #tpu.memory_space<hbm>> -> memref<16x1024xf32, #tpu.memory_space<hbm>>
      %dma_start3A_1003 = arith.constant 0 : i32
      %dma_start3A_1004 = tpu.memref_slice %arg4[%add3A_995, %dma_start3A_1003] : memref<8192x1024xf32, #tpu.memory_space<hbm>> -> memref<16x1024xf32, #tpu.memory_space<hbm>>
      %dma_start3A_1005 = arith.constant 0 : i32
      %dma_start3A_1006 = arith.constant 0 : i32
      %dma_start3A_1007 = tpu.memref_slice %arg7[%dma_start3A_996, %dma_start3A_1005, %dma_start3A_1006] : memref<7x16x1024xf32, #tpu.memory_space<vmem>> -> memref<1x16x1024xf32, #tpu.memory_space<vmem>>
      %dma_start3A_1008 = tpu.memref_squeeze %dma_start3A_1007 : memref<1x16x1024xf32, #tpu.memory_space<vmem>> -> memref<16x1024xf32, #tpu.memory_space<vmem>>
      tpu.enqueue_dma source(%dma_start3A_1008 : memref<16x1024xf32, #tpu.memory_space<vmem>>) target(%dma_start3A_1004 : memref<16x1024xf32, #tpu.memory_space<hbm>>) target_semaphore(%arg18 : memref<!tpu.dma_semaphore, #tpu.memory_space<semaphore_mem>>)
      %dma_wait3A_1009 = arith.constant 4 : i32
      %dma_wait3A_1010 = arith.constant 0 : i32
      %dma_wait3A_1011 = arith.constant 0 : i32
      %dma_wait3A_1012 = tpu.memref_slice %arg7[%dma_wait3A_1009, %dma_wait3A_1010, %dma_wait3A_1011] : memref<7x16x1024xf32, #tpu.memory_space<vmem>> -> memref<1x16x1024xf32, #tpu.memory_space<vmem>>
      %dma_wait3A_1013 = tpu.memref_squeeze %dma_wait3A_1012 : memref<1x16x1024xf32, #tpu.memory_space<vmem>> -> memref<16x1024xf32, #tpu.memory_space<vmem>>
      %dma_wait3A_1014 = arith.constant 0 : i32
      %dma_wait3A_1015 = tpu.memref_slice %arg3[%add3A_715, %dma_wait3A_1014] : memref<8192x1024xf32, #tpu.memory_space<hbm>> -> memref<16x1024xf32, #tpu.memory_space<hbm>>
      %dma_wait3A_1016 = arith.constant 0 : i32
      %dma_wait3A_1017 = arith.constant 0 : i32
      %dma_wait3A_1018 = tpu.memref_slice %arg7[%dma_wait3A_1009, %dma_wait3A_1016, %dma_wait3A_1017] : memref<7x16x1024xf32, #tpu.memory_space<vmem>> -> memref<1x16x1024xf32, #tpu.memory_space<vmem>>
      %dma_wait3A_1019 = tpu.memref_squeeze %dma_wait3A_1018 : memref<1x16x1024xf32, #tpu.memory_space<vmem>> -> memref<16x1024xf32, #tpu.memory_space<vmem>>
      %dma_wait3A_1020 = arith.constant 0 : i32
      %dma_wait3A_1021 = tpu.memref_slice %arg3[%add3A_715, %dma_wait3A_1020] : memref<8192x1024xf32, #tpu.memory_space<hbm>> -> memref<16x1024xf32, #tpu.memory_space<hbm>>
      tpu.wait_dma2 semaphore(%arg12 : memref<!tpu.dma_semaphore, #tpu.memory_space<semaphore_mem>>) src(%dma_wait3A_1021 : memref<16x1024xf32, #tpu.memory_space<hbm>>) dst(%dma_wait3A_1019 : memref<16x1024xf32, #tpu.memory_space<vmem>>)
      %add3A_1022 = arith.constant 176 : i32
      %add3A_1023 = arith.addi %mul3A_2, %add3A_1022 : i32
      %dma_start3A_1024 = arith.constant 4 : i32
      %dma_start3A_1025 = arith.constant 0 : i32
      %dma_start3A_1026 = arith.constant 0 : i32
      %dma_start3A_1027 = tpu.memref_slice %arg7[%dma_start3A_1024, %dma_start3A_1025, %dma_start3A_1026] : memref<7x16x1024xf32, #tpu.memory_space<vmem>> -> memref<1x16x1024xf32, #tpu.memory_space<vmem>>
      %dma_start3A_1028 = tpu.memref_squeeze %dma_start3A_1027 : memref<1x16x1024xf32, #tpu.memory_space<vmem>> -> memref<16x1024xf32, #tpu.memory_space<vmem>>
      %dma_start3A_1029 = arith.constant 0 : i32
      %dma_start3A_1030 = tpu.memref_slice %arg4[%add3A_1023, %dma_start3A_1029] : memref<8192x1024xf32, #tpu.memory_space<hbm>> -> memref<16x1024xf32, #tpu.memory_space<hbm>>
      %dma_start3A_1031 = arith.constant 0 : i32
      %dma_start3A_1032 = tpu.memref_slice %arg4[%add3A_1023, %dma_start3A_1031] : memref<8192x1024xf32, #tpu.memory_space<hbm>> -> memref<16x1024xf32, #tpu.memory_space<hbm>>
      %dma_start3A_1033 = arith.constant 0 : i32
      %dma_start3A_1034 = arith.constant 0 : i32
      %dma_start3A_1035 = tpu.memref_slice %arg7[%dma_start3A_1024, %dma_start3A_1033, %dma_start3A_1034] : memref<7x16x1024xf32, #tpu.memory_space<vmem>> -> memref<1x16x1024xf32, #tpu.memory_space<vmem>>
      %dma_start3A_1036 = tpu.memref_squeeze %dma_start3A_1035 : memref<1x16x1024xf32, #tpu.memory_space<vmem>> -> memref<16x1024xf32, #tpu.memory_space<vmem>>
      tpu.enqueue_dma source(%dma_start3A_1036 : memref<16x1024xf32, #tpu.memory_space<vmem>>) target(%dma_start3A_1032 : memref<16x1024xf32, #tpu.memory_space<hbm>>) target_semaphore(%arg19 : memref<!tpu.dma_semaphore, #tpu.memory_space<semaphore_mem>>)
      %dma_wait3A_1037 = arith.constant 5 : i32
      %dma_wait3A_1038 = arith.constant 0 : i32
      %dma_wait3A_1039 = arith.constant 0 : i32
      %dma_wait3A_1040 = tpu.memref_slice %arg7[%dma_wait3A_1037, %dma_wait3A_1038, %dma_wait3A_1039] : memref<7x16x1024xf32, #tpu.memory_space<vmem>> -> memref<1x16x1024xf32, #tpu.memory_space<vmem>>
      %dma_wait3A_1041 = tpu.memref_squeeze %dma_wait3A_1040 : memref<1x16x1024xf32, #tpu.memory_space<vmem>> -> memref<16x1024xf32, #tpu.memory_space<vmem>>
      %dma_wait3A_1042 = arith.constant 0 : i32
      %dma_wait3A_1043 = tpu.memref_slice %arg3[%add3A_771, %dma_wait3A_1042] : memref<8192x1024xf32, #tpu.memory_space<hbm>> -> memref<16x1024xf32, #tpu.memory_space<hbm>>
      %dma_wait3A_1044 = arith.constant 0 : i32
      %dma_wait3A_1045 = arith.constant 0 : i32
      %dma_wait3A_1046 = tpu.memref_slice %arg7[%dma_wait3A_1037, %dma_wait3A_1044, %dma_wait3A_1045] : memref<7x16x1024xf32, #tpu.memory_space<vmem>> -> memref<1x16x1024xf32, #tpu.memory_space<vmem>>
      %dma_wait3A_1047 = tpu.memref_squeeze %dma_wait3A_1046 : memref<1x16x1024xf32, #tpu.memory_space<vmem>> -> memref<16x1024xf32, #tpu.memory_space<vmem>>
      %dma_wait3A_1048 = arith.constant 0 : i32
      %dma_wait3A_1049 = tpu.memref_slice %arg3[%add3A_771, %dma_wait3A_1048] : memref<8192x1024xf32, #tpu.memory_space<hbm>> -> memref<16x1024xf32, #tpu.memory_space<hbm>>
      tpu.wait_dma2 semaphore(%arg13 : memref<!tpu.dma_semaphore, #tpu.memory_space<semaphore_mem>>) src(%dma_wait3A_1049 : memref<16x1024xf32, #tpu.memory_space<hbm>>) dst(%dma_wait3A_1047 : memref<16x1024xf32, #tpu.memory_space<vmem>>)
      %add3A_1050 = arith.constant 192 : i32
      %add3A_1051 = arith.addi %mul3A_2, %add3A_1050 : i32
      %dma_start3A_1052 = arith.constant 5 : i32
      %dma_start3A_1053 = arith.constant 0 : i32
      %dma_start3A_1054 = arith.constant 0 : i32
      %dma_start3A_1055 = tpu.memref_slice %arg7[%dma_start3A_1052, %dma_start3A_1053, %dma_start3A_1054] : memref<7x16x1024xf32, #tpu.memory_space<vmem>> -> memref<1x16x1024xf32, #tpu.memory_space<vmem>>
      %dma_start3A_1056 = tpu.memref_squeeze %dma_start3A_1055 : memref<1x16x1024xf32, #tpu.memory_space<vmem>> -> memref<16x1024xf32, #tpu.memory_space<vmem>>
      %dma_start3A_1057 = arith.constant 0 : i32
      %dma_start3A_1058 = tpu.memref_slice %arg4[%add3A_1051, %dma_start3A_1057] : memref<8192x1024xf32, #tpu.memory_space<hbm>> -> memref<16x1024xf32, #tpu.memory_space<hbm>>
      %dma_start3A_1059 = arith.constant 0 : i32
      %dma_start3A_1060 = tpu.memref_slice %arg4[%add3A_1051, %dma_start3A_1059] : memref<8192x1024xf32, #tpu.memory_space<hbm>> -> memref<16x1024xf32, #tpu.memory_space<hbm>>
      %dma_start3A_1061 = arith.constant 0 : i32
      %dma_start3A_1062 = arith.constant 0 : i32
      %dma_start3A_1063 = tpu.memref_slice %arg7[%dma_start3A_1052, %dma_start3A_1061, %dma_start3A_1062] : memref<7x16x1024xf32, #tpu.memory_space<vmem>> -> memref<1x16x1024xf32, #tpu.memory_space<vmem>>
      %dma_start3A_1064 = tpu.memref_squeeze %dma_start3A_1063 : memref<1x16x1024xf32, #tpu.memory_space<vmem>> -> memref<16x1024xf32, #tpu.memory_space<vmem>>
      tpu.enqueue_dma source(%dma_start3A_1064 : memref<16x1024xf32, #tpu.memory_space<vmem>>) target(%dma_start3A_1060 : memref<16x1024xf32, #tpu.memory_space<hbm>>) target_semaphore(%arg20 : memref<!tpu.dma_semaphore, #tpu.memory_space<semaphore_mem>>)
      %dma_wait3A_1065 = arith.constant 6 : i32
      %dma_wait3A_1066 = arith.constant 0 : i32
      %dma_wait3A_1067 = arith.constant 0 : i32
      %dma_wait3A_1068 = tpu.memref_slice %arg7[%dma_wait3A_1065, %dma_wait3A_1066, %dma_wait3A_1067] : memref<7x16x1024xf32, #tpu.memory_space<vmem>> -> memref<1x16x1024xf32, #tpu.memory_space<vmem>>
      %dma_wait3A_1069 = tpu.memref_squeeze %dma_wait3A_1068 : memref<1x16x1024xf32, #tpu.memory_space<vmem>> -> memref<16x1024xf32, #tpu.memory_space<vmem>>
      %dma_wait3A_1070 = arith.constant 0 : i32
      %dma_wait3A_1071 = tpu.memref_slice %arg3[%add3A_827, %dma_wait3A_1070] : memref<8192x1024xf32, #tpu.memory_space<hbm>> -> memref<16x1024xf32, #tpu.memory_space<hbm>>
      %dma_wait3A_1072 = arith.constant 0 : i32
      %dma_wait3A_1073 = arith.constant 0 : i32
      %dma_wait3A_1074 = tpu.memref_slice %arg7[%dma_wait3A_1065, %dma_wait3A_1072, %dma_wait3A_1073] : memref<7x16x1024xf32, #tpu.memory_space<vmem>> -> memref<1x16x1024xf32, #tpu.memory_space<vmem>>
      %dma_wait3A_1075 = tpu.memref_squeeze %dma_wait3A_1074 : memref<1x16x1024xf32, #tpu.memory_space<vmem>> -> memref<16x1024xf32, #tpu.memory_space<vmem>>
      %dma_wait3A_1076 = arith.constant 0 : i32
      %dma_wait3A_1077 = tpu.memref_slice %arg3[%add3A_827, %dma_wait3A_1076] : memref<8192x1024xf32, #tpu.memory_space<hbm>> -> memref<16x1024xf32, #tpu.memory_space<hbm>>
      tpu.wait_dma2 semaphore(%arg14 : memref<!tpu.dma_semaphore, #tpu.memory_space<semaphore_mem>>) src(%dma_wait3A_1077 : memref<16x1024xf32, #tpu.memory_space<hbm>>) dst(%dma_wait3A_1075 : memref<16x1024xf32, #tpu.memory_space<vmem>>)
      %add3A_1078 = arith.constant 208 : i32
      %add3A_1079 = arith.addi %mul3A_2, %add3A_1078 : i32
      %dma_start3A_1080 = arith.constant 6 : i32
      %dma_start3A_1081 = arith.constant 0 : i32
      %dma_start3A_1082 = arith.constant 0 : i32
      %dma_start3A_1083 = tpu.memref_slice %arg7[%dma_start3A_1080, %dma_start3A_1081, %dma_start3A_1082] : memref<7x16x1024xf32, #tpu.memory_space<vmem>> -> memref<1x16x1024xf32, #tpu.memory_space<vmem>>
      %dma_start3A_1084 = tpu.memref_squeeze %dma_start3A_1083 : memref<1x16x1024xf32, #tpu.memory_space<vmem>> -> memref<16x1024xf32, #tpu.memory_space<vmem>>
      %dma_start3A_1085 = arith.constant 0 : i32
      %dma_start3A_1086 = tpu.memref_slice %arg4[%add3A_1079, %dma_start3A_1085] : memref<8192x1024xf32, #tpu.memory_space<hbm>> -> memref<16x1024xf32, #tpu.memory_space<hbm>>
      %dma_start3A_1087 = arith.constant 0 : i32
      %dma_start3A_1088 = tpu.memref_slice %arg4[%add3A_1079, %dma_start3A_1087] : memref<8192x1024xf32, #tpu.memory_space<hbm>> -> memref<16x1024xf32, #tpu.memory_space<hbm>>
      %dma_start3A_1089 = arith.constant 0 : i32
      %dma_start3A_1090 = arith.constant 0 : i32
      %dma_start3A_1091 = tpu.memref_slice %arg7[%dma_start3A_1080, %dma_start3A_1089, %dma_start3A_1090] : memref<7x16x1024xf32, #tpu.memory_space<vmem>> -> memref<1x16x1024xf32, #tpu.memory_space<vmem>>
      %dma_start3A_1092 = tpu.memref_squeeze %dma_start3A_1091 : memref<1x16x1024xf32, #tpu.memory_space<vmem>> -> memref<16x1024xf32, #tpu.memory_space<vmem>>
      tpu.enqueue_dma source(%dma_start3A_1092 : memref<16x1024xf32, #tpu.memory_space<vmem>>) target(%dma_start3A_1088 : memref<16x1024xf32, #tpu.memory_space<hbm>>) target_semaphore(%arg21 : memref<!tpu.dma_semaphore, #tpu.memory_space<semaphore_mem>>)
      %dma_wait3A_1093 = arith.constant 0 : i32
      %dma_wait3A_1094 = arith.constant 0 : i32
      %dma_wait3A_1095 = arith.constant 0 : i32
      %dma_wait3A_1096 = tpu.memref_slice %arg7[%dma_wait3A_1093, %dma_wait3A_1094, %dma_wait3A_1095] : memref<7x16x1024xf32, #tpu.memory_space<vmem>> -> memref<1x16x1024xf32, #tpu.memory_space<vmem>>
      %dma_wait3A_1097 = tpu.memref_squeeze %dma_wait3A_1096 : memref<1x16x1024xf32, #tpu.memory_space<vmem>> -> memref<16x1024xf32, #tpu.memory_space<vmem>>
      %dma_wait3A_1098 = arith.constant 0 : i32
      %dma_wait3A_1099 = tpu.memref_slice %arg3[%add3A_883, %dma_wait3A_1098] : memref<8192x1024xf32, #tpu.memory_space<hbm>> -> memref<16x1024xf32, #tpu.memory_space<hbm>>
      %dma_wait3A_1100 = arith.constant 0 : i32
      %dma_wait3A_1101 = arith.constant 0 : i32
      %dma_wait3A_1102 = tpu.memref_slice %arg7[%dma_wait3A_1093, %dma_wait3A_1100, %dma_wait3A_1101] : memref<7x16x1024xf32, #tpu.memory_space<vmem>> -> memref<1x16x1024xf32, #tpu.memory_space<vmem>>
      %dma_wait3A_1103 = tpu.memref_squeeze %dma_wait3A_1102 : memref<1x16x1024xf32, #tpu.memory_space<vmem>> -> memref<16x1024xf32, #tpu.memory_space<vmem>>
      %dma_wait3A_1104 = arith.constant 0 : i32
      %dma_wait3A_1105 = tpu.memref_slice %arg3[%add3A_883, %dma_wait3A_1104] : memref<8192x1024xf32, #tpu.memory_space<hbm>> -> memref<16x1024xf32, #tpu.memory_space<hbm>>
      tpu.wait_dma2 semaphore(%arg8 : memref<!tpu.dma_semaphore, #tpu.memory_space<semaphore_mem>>) src(%dma_wait3A_1105 : memref<16x1024xf32, #tpu.memory_space<hbm>>) dst(%dma_wait3A_1103 : memref<16x1024xf32, #tpu.memory_space<vmem>>)
      %add3A_1106 = arith.constant 224 : i32
      %add3A_1107 = arith.addi %mul3A_2, %add3A_1106 : i32
      %dma_start3A_1108 = arith.constant 0 : i32
      %dma_start3A_1109 = arith.constant 0 : i32
      %dma_start3A_1110 = arith.constant 0 : i32
      %dma_start3A_1111 = tpu.memref_slice %arg7[%dma_start3A_1108, %dma_start3A_1109, %dma_start3A_1110] : memref<7x16x1024xf32, #tpu.memory_space<vmem>> -> memref<1x16x1024xf32, #tpu.memory_space<vmem>>
      %dma_start3A_1112 = tpu.memref_squeeze %dma_start3A_1111 : memref<1x16x1024xf32, #tpu.memory_space<vmem>> -> memref<16x1024xf32, #tpu.memory_space<vmem>>
      %dma_start3A_1113 = arith.constant 0 : i32
      %dma_start3A_1114 = tpu.memref_slice %arg4[%add3A_1107, %dma_start3A_1113] : memref<8192x1024xf32, #tpu.memory_space<hbm>> -> memref<16x1024xf32, #tpu.memory_space<hbm>>
      %dma_start3A_1115 = arith.constant 0 : i32
      %dma_start3A_1116 = tpu.memref_slice %arg4[%add3A_1107, %dma_start3A_1115] : memref<8192x1024xf32, #tpu.memory_space<hbm>> -> memref<16x1024xf32, #tpu.memory_space<hbm>>
      %dma_start3A_1117 = arith.constant 0 : i32
      %dma_start3A_1118 = arith.constant 0 : i32
      %dma_start3A_1119 = tpu.memref_slice %arg7[%dma_start3A_1108, %dma_start3A_1117, %dma_start3A_1118] : memref<7x16x1024xf32, #tpu.memory_space<vmem>> -> memref<1x16x1024xf32, #tpu.memory_space<vmem>>
      %dma_start3A_1120 = tpu.memref_squeeze %dma_start3A_1119 : memref<1x16x1024xf32, #tpu.memory_space<vmem>> -> memref<16x1024xf32, #tpu.memory_space<vmem>>
      tpu.enqueue_dma source(%dma_start3A_1120 : memref<16x1024xf32, #tpu.memory_space<vmem>>) target(%dma_start3A_1116 : memref<16x1024xf32, #tpu.memory_space<hbm>>) target_semaphore(%arg15 : memref<!tpu.dma_semaphore, #tpu.memory_space<semaphore_mem>>)
      %dma_wait3A_1121 = arith.constant 1 : i32
      %dma_wait3A_1122 = arith.constant 0 : i32
      %dma_wait3A_1123 = arith.constant 0 : i32
      %dma_wait3A_1124 = tpu.memref_slice %arg7[%dma_wait3A_1121, %dma_wait3A_1122, %dma_wait3A_1123] : memref<7x16x1024xf32, #tpu.memory_space<vmem>> -> memref<1x16x1024xf32, #tpu.memory_space<vmem>>
      %dma_wait3A_1125 = tpu.memref_squeeze %dma_wait3A_1124 : memref<1x16x1024xf32, #tpu.memory_space<vmem>> -> memref<16x1024xf32, #tpu.memory_space<vmem>>
      %dma_wait3A_1126 = arith.constant 0 : i32
      %dma_wait3A_1127 = tpu.memref_slice %arg3[%add3A_939, %dma_wait3A_1126] : memref<8192x1024xf32, #tpu.memory_space<hbm>> -> memref<16x1024xf32, #tpu.memory_space<hbm>>
      %dma_wait3A_1128 = arith.constant 0 : i32
      %dma_wait3A_1129 = arith.constant 0 : i32
      %dma_wait3A_1130 = tpu.memref_slice %arg7[%dma_wait3A_1121, %dma_wait3A_1128, %dma_wait3A_1129] : memref<7x16x1024xf32, #tpu.memory_space<vmem>> -> memref<1x16x1024xf32, #tpu.memory_space<vmem>>
      %dma_wait3A_1131 = tpu.memref_squeeze %dma_wait3A_1130 : memref<1x16x1024xf32, #tpu.memory_space<vmem>> -> memref<16x1024xf32, #tpu.memory_space<vmem>>
      %dma_wait3A_1132 = arith.constant 0 : i32
      %dma_wait3A_1133 = tpu.memref_slice %arg3[%add3A_939, %dma_wait3A_1132] : memref<8192x1024xf32, #tpu.memory_space<hbm>> -> memref<16x1024xf32, #tpu.memory_space<hbm>>
      tpu.wait_dma2 semaphore(%arg9 : memref<!tpu.dma_semaphore, #tpu.memory_space<semaphore_mem>>) src(%dma_wait3A_1133 : memref<16x1024xf32, #tpu.memory_space<hbm>>) dst(%dma_wait3A_1131 : memref<16x1024xf32, #tpu.memory_space<vmem>>)
      %add3A_1134 = arith.constant 240 : i32
      %add3A_1135 = arith.addi %mul3A_2, %add3A_1134 : i32
      %dma_start3A_1136 = arith.constant 1 : i32
      %dma_start3A_1137 = arith.constant 0 : i32
      %dma_start3A_1138 = arith.constant 0 : i32
      %dma_start3A_1139 = tpu.memref_slice %arg7[%dma_start3A_1136, %dma_start3A_1137, %dma_start3A_1138] : memref<7x16x1024xf32, #tpu.memory_space<vmem>> -> memref<1x16x1024xf32, #tpu.memory_space<vmem>>
      %dma_start3A_1140 = tpu.memref_squeeze %dma_start3A_1139 : memref<1x16x1024xf32, #tpu.memory_space<vmem>> -> memref<16x1024xf32, #tpu.memory_space<vmem>>
      %dma_start3A_1141 = arith.constant 0 : i32
      %dma_start3A_1142 = tpu.memref_slice %arg4[%add3A_1135, %dma_start3A_1141] : memref<8192x1024xf32, #tpu.memory_space<hbm>> -> memref<16x1024xf32, #tpu.memory_space<hbm>>
      %dma_start3A_1143 = arith.constant 0 : i32
      %dma_start3A_1144 = tpu.memref_slice %arg4[%add3A_1135, %dma_start3A_1143] : memref<8192x1024xf32, #tpu.memory_space<hbm>> -> memref<16x1024xf32, #tpu.memory_space<hbm>>
      %dma_start3A_1145 = arith.constant 0 : i32
      %dma_start3A_1146 = arith.constant 0 : i32
      %dma_start3A_1147 = tpu.memref_slice %arg7[%dma_start3A_1136, %dma_start3A_1145, %dma_start3A_1146] : memref<7x16x1024xf32, #tpu.memory_space<vmem>> -> memref<1x16x1024xf32, #tpu.memory_space<vmem>>
      %dma_start3A_1148 = tpu.memref_squeeze %dma_start3A_1147 : memref<1x16x1024xf32, #tpu.memory_space<vmem>> -> memref<16x1024xf32, #tpu.memory_space<vmem>>
      tpu.enqueue_dma source(%dma_start3A_1148 : memref<16x1024xf32, #tpu.memory_space<vmem>>) target(%dma_start3A_1144 : memref<16x1024xf32, #tpu.memory_space<hbm>>) target_semaphore(%arg16 : memref<!tpu.dma_semaphore, #tpu.memory_space<semaphore_mem>>)
      %dma_wait3A_1149 = arith.constant 2 : i32
      %dma_wait3A_1150 = arith.constant 0 : i32
      %dma_wait3A_1151 = arith.constant 0 : i32
      %dma_wait3A_1152 = tpu.memref_slice %arg7[%dma_wait3A_1149, %dma_wait3A_1150, %dma_wait3A_1151] : memref<7x16x1024xf32, #tpu.memory_space<vmem>> -> memref<1x16x1024xf32, #tpu.memory_space<vmem>>
      %dma_wait3A_1153 = tpu.memref_squeeze %dma_wait3A_1152 : memref<1x16x1024xf32, #tpu.memory_space<vmem>> -> memref<16x1024xf32, #tpu.memory_space<vmem>>
      %dma_wait3A_1154 = arith.constant 0 : i32
      %dma_wait3A_1155 = tpu.memref_slice %arg4[%add3A_967, %dma_wait3A_1154] : memref<8192x1024xf32, #tpu.memory_space<hbm>> -> memref<16x1024xf32, #tpu.memory_space<hbm>>
      %dma_wait3A_1156 = arith.constant 0 : i32
      %dma_wait3A_1157 = tpu.memref_slice %arg4[%add3A_967, %dma_wait3A_1156] : memref<8192x1024xf32, #tpu.memory_space<hbm>> -> memref<16x1024xf32, #tpu.memory_space<hbm>>
      %dma_wait3A_1158 = arith.constant 0 : i32
      %dma_wait3A_1159 = arith.constant 0 : i32
      %dma_wait3A_1160 = tpu.memref_slice %arg7[%dma_wait3A_1149, %dma_wait3A_1158, %dma_wait3A_1159] : memref<7x16x1024xf32, #tpu.memory_space<vmem>> -> memref<1x16x1024xf32, #tpu.memory_space<vmem>>
      %dma_wait3A_1161 = tpu.memref_squeeze %dma_wait3A_1160 : memref<1x16x1024xf32, #tpu.memory_space<vmem>> -> memref<16x1024xf32, #tpu.memory_space<vmem>>
      tpu.wait_dma2 semaphore(%arg17 : memref<!tpu.dma_semaphore, #tpu.memory_space<semaphore_mem>>) src(%dma_wait3A_1161 : memref<16x1024xf32, #tpu.memory_space<vmem>>) dst(%dma_wait3A_1157 : memref<16x1024xf32, #tpu.memory_space<hbm>>)
      %dma_wait3A_1162 = arith.constant 3 : i32
      %dma_wait3A_1163 = arith.constant 0 : i32
      %dma_wait3A_1164 = arith.constant 0 : i32
      %dma_wait3A_1165 = tpu.memref_slice %arg7[%dma_wait3A_1162, %dma_wait3A_1163, %dma_wait3A_1164] : memref<7x16x1024xf32, #tpu.memory_space<vmem>> -> memref<1x16x1024xf32, #tpu.memory_space<vmem>>
      %dma_wait3A_1166 = tpu.memref_squeeze %dma_wait3A_1165 : memref<1x16x1024xf32, #tpu.memory_space<vmem>> -> memref<16x1024xf32, #tpu.memory_space<vmem>>
      %dma_wait3A_1167 = arith.constant 0 : i32
      %dma_wait3A_1168 = tpu.memref_slice %arg4[%add3A_995, %dma_wait3A_1167] : memref<8192x1024xf32, #tpu.memory_space<hbm>> -> memref<16x1024xf32, #tpu.memory_space<hbm>>
      %dma_wait3A_1169 = arith.constant 0 : i32
      %dma_wait3A_1170 = tpu.memref_slice %arg4[%add3A_995, %dma_wait3A_1169] : memref<8192x1024xf32, #tpu.memory_space<hbm>> -> memref<16x1024xf32, #tpu.memory_space<hbm>>
      %dma_wait3A_1171 = arith.constant 0 : i32
      %dma_wait3A_1172 = arith.constant 0 : i32
      %dma_wait3A_1173 = tpu.memref_slice %arg7[%dma_wait3A_1162, %dma_wait3A_1171, %dma_wait3A_1172] : memref<7x16x1024xf32, #tpu.memory_space<vmem>> -> memref<1x16x1024xf32, #tpu.memory_space<vmem>>
      %dma_wait3A_1174 = tpu.memref_squeeze %dma_wait3A_1173 : memref<1x16x1024xf32, #tpu.memory_space<vmem>> -> memref<16x1024xf32, #tpu.memory_space<vmem>>
      tpu.wait_dma2 semaphore(%arg18 : memref<!tpu.dma_semaphore, #tpu.memory_space<semaphore_mem>>) src(%dma_wait3A_1174 : memref<16x1024xf32, #tpu.memory_space<vmem>>) dst(%dma_wait3A_1170 : memref<16x1024xf32, #tpu.memory_space<hbm>>)
      %dma_wait3A_1175 = arith.constant 4 : i32
      %dma_wait3A_1176 = arith.constant 0 : i32
      %dma_wait3A_1177 = arith.constant 0 : i32
      %dma_wait3A_1178 = tpu.memref_slice %arg7[%dma_wait3A_1175, %dma_wait3A_1176, %dma_wait3A_1177] : memref<7x16x1024xf32, #tpu.memory_space<vmem>> -> memref<1x16x1024xf32, #tpu.memory_space<vmem>>
      %dma_wait3A_1179 = tpu.memref_squeeze %dma_wait3A_1178 : memref<1x16x1024xf32, #tpu.memory_space<vmem>> -> memref<16x1024xf32, #tpu.memory_space<vmem>>
      %dma_wait3A_1180 = arith.constant 0 : i32
      %dma_wait3A_1181 = tpu.memref_slice %arg4[%add3A_1023, %dma_wait3A_1180] : memref<8192x1024xf32, #tpu.memory_space<hbm>> -> memref<16x1024xf32, #tpu.memory_space<hbm>>
      %dma_wait3A_1182 = arith.constant 0 : i32
      %dma_wait3A_1183 = tpu.memref_slice %arg4[%add3A_1023, %dma_wait3A_1182] : memref<8192x1024xf32, #tpu.memory_space<hbm>> -> memref<16x1024xf32, #tpu.memory_space<hbm>>
      %dma_wait3A_1184 = arith.constant 0 : i32
      %dma_wait3A_1185 = arith.constant 0 : i32
      %dma_wait3A_1186 = tpu.memref_slice %arg7[%dma_wait3A_1175, %dma_wait3A_1184, %dma_wait3A_1185] : memref<7x16x1024xf32, #tpu.memory_space<vmem>> -> memref<1x16x1024xf32, #tpu.memory_space<vmem>>
      %dma_wait3A_1187 = tpu.memref_squeeze %dma_wait3A_1186 : memref<1x16x1024xf32, #tpu.memory_space<vmem>> -> memref<16x1024xf32, #tpu.memory_space<vmem>>
      tpu.wait_dma2 semaphore(%arg19 : memref<!tpu.dma_semaphore, #tpu.memory_space<semaphore_mem>>) src(%dma_wait3A_1187 : memref<16x1024xf32, #tpu.memory_space<vmem>>) dst(%dma_wait3A_1183 : memref<16x1024xf32, #tpu.memory_space<hbm>>)
      %dma_wait3A_1188 = arith.constant 5 : i32
      %dma_wait3A_1189 = arith.constant 0 : i32
      %dma_wait3A_1190 = arith.constant 0 : i32
      %dma_wait3A_1191 = tpu.memref_slice %arg7[%dma_wait3A_1188, %dma_wait3A_1189, %dma_wait3A_1190] : memref<7x16x1024xf32, #tpu.memory_space<vmem>> -> memref<1x16x1024xf32, #tpu.memory_space<vmem>>
      %dma_wait3A_1192 = tpu.memref_squeeze %dma_wait3A_1191 : memref<1x16x1024xf32, #tpu.memory_space<vmem>> -> memref<16x1024xf32, #tpu.memory_space<vmem>>
      %dma_wait3A_1193 = arith.constant 0 : i32
      %dma_wait3A_1194 = tpu.memref_slice %arg4[%add3A_1051, %dma_wait3A_1193] : memref<8192x1024xf32, #tpu.memory_space<hbm>> -> memref<16x1024xf32, #tpu.memory_space<hbm>>
      %dma_wait3A_1195 = arith.constant 0 : i32
      %dma_wait3A_1196 = tpu.memref_slice %arg4[%add3A_1051, %dma_wait3A_1195] : memref<8192x1024xf32, #tpu.memory_space<hbm>> -> memref<16x1024xf32, #tpu.memory_space<hbm>>
      %dma_wait3A_1197 = arith.constant 0 : i32
      %dma_wait3A_1198 = arith.constant 0 : i32
      %dma_wait3A_1199 = tpu.memref_slice %arg7[%dma_wait3A_1188, %dma_wait3A_1197, %dma_wait3A_1198] : memref<7x16x1024xf32, #tpu.memory_space<vmem>> -> memref<1x16x1024xf32, #tpu.memory_space<vmem>>
      %dma_wait3A_1200 = tpu.memref_squeeze %dma_wait3A_1199 : memref<1x16x1024xf32, #tpu.memory_space<vmem>> -> memref<16x1024xf32, #tpu.memory_space<vmem>>
      tpu.wait_dma2 semaphore(%arg20 : memref<!tpu.dma_semaphore, #tpu.memory_space<semaphore_mem>>) src(%dma_wait3A_1200 : memref<16x1024xf32, #tpu.memory_space<vmem>>) dst(%dma_wait3A_1196 : memref<16x1024xf32, #tpu.memory_space<hbm>>)
      %dma_wait3A_1201 = arith.constant 6 : i32
      %dma_wait3A_1202 = arith.constant 0 : i32
      %dma_wait3A_1203 = arith.constant 0 : i32
      %dma_wait3A_1204 = tpu.memref_slice %arg7[%dma_wait3A_1201, %dma_wait3A_1202, %dma_wait3A_1203] : memref<7x16x1024xf32, #tpu.memory_space<vmem>> -> memref<1x16x1024xf32, #tpu.memory_space<vmem>>
      %dma_wait3A_1205 = tpu.memref_squeeze %dma_wait3A_1204 : memref<1x16x1024xf32, #tpu.memory_space<vmem>> -> memref<16x1024xf32, #tpu.memory_space<vmem>>
      %dma_wait3A_1206 = arith.constant 0 : i32
      %dma_wait3A_1207 = tpu.memref_slice %arg4[%add3A_1079, %dma_wait3A_1206] : memref<8192x1024xf32, #tpu.memory_space<hbm>> -> memref<16x1024xf32, #tpu.memory_space<hbm>>
      %dma_wait3A_1208 = arith.constant 0 : i32
      %dma_wait3A_1209 = tpu.memref_slice %arg4[%add3A_1079, %dma_wait3A_1208] : memref<8192x1024xf32, #tpu.memory_space<hbm>> -> memref<16x1024xf32, #tpu.memory_space<hbm>>
      %dma_wait3A_1210 = arith.constant 0 : i32
      %dma_wait3A_1211 = arith.constant 0 : i32
      %dma_wait3A_1212 = tpu.memref_slice %arg7[%dma_wait3A_1201, %dma_wait3A_1210, %dma_wait3A_1211] : memref<7x16x1024xf32, #tpu.memory_space<vmem>> -> memref<1x16x1024xf32, #tpu.memory_space<vmem>>
      %dma_wait3A_1213 = tpu.memref_squeeze %dma_wait3A_1212 : memref<1x16x1024xf32, #tpu.memory_space<vmem>> -> memref<16x1024xf32, #tpu.memory_space<vmem>>
      tpu.wait_dma2 semaphore(%arg21 : memref<!tpu.dma_semaphore, #tpu.memory_space<semaphore_mem>>) src(%dma_wait3A_1213 : memref<16x1024xf32, #tpu.memory_space<vmem>>) dst(%dma_wait3A_1209 : memref<16x1024xf32, #tpu.memory_space<hbm>>)
      %dma_wait3A_1214 = arith.constant 0 : i32
      %dma_wait3A_1215 = arith.constant 0 : i32
      %dma_wait3A_1216 = arith.constant 0 : i32
      %dma_wait3A_1217 = tpu.memref_slice %arg7[%dma_wait3A_1214, %dma_wait3A_1215, %dma_wait3A_1216] : memref<7x16x1024xf32, #tpu.memory_space<vmem>> -> memref<1x16x1024xf32, #tpu.memory_space<vmem>>
      %dma_wait3A_1218 = tpu.memref_squeeze %dma_wait3A_1217 : memref<1x16x1024xf32, #tpu.memory_space<vmem>> -> memref<16x1024xf32, #tpu.memory_space<vmem>>
      %dma_wait3A_1219 = arith.constant 0 : i32
      %dma_wait3A_1220 = tpu.memref_slice %arg4[%add3A_1107, %dma_wait3A_1219] : memref<8192x1024xf32, #tpu.memory_space<hbm>> -> memref<16x1024xf32, #tpu.memory_space<hbm>>
      %dma_wait3A_1221 = arith.constant 0 : i32
      %dma_wait3A_1222 = tpu.memref_slice %arg4[%add3A_1107, %dma_wait3A_1221] : memref<8192x1024xf32, #tpu.memory_space<hbm>> -> memref<16x1024xf32, #tpu.memory_space<hbm>>
      %dma_wait3A_1223 = arith.constant 0 : i32
      %dma_wait3A_1224 = arith.constant 0 : i32
      %dma_wait3A_1225 = tpu.memref_slice %arg7[%dma_wait3A_1214, %dma_wait3A_1223, %dma_wait3A_1224] : memref<7x16x1024xf32, #tpu.memory_space<vmem>> -> memref<1x16x1024xf32, #tpu.memory_space<vmem>>
      %dma_wait3A_1226 = tpu.memref_squeeze %dma_wait3A_1225 : memref<1x16x1024xf32, #tpu.memory_space<vmem>> -> memref<16x1024xf32, #tpu.memory_space<vmem>>
      tpu.wait_dma2 semaphore(%arg15 : memref<!tpu.dma_semaphore, #tpu.memory_space<semaphore_mem>>) src(%dma_wait3A_1226 : memref<16x1024xf32, #tpu.memory_space<vmem>>) dst(%dma_wait3A_1222 : memref<16x1024xf32, #tpu.memory_space<hbm>>)
      %dma_wait3A_1227 = arith.constant 1 : i32
      %dma_wait3A_1228 = arith.constant 0 : i32
      %dma_wait3A_1229 = arith.constant 0 : i32
      %dma_wait3A_1230 = tpu.memref_slice %arg7[%dma_wait3A_1227, %dma_wait3A_1228, %dma_wait3A_1229] : memref<7x16x1024xf32, #tpu.memory_space<vmem>> -> memref<1x16x1024xf32, #tpu.memory_space<vmem>>
      %dma_wait3A_1231 = tpu.memref_squeeze %dma_wait3A_1230 : memref<1x16x1024xf32, #tpu.memory_space<vmem>> -> memref<16x1024xf32, #tpu.memory_space<vmem>>
      %dma_wait3A_1232 = arith.constant 0 : i32
      %dma_wait3A_1233 = tpu.memref_slice %arg4[%add3A_1135, %dma_wait3A_1232] : memref<8192x1024xf32, #tpu.memory_space<hbm>> -> memref<16x1024xf32, #tpu.memory_space<hbm>>
      %dma_wait3A_1234 = arith.constant 0 : i32
      %dma_wait3A_1235 = tpu.memref_slice %arg4[%add3A_1135, %dma_wait3A_1234] : memref<8192x1024xf32, #tpu.memory_space<hbm>> -> memref<16x1024xf32, #tpu.memory_space<hbm>>
      %dma_wait3A_1236 = arith.constant 0 : i32
      %dma_wait3A_1237 = arith.constant 0 : i32
      %dma_wait3A_1238 = tpu.memref_slice %arg7[%dma_wait3A_1227, %dma_wait3A_1236, %dma_wait3A_1237] : memref<7x16x1024xf32, #tpu.memory_space<vmem>> -> memref<1x16x1024xf32, #tpu.memory_space<vmem>>
      %dma_wait3A_1239 = tpu.memref_squeeze %dma_wait3A_1238 : memref<1x16x1024xf32, #tpu.memory_space<vmem>> -> memref<16x1024xf32, #tpu.memory_space<vmem>>
      tpu.wait_dma2 semaphore(%arg16 : memref<!tpu.dma_semaphore, #tpu.memory_space<semaphore_mem>>) src(%dma_wait3A_1239 : memref<16x1024xf32, #tpu.memory_space<vmem>>) dst(%dma_wait3A_1235 : memref<16x1024xf32, #tpu.memory_space<hbm>>)
    } else {
    }
    %not3A = arith.constant true
    %not3A_342 = arith.xori %and3A_340, %not3A : i1
    %convert_element_type3A_343 = arith.extui %not3A_342 : i1 to i32
    %cond3A_344 = arith.constant 0 : i32
    %cond3A_345 = arith.cmpi ne, %convert_element_type3A_343, %cond3A_344 : i32
    scf.if %cond3A_345 {
      %dma_start3A = arith.constant 0 : i32
      %dma_start3A_346 = arith.constant 0 : i32
      %dma_start3A_347 = arith.constant 0 : i32
      %dma_start3A_348 = tpu.memref_slice %arg7[%dma_start3A, %dma_start3A_346, %dma_start3A_347] : memref<7x16x1024xf32, #tpu.memory_space<vmem>> -> memref<1x16x1024xf32, #tpu.memory_space<vmem>>
      %dma_start3A_349 = tpu.memref_squeeze %dma_start3A_348 : memref<1x16x1024xf32, #tpu.memory_space<vmem>> -> memref<16x1024xf32, #tpu.memory_space<vmem>>
      %dma_start3A_350 = arith.constant 0 : i32
      %dma_start3A_351 = tpu.memref_slice %arg6[%dma_start3A_350] : memref<256xi32, #tpu.memory_space<vmem>> -> memref<16xi32, #tpu.memory_space<vmem>>
      %dma_start3A_352 = arith.constant 0 : i32
      %dma_start3A_353 = arith.constant 0 : i32
      %dma_start3A_354 = tpu.memref_slice %arg3[%dma_start3A_352, %dma_start3A_353] : memref<8192x1024xf32, #tpu.memory_space<hbm>> -> memref<8192x1024xf32, #tpu.memory_space<hbm>>
      tpu.enqueue_indirect_dma source(%dma_start3A_354 : memref<8192x1024xf32, #tpu.memory_space<hbm>>) target(%dma_start3A_349 : memref<16x1024xf32, #tpu.memory_space<vmem>>) offsets(%dma_start3A_351 : memref<16xi32, #tpu.memory_space<vmem>>) semaphore(%arg8 : memref<!tpu.dma_semaphore, #tpu.memory_space<semaphore_mem>>)
      %dma_start3A_355 = arith.constant 1 : i32
      %dma_start3A_356 = arith.constant 0 : i32
      %dma_start3A_357 = arith.constant 0 : i32
      %dma_start3A_358 = tpu.memref_slice %arg7[%dma_start3A_355, %dma_start3A_356, %dma_start3A_357] : memref<7x16x1024xf32, #tpu.memory_space<vmem>> -> memref<1x16x1024xf32, #tpu.memory_space<vmem>>
      %dma_start3A_359 = tpu.memref_squeeze %dma_start3A_358 : memref<1x16x1024xf32, #tpu.memory_space<vmem>> -> memref<16x1024xf32, #tpu.memory_space<vmem>>
      %dma_start3A_360 = arith.constant 16 : i32
      %dma_start3A_361 = tpu.memref_slice %arg6[%dma_start3A_360] : memref<256xi32, #tpu.memory_space<vmem>> -> memref<16xi32, #tpu.memory_space<vmem>>
      %dma_start3A_362 = arith.constant 0 : i32
      %dma_start3A_363 = arith.constant 0 : i32
      %dma_start3A_364 = tpu.memref_slice %arg3[%dma_start3A_362, %dma_start3A_363] : memref<8192x1024xf32, #tpu.memory_space<hbm>> -> memref<8192x1024xf32, #tpu.memory_space<hbm>>
      tpu.enqueue_indirect_dma source(%dma_start3A_364 : memref<8192x1024xf32, #tpu.memory_space<hbm>>) target(%dma_start3A_359 : memref<16x1024xf32, #tpu.memory_space<vmem>>) offsets(%dma_start3A_361 : memref<16xi32, #tpu.memory_space<vmem>>) semaphore(%arg9 : memref<!tpu.dma_semaphore, #tpu.memory_space<semaphore_mem>>)
      %dma_start3A_365 = arith.constant 2 : i32
      %dma_start3A_366 = arith.constant 0 : i32
      %dma_start3A_367 = arith.constant 0 : i32
      %dma_start3A_368 = tpu.memref_slice %arg7[%dma_start3A_365, %dma_start3A_366, %dma_start3A_367] : memref<7x16x1024xf32, #tpu.memory_space<vmem>> -> memref<1x16x1024xf32, #tpu.memory_space<vmem>>
      %dma_start3A_369 = tpu.memref_squeeze %dma_start3A_368 : memref<1x16x1024xf32, #tpu.memory_space<vmem>> -> memref<16x1024xf32, #tpu.memory_space<vmem>>
      %dma_start3A_370 = arith.constant 32 : i32
      %dma_start3A_371 = tpu.memref_slice %arg6[%dma_start3A_370] : memref<256xi32, #tpu.memory_space<vmem>> -> memref<16xi32, #tpu.memory_space<vmem>>
      %dma_start3A_372 = arith.constant 0 : i32
      %dma_start3A_373 = arith.constant 0 : i32
      %dma_start3A_374 = tpu.memref_slice %arg3[%dma_start3A_372, %dma_start3A_373] : memref<8192x1024xf32, #tpu.memory_space<hbm>> -> memref<8192x1024xf32, #tpu.memory_space<hbm>>
      tpu.enqueue_indirect_dma source(%dma_start3A_374 : memref<8192x1024xf32, #tpu.memory_space<hbm>>) target(%dma_start3A_369 : memref<16x1024xf32, #tpu.memory_space<vmem>>) offsets(%dma_start3A_371 : memref<16xi32, #tpu.memory_space<vmem>>) semaphore(%arg10 : memref<!tpu.dma_semaphore, #tpu.memory_space<semaphore_mem>>)
      %dma_start3A_375 = arith.constant 3 : i32
      %dma_start3A_376 = arith.constant 0 : i32
      %dma_start3A_377 = arith.constant 0 : i32
      %dma_start3A_378 = tpu.memref_slice %arg7[%dma_start3A_375, %dma_start3A_376, %dma_start3A_377] : memref<7x16x1024xf32, #tpu.memory_space<vmem>> -> memref<1x16x1024xf32, #tpu.memory_space<vmem>>
      %dma_start3A_379 = tpu.memref_squeeze %dma_start3A_378 : memref<1x16x1024xf32, #tpu.memory_space<vmem>> -> memref<16x1024xf32, #tpu.memory_space<vmem>>
      %dma_start3A_380 = arith.constant 48 : i32
      %dma_start3A_381 = tpu.memref_slice %arg6[%dma_start3A_380] : memref<256xi32, #tpu.memory_space<vmem>> -> memref<16xi32, #tpu.memory_space<vmem>>
      %dma_start3A_382 = arith.constant 0 : i32
      %dma_start3A_383 = arith.constant 0 : i32
      %dma_start3A_384 = tpu.memref_slice %arg3[%dma_start3A_382, %dma_start3A_383] : memref<8192x1024xf32, #tpu.memory_space<hbm>> -> memref<8192x1024xf32, #tpu.memory_space<hbm>>
      tpu.enqueue_indirect_dma source(%dma_start3A_384 : memref<8192x1024xf32, #tpu.memory_space<hbm>>) target(%dma_start3A_379 : memref<16x1024xf32, #tpu.memory_space<vmem>>) offsets(%dma_start3A_381 : memref<16xi32, #tpu.memory_space<vmem>>) semaphore(%arg11 : memref<!tpu.dma_semaphore, #tpu.memory_space<semaphore_mem>>)
      %dma_start3A_385 = arith.constant 4 : i32
      %dma_start3A_386 = arith.constant 0 : i32
      %dma_start3A_387 = arith.constant 0 : i32
      %dma_start3A_388 = tpu.memref_slice %arg7[%dma_start3A_385, %dma_start3A_386, %dma_start3A_387] : memref<7x16x1024xf32, #tpu.memory_space<vmem>> -> memref<1x16x1024xf32, #tpu.memory_space<vmem>>
      %dma_start3A_389 = tpu.memref_squeeze %dma_start3A_388 : memref<1x16x1024xf32, #tpu.memory_space<vmem>> -> memref<16x1024xf32, #tpu.memory_space<vmem>>
      %dma_start3A_390 = arith.constant 64 : i32
      %dma_start3A_391 = tpu.memref_slice %arg6[%dma_start3A_390] : memref<256xi32, #tpu.memory_space<vmem>> -> memref<16xi32, #tpu.memory_space<vmem>>
      %dma_start3A_392 = arith.constant 0 : i32
      %dma_start3A_393 = arith.constant 0 : i32
      %dma_start3A_394 = tpu.memref_slice %arg3[%dma_start3A_392, %dma_start3A_393] : memref<8192x1024xf32, #tpu.memory_space<hbm>> -> memref<8192x1024xf32, #tpu.memory_space<hbm>>
      tpu.enqueue_indirect_dma source(%dma_start3A_394 : memref<8192x1024xf32, #tpu.memory_space<hbm>>) target(%dma_start3A_389 : memref<16x1024xf32, #tpu.memory_space<vmem>>) offsets(%dma_start3A_391 : memref<16xi32, #tpu.memory_space<vmem>>) semaphore(%arg12 : memref<!tpu.dma_semaphore, #tpu.memory_space<semaphore_mem>>)
      %dma_start3A_395 = arith.constant 5 : i32
      %dma_start3A_396 = arith.constant 0 : i32
      %dma_start3A_397 = arith.constant 0 : i32
      %dma_start3A_398 = tpu.memref_slice %arg7[%dma_start3A_395, %dma_start3A_396, %dma_start3A_397] : memref<7x16x1024xf32, #tpu.memory_space<vmem>> -> memref<1x16x1024xf32, #tpu.memory_space<vmem>>
      %dma_start3A_399 = tpu.memref_squeeze %dma_start3A_398 : memref<1x16x1024xf32, #tpu.memory_space<vmem>> -> memref<16x1024xf32, #tpu.memory_space<vmem>>
      %dma_start3A_400 = arith.constant 80 : i32
      %dma_start3A_401 = tpu.memref_slice %arg6[%dma_start3A_400] : memref<256xi32, #tpu.memory_space<vmem>> -> memref<16xi32, #tpu.memory_space<vmem>>
      %dma_start3A_402 = arith.constant 0 : i32
      %dma_start3A_403 = arith.constant 0 : i32
      %dma_start3A_404 = tpu.memref_slice %arg3[%dma_start3A_402, %dma_start3A_403] : memref<8192x1024xf32, #tpu.memory_space<hbm>> -> memref<8192x1024xf32, #tpu.memory_space<hbm>>
      tpu.enqueue_indirect_dma source(%dma_start3A_404 : memref<8192x1024xf32, #tpu.memory_space<hbm>>) target(%dma_start3A_399 : memref<16x1024xf32, #tpu.memory_space<vmem>>) offsets(%dma_start3A_401 : memref<16xi32, #tpu.memory_space<vmem>>) semaphore(%arg13 : memref<!tpu.dma_semaphore, #tpu.memory_space<semaphore_mem>>)
      %dma_start3A_405 = arith.constant 6 : i32
      %dma_start3A_406 = arith.constant 0 : i32
      %dma_start3A_407 = arith.constant 0 : i32
      %dma_start3A_408 = tpu.memref_slice %arg7[%dma_start3A_405, %dma_start3A_406, %dma_start3A_407] : memref<7x16x1024xf32, #tpu.memory_space<vmem>> -> memref<1x16x1024xf32, #tpu.memory_space<vmem>>
      %dma_start3A_409 = tpu.memref_squeeze %dma_start3A_408 : memref<1x16x1024xf32, #tpu.memory_space<vmem>> -> memref<16x1024xf32, #tpu.memory_space<vmem>>
      %dma_start3A_410 = arith.constant 96 : i32
      %dma_start3A_411 = tpu.memref_slice %arg6[%dma_start3A_410] : memref<256xi32, #tpu.memory_space<vmem>> -> memref<16xi32, #tpu.memory_space<vmem>>
      %dma_start3A_412 = arith.constant 0 : i32
      %dma_start3A_413 = arith.constant 0 : i32
      %dma_start3A_414 = tpu.memref_slice %arg3[%dma_start3A_412, %dma_start3A_413] : memref<8192x1024xf32, #tpu.memory_space<hbm>> -> memref<8192x1024xf32, #tpu.memory_space<hbm>>
      tpu.enqueue_indirect_dma source(%dma_start3A_414 : memref<8192x1024xf32, #tpu.memory_space<hbm>>) target(%dma_start3A_409 : memref<16x1024xf32, #tpu.memory_space<vmem>>) offsets(%dma_start3A_411 : memref<16xi32, #tpu.memory_space<vmem>>) semaphore(%arg14 : memref<!tpu.dma_semaphore, #tpu.memory_space<semaphore_mem>>)
      %dma_wait3A = arith.constant 0 : i32
      %dma_wait3A_415 = arith.constant 0 : i32
      %dma_wait3A_416 = arith.constant 0 : i32
      %dma_wait3A_417 = tpu.memref_slice %arg7[%dma_wait3A, %dma_wait3A_415, %dma_wait3A_416] : memref<7x16x1024xf32, #tpu.memory_space<vmem>> -> memref<1x16x1024xf32, #tpu.memory_space<vmem>>
      %dma_wait3A_418 = tpu.memref_squeeze %dma_wait3A_417 : memref<1x16x1024xf32, #tpu.memory_space<vmem>> -> memref<16x1024xf32, #tpu.memory_space<vmem>>
      %dma_wait3A_419 = arith.constant 0 : i32
      %dma_wait3A_420 = tpu.memref_slice %arg6[%dma_wait3A_419] : memref<256xi32, #tpu.memory_space<vmem>> -> memref<16xi32, #tpu.memory_space<vmem>>
      %dma_wait3A_421 = arith.constant 0 : i32
      %dma_wait3A_422 = arith.constant 0 : i32
      %dma_wait3A_423 = tpu.memref_slice %arg3[%dma_wait3A_421, %dma_wait3A_422] : memref<8192x1024xf32, #tpu.memory_space<hbm>> -> memref<8192x1024xf32, #tpu.memory_space<hbm>>
      tpu.wait_indirect_dma semaphore(%arg8 : memref<!tpu.dma_semaphore, #tpu.memory_space<semaphore_mem>>) src(%dma_wait3A_423 : memref<8192x1024xf32, #tpu.memory_space<hbm>>) dst(%dma_wait3A_418 : memref<16x1024xf32, #tpu.memory_space<vmem>>)
      %add3A_424 = arith.constant 0 : i32
      %add3A_425 = arith.addi %mul3A_2, %add3A_424 : i32
      %dma_start3A_426 = arith.constant 0 : i32
      %dma_start3A_427 = arith.constant 0 : i32
      %dma_start3A_428 = arith.constant 0 : i32
      %dma_start3A_429 = tpu.memref_slice %arg7[%dma_start3A_426, %dma_start3A_427, %dma_start3A_428] : memref<7x16x1024xf32, #tpu.memory_space<vmem>> -> memref<1x16x1024xf32, #tpu.memory_space<vmem>>
      %dma_start3A_430 = tpu.memref_squeeze %dma_start3A_429 : memref<1x16x1024xf32, #tpu.memory_space<vmem>> -> memref<16x1024xf32, #tpu.memory_space<vmem>>
      %dma_start3A_431 = arith.constant 0 : i32
      %dma_start3A_432 = tpu.memref_slice %arg4[%add3A_425, %dma_start3A_431] : memref<8192x1024xf32, #tpu.memory_space<hbm>> -> memref<16x1024xf32, #tpu.memory_space<hbm>>
      %dma_start3A_433 = arith.constant 0 : i32
      %dma_start3A_434 = tpu.memref_slice %arg4[%add3A_425, %dma_start3A_433] : memref<8192x1024xf32, #tpu.memory_space<hbm>> -> memref<16x1024xf32, #tpu.memory_space<hbm>>
      %dma_start3A_435 = arith.constant 0 : i32
      %dma_start3A_436 = arith.constant 0 : i32
      %dma_start3A_437 = tpu.memref_slice %arg7[%dma_start3A_426, %dma_start3A_435, %dma_start3A_436] : memref<7x16x1024xf32, #tpu.memory_space<vmem>> -> memref<1x16x1024xf32, #tpu.memory_space<vmem>>
      %dma_start3A_438 = tpu.memref_squeeze %dma_start3A_437 : memref<1x16x1024xf32, #tpu.memory_space<vmem>> -> memref<16x1024xf32, #tpu.memory_space<vmem>>
      tpu.enqueue_dma source(%dma_start3A_438 : memref<16x1024xf32, #tpu.memory_space<vmem>>) target(%dma_start3A_434 : memref<16x1024xf32, #tpu.memory_space<hbm>>) target_semaphore(%arg15 : memref<!tpu.dma_semaphore, #tpu.memory_space<semaphore_mem>>)
      %dma_wait3A_439 = arith.constant 0 : i32
      %dma_wait3A_440 = arith.constant 0 : i32
      %dma_wait3A_441 = arith.constant 0 : i32
      %dma_wait3A_442 = tpu.memref_slice %arg7[%dma_wait3A_439, %dma_wait3A_440, %dma_wait3A_441] : memref<7x16x1024xf32, #tpu.memory_space<vmem>> -> memref<1x16x1024xf32, #tpu.memory_space<vmem>>
      %dma_wait3A_443 = tpu.memref_squeeze %dma_wait3A_442 : memref<1x16x1024xf32, #tpu.memory_space<vmem>> -> memref<16x1024xf32, #tpu.memory_space<vmem>>
      %dma_wait3A_444 = arith.constant 0 : i32
      %dma_wait3A_445 = tpu.memref_slice %arg4[%add3A_425, %dma_wait3A_444] : memref<8192x1024xf32, #tpu.memory_space<hbm>> -> memref<16x1024xf32, #tpu.memory_space<hbm>>
      %dma_wait3A_446 = arith.constant 0 : i32
      %dma_wait3A_447 = tpu.memref_slice %arg4[%add3A_425, %dma_wait3A_446] : memref<8192x1024xf32, #tpu.memory_space<hbm>> -> memref<16x1024xf32, #tpu.memory_space<hbm>>
      %dma_wait3A_448 = arith.constant 0 : i32
      %dma_wait3A_449 = arith.constant 0 : i32
      %dma_wait3A_450 = tpu.memref_slice %arg7[%dma_wait3A_439, %dma_wait3A_448, %dma_wait3A_449] : memref<7x16x1024xf32, #tpu.memory_space<vmem>> -> memref<1x16x1024xf32, #tpu.memory_space<vmem>>
      %dma_wait3A_451 = tpu.memref_squeeze %dma_wait3A_450 : memref<1x16x1024xf32, #tpu.memory_space<vmem>> -> memref<16x1024xf32, #tpu.memory_space<vmem>>
      tpu.wait_dma2 semaphore(%arg15 : memref<!tpu.dma_semaphore, #tpu.memory_space<semaphore_mem>>) src(%dma_wait3A_451 : memref<16x1024xf32, #tpu.memory_space<vmem>>) dst(%dma_wait3A_447 : memref<16x1024xf32, #tpu.memory_space<hbm>>)
      %dma_start3A_452 = arith.constant 0 : i32
      %dma_start3A_453 = arith.constant 0 : i32
      %dma_start3A_454 = arith.constant 0 : i32
      %dma_start3A_455 = tpu.memref_slice %arg7[%dma_start3A_452, %dma_start3A_453, %dma_start3A_454] : memref<7x16x1024xf32, #tpu.memory_space<vmem>> -> memref<1x16x1024xf32, #tpu.memory_space<vmem>>
      %dma_start3A_456 = tpu.memref_squeeze %dma_start3A_455 : memref<1x16x1024xf32, #tpu.memory_space<vmem>> -> memref<16x1024xf32, #tpu.memory_space<vmem>>
      %dma_start3A_457 = arith.constant 112 : i32
      %dma_start3A_458 = tpu.memref_slice %arg6[%dma_start3A_457] : memref<256xi32, #tpu.memory_space<vmem>> -> memref<16xi32, #tpu.memory_space<vmem>>
      %dma_start3A_459 = arith.constant 0 : i32
      %dma_start3A_460 = arith.constant 0 : i32
      %dma_start3A_461 = tpu.memref_slice %arg3[%dma_start3A_459, %dma_start3A_460] : memref<8192x1024xf32, #tpu.memory_space<hbm>> -> memref<8192x1024xf32, #tpu.memory_space<hbm>>
      tpu.enqueue_indirect_dma source(%dma_start3A_461 : memref<8192x1024xf32, #tpu.memory_space<hbm>>) target(%dma_start3A_456 : memref<16x1024xf32, #tpu.memory_space<vmem>>) offsets(%dma_start3A_458 : memref<16xi32, #tpu.memory_space<vmem>>) semaphore(%arg8 : memref<!tpu.dma_semaphore, #tpu.memory_space<semaphore_mem>>)
      %dma_wait3A_462 = arith.constant 1 : i32
      %dma_wait3A_463 = arith.constant 0 : i32
      %dma_wait3A_464 = arith.constant 0 : i32
      %dma_wait3A_465 = tpu.memref_slice %arg7[%dma_wait3A_462, %dma_wait3A_463, %dma_wait3A_464] : memref<7x16x1024xf32, #tpu.memory_space<vmem>> -> memref<1x16x1024xf32, #tpu.memory_space<vmem>>
      %dma_wait3A_466 = tpu.memref_squeeze %dma_wait3A_465 : memref<1x16x1024xf32, #tpu.memory_space<vmem>> -> memref<16x1024xf32, #tpu.memory_space<vmem>>
      %dma_wait3A_467 = arith.constant 16 : i32
      %dma_wait3A_468 = tpu.memref_slice %arg6[%dma_wait3A_467] : memref<256xi32, #tpu.memory_space<vmem>> -> memref<16xi32, #tpu.memory_space<vmem>>
      %dma_wait3A_469 = arith.constant 0 : i32
      %dma_wait3A_470 = arith.constant 0 : i32
      %dma_wait3A_471 = tpu.memref_slice %arg3[%dma_wait3A_469, %dma_wait3A_470] : memref<8192x1024xf32, #tpu.memory_space<hbm>> -> memref<8192x1024xf32, #tpu.memory_space<hbm>>
      tpu.wait_indirect_dma semaphore(%arg9 : memref<!tpu.dma_semaphore, #tpu.memory_space<semaphore_mem>>) src(%dma_wait3A_471 : memref<8192x1024xf32, #tpu.memory_space<hbm>>) dst(%dma_wait3A_466 : memref<16x1024xf32, #tpu.memory_space<vmem>>)
      %add3A_472 = arith.constant 16 : i32
      %add3A_473 = arith.addi %mul3A_2, %add3A_472 : i32
      %dma_start3A_474 = arith.constant 1 : i32
      %dma_start3A_475 = arith.constant 0 : i32
      %dma_start3A_476 = arith.constant 0 : i32
      %dma_start3A_477 = tpu.memref_slice %arg7[%dma_start3A_474, %dma_start3A_475, %dma_start3A_476] : memref<7x16x1024xf32, #tpu.memory_space<vmem>> -> memref<1x16x1024xf32, #tpu.memory_space<vmem>>
      %dma_start3A_478 = tpu.memref_squeeze %dma_start3A_477 : memref<1x16x1024xf32, #tpu.memory_space<vmem>> -> memref<16x1024xf32, #tpu.memory_space<vmem>>
      %dma_start3A_479 = arith.constant 0 : i32
      %dma_start3A_480 = tpu.memref_slice %arg4[%add3A_473, %dma_start3A_479] : memref<8192x1024xf32, #tpu.memory_space<hbm>> -> memref<16x1024xf32, #tpu.memory_space<hbm>>
      %dma_start3A_481 = arith.constant 0 : i32
      %dma_start3A_482 = tpu.memref_slice %arg4[%add3A_473, %dma_start3A_481] : memref<8192x1024xf32, #tpu.memory_space<hbm>> -> memref<16x1024xf32, #tpu.memory_space<hbm>>
      %dma_start3A_483 = arith.constant 0 : i32
      %dma_start3A_484 = arith.constant 0 : i32
      %dma_start3A_485 = tpu.memref_slice %arg7[%dma_start3A_474, %dma_start3A_483, %dma_start3A_484] : memref<7x16x1024xf32, #tpu.memory_space<vmem>> -> memref<1x16x1024xf32, #tpu.memory_space<vmem>>
      %dma_start3A_486 = tpu.memref_squeeze %dma_start3A_485 : memref<1x16x1024xf32, #tpu.memory_space<vmem>> -> memref<16x1024xf32, #tpu.memory_space<vmem>>
      tpu.enqueue_dma source(%dma_start3A_486 : memref<16x1024xf32, #tpu.memory_space<vmem>>) target(%dma_start3A_482 : memref<16x1024xf32, #tpu.memory_space<hbm>>) target_semaphore(%arg16 : memref<!tpu.dma_semaphore, #tpu.memory_space<semaphore_mem>>)
      %dma_wait3A_487 = arith.constant 1 : i32
      %dma_wait3A_488 = arith.constant 0 : i32
      %dma_wait3A_489 = arith.constant 0 : i32
      %dma_wait3A_490 = tpu.memref_slice %arg7[%dma_wait3A_487, %dma_wait3A_488, %dma_wait3A_489] : memref<7x16x1024xf32, #tpu.memory_space<vmem>> -> memref<1x16x1024xf32, #tpu.memory_space<vmem>>
      %dma_wait3A_491 = tpu.memref_squeeze %dma_wait3A_490 : memref<1x16x1024xf32, #tpu.memory_space<vmem>> -> memref<16x1024xf32, #tpu.memory_space<vmem>>
      %dma_wait3A_492 = arith.constant 0 : i32
      %dma_wait3A_493 = tpu.memref_slice %arg4[%add3A_473, %dma_wait3A_492] : memref<8192x1024xf32, #tpu.memory_space<hbm>> -> memref<16x1024xf32, #tpu.memory_space<hbm>>
      %dma_wait3A_494 = arith.constant 0 : i32
      %dma_wait3A_495 = tpu.memref_slice %arg4[%add3A_473, %dma_wait3A_494] : memref<8192x1024xf32, #tpu.memory_space<hbm>> -> memref<16x1024xf32, #tpu.memory_space<hbm>>
      %dma_wait3A_496 = arith.constant 0 : i32
      %dma_wait3A_497 = arith.constant 0 : i32
      %dma_wait3A_498 = tpu.memref_slice %arg7[%dma_wait3A_487, %dma_wait3A_496, %dma_wait3A_497] : memref<7x16x1024xf32, #tpu.memory_space<vmem>> -> memref<1x16x1024xf32, #tpu.memory_space<vmem>>
      %dma_wait3A_499 = tpu.memref_squeeze %dma_wait3A_498 : memref<1x16x1024xf32, #tpu.memory_space<vmem>> -> memref<16x1024xf32, #tpu.memory_space<vmem>>
      tpu.wait_dma2 semaphore(%arg16 : memref<!tpu.dma_semaphore, #tpu.memory_space<semaphore_mem>>) src(%dma_wait3A_499 : memref<16x1024xf32, #tpu.memory_space<vmem>>) dst(%dma_wait3A_495 : memref<16x1024xf32, #tpu.memory_space<hbm>>)
      %dma_start3A_500 = arith.constant 1 : i32
      %dma_start3A_501 = arith.constant 0 : i32
      %dma_start3A_502 = arith.constant 0 : i32
      %dma_start3A_503 = tpu.memref_slice %arg7[%dma_start3A_500, %dma_start3A_501, %dma_start3A_502] : memref<7x16x1024xf32, #tpu.memory_space<vmem>> -> memref<1x16x1024xf32, #tpu.memory_space<vmem>>
      %dma_start3A_504 = tpu.memref_squeeze %dma_start3A_503 : memref<1x16x1024xf32, #tpu.memory_space<vmem>> -> memref<16x1024xf32, #tpu.memory_space<vmem>>
      %dma_start3A_505 = arith.constant 128 : i32
      %dma_start3A_506 = tpu.memref_slice %arg6[%dma_start3A_505] : memref<256xi32, #tpu.memory_space<vmem>> -> memref<16xi32, #tpu.memory_space<vmem>>
      %dma_start3A_507 = arith.constant 0 : i32
      %dma_start3A_508 = arith.constant 0 : i32
      %dma_start3A_509 = tpu.memref_slice %arg3[%dma_start3A_507, %dma_start3A_508] : memref<8192x1024xf32, #tpu.memory_space<hbm>> -> memref<8192x1024xf32, #tpu.memory_space<hbm>>
      tpu.enqueue_indirect_dma source(%dma_start3A_509 : memref<8192x1024xf32, #tpu.memory_space<hbm>>) target(%dma_start3A_504 : memref<16x1024xf32, #tpu.memory_space<vmem>>) offsets(%dma_start3A_506 : memref<16xi32, #tpu.memory_space<vmem>>) semaphore(%arg9 : memref<!tpu.dma_semaphore, #tpu.memory_space<semaphore_mem>>)
      %dma_wait3A_510 = arith.constant 2 : i32
      %dma_wait3A_511 = arith.constant 0 : i32
      %dma_wait3A_512 = arith.constant 0 : i32
      %dma_wait3A_513 = tpu.memref_slice %arg7[%dma_wait3A_510, %dma_wait3A_511, %dma_wait3A_512] : memref<7x16x1024xf32, #tpu.memory_space<vmem>> -> memref<1x16x1024xf32, #tpu.memory_space<vmem>>
      %dma_wait3A_514 = tpu.memref_squeeze %dma_wait3A_513 : memref<1x16x1024xf32, #tpu.memory_space<vmem>> -> memref<16x1024xf32, #tpu.memory_space<vmem>>
      %dma_wait3A_515 = arith.constant 32 : i32
      %dma_wait3A_516 = tpu.memref_slice %arg6[%dma_wait3A_515] : memref<256xi32, #tpu.memory_space<vmem>> -> memref<16xi32, #tpu.memory_space<vmem>>
      %dma_wait3A_517 = arith.constant 0 : i32
      %dma_wait3A_518 = arith.constant 0 : i32
      %dma_wait3A_519 = tpu.memref_slice %arg3[%dma_wait3A_517, %dma_wait3A_518] : memref<8192x1024xf32, #tpu.memory_space<hbm>> -> memref<8192x1024xf32, #tpu.memory_space<hbm>>
      tpu.wait_indirect_dma semaphore(%arg10 : memref<!tpu.dma_semaphore, #tpu.memory_space<semaphore_mem>>) src(%dma_wait3A_519 : memref<8192x1024xf32, #tpu.memory_space<hbm>>) dst(%dma_wait3A_514 : memref<16x1024xf32, #tpu.memory_space<vmem>>)
      %add3A_520 = arith.constant 32 : i32
      %add3A_521 = arith.addi %mul3A_2, %add3A_520 : i32
      %dma_start3A_522 = arith.constant 2 : i32
      %dma_start3A_523 = arith.constant 0 : i32
      %dma_start3A_524 = arith.constant 0 : i32
      %dma_start3A_525 = tpu.memref_slice %arg7[%dma_start3A_522, %dma_start3A_523, %dma_start3A_524] : memref<7x16x1024xf32, #tpu.memory_space<vmem>> -> memref<1x16x1024xf32, #tpu.memory_space<vmem>>
      %dma_start3A_526 = tpu.memref_squeeze %dma_start3A_525 : memref<1x16x1024xf32, #tpu.memory_space<vmem>> -> memref<16x1024xf32, #tpu.memory_space<vmem>>
      %dma_start3A_527 = arith.constant 0 : i32
      %dma_start3A_528 = tpu.memref_slice %arg4[%add3A_521, %dma_start3A_527] : memref<8192x1024xf32, #tpu.memory_space<hbm>> -> memref<16x1024xf32, #tpu.memory_space<hbm>>
      %dma_start3A_529 = arith.constant 0 : i32
      %dma_start3A_530 = tpu.memref_slice %arg4[%add3A_521, %dma_start3A_529] : memref<8192x1024xf32, #tpu.memory_space<hbm>> -> memref<16x1024xf32, #tpu.memory_space<hbm>>
      %dma_start3A_531 = arith.constant 0 : i32
      %dma_start3A_532 = arith.constant 0 : i32
      %dma_start3A_533 = tpu.memref_slice %arg7[%dma_start3A_522, %dma_start3A_531, %dma_start3A_532] : memref<7x16x1024xf32, #tpu.memory_space<vmem>> -> memref<1x16x1024xf32, #tpu.memory_space<vmem>>
      %dma_start3A_534 = tpu.memref_squeeze %dma_start3A_533 : memref<1x16x1024xf32, #tpu.memory_space<vmem>> -> memref<16x1024xf32, #tpu.memory_space<vmem>>
      tpu.enqueue_dma source(%dma_start3A_534 : memref<16x1024xf32, #tpu.memory_space<vmem>>) target(%dma_start3A_530 : memref<16x1024xf32, #tpu.memory_space<hbm>>) target_semaphore(%arg17 : memref<!tpu.dma_semaphore, #tpu.memory_space<semaphore_mem>>)
      %dma_wait3A_535 = arith.constant 2 : i32
      %dma_wait3A_536 = arith.constant 0 : i32
      %dma_wait3A_537 = arith.constant 0 : i32
      %dma_wait3A_538 = tpu.memref_slice %arg7[%dma_wait3A_535, %dma_wait3A_536, %dma_wait3A_537] : memref<7x16x1024xf32, #tpu.memory_space<vmem>> -> memref<1x16x1024xf32, #tpu.memory_space<vmem>>
      %dma_wait3A_539 = tpu.memref_squeeze %dma_wait3A_538 : memref<1x16x1024xf32, #tpu.memory_space<vmem>> -> memref<16x1024xf32, #tpu.memory_space<vmem>>
      %dma_wait3A_540 = arith.constant 0 : i32
      %dma_wait3A_541 = tpu.memref_slice %arg4[%add3A_521, %dma_wait3A_540] : memref<8192x1024xf32, #tpu.memory_space<hbm>> -> memref<16x1024xf32, #tpu.memory_space<hbm>>
      %dma_wait3A_542 = arith.constant 0 : i32
      %dma_wait3A_543 = tpu.memref_slice %arg4[%add3A_521, %dma_wait3A_542] : memref<8192x1024xf32, #tpu.memory_space<hbm>> -> memref<16x1024xf32, #tpu.memory_space<hbm>>
      %dma_wait3A_544 = arith.constant 0 : i32
      %dma_wait3A_545 = arith.constant 0 : i32
      %dma_wait3A_546 = tpu.memref_slice %arg7[%dma_wait3A_535, %dma_wait3A_544, %dma_wait3A_545] : memref<7x16x1024xf32, #tpu.memory_space<vmem>> -> memref<1x16x1024xf32, #tpu.memory_space<vmem>>
      %dma_wait3A_547 = tpu.memref_squeeze %dma_wait3A_546 : memref<1x16x1024xf32, #tpu.memory_space<vmem>> -> memref<16x1024xf32, #tpu.memory_space<vmem>>
      tpu.wait_dma2 semaphore(%arg17 : memref<!tpu.dma_semaphore, #tpu.memory_space<semaphore_mem>>) src(%dma_wait3A_547 : memref<16x1024xf32, #tpu.memory_space<vmem>>) dst(%dma_wait3A_543 : memref<16x1024xf32, #tpu.memory_space<hbm>>)
      %dma_start3A_548 = arith.constant 2 : i32
      %dma_start3A_549 = arith.constant 0 : i32
      %dma_start3A_550 = arith.constant 0 : i32
      %dma_start3A_551 = tpu.memref_slice %arg7[%dma_start3A_548, %dma_start3A_549, %dma_start3A_550] : memref<7x16x1024xf32, #tpu.memory_space<vmem>> -> memref<1x16x1024xf32, #tpu.memory_space<vmem>>
      %dma_start3A_552 = tpu.memref_squeeze %dma_start3A_551 : memref<1x16x1024xf32, #tpu.memory_space<vmem>> -> memref<16x1024xf32, #tpu.memory_space<vmem>>
      %dma_start3A_553 = arith.constant 144 : i32
      %dma_start3A_554 = tpu.memref_slice %arg6[%dma_start3A_553] : memref<256xi32, #tpu.memory_space<vmem>> -> memref<16xi32, #tpu.memory_space<vmem>>
      %dma_start3A_555 = arith.constant 0 : i32
      %dma_start3A_556 = arith.constant 0 : i32
      %dma_start3A_557 = tpu.memref_slice %arg3[%dma_start3A_555, %dma_start3A_556] : memref<8192x1024xf32, #tpu.memory_space<hbm>> -> memref<8192x1024xf32, #tpu.memory_space<hbm>>
      tpu.enqueue_indirect_dma source(%dma_start3A_557 : memref<8192x1024xf32, #tpu.memory_space<hbm>>) target(%dma_start3A_552 : memref<16x1024xf32, #tpu.memory_space<vmem>>) offsets(%dma_start3A_554 : memref<16xi32, #tpu.memory_space<vmem>>) semaphore(%arg10 : memref<!tpu.dma_semaphore, #tpu.memory_space<semaphore_mem>>)
      %dma_wait3A_558 = arith.constant 3 : i32
      %dma_wait3A_559 = arith.constant 0 : i32
      %dma_wait3A_560 = arith.constant 0 : i32
      %dma_wait3A_561 = tpu.memref_slice %arg7[%dma_wait3A_558, %dma_wait3A_559, %dma_wait3A_560] : memref<7x16x1024xf32, #tpu.memory_space<vmem>> -> memref<1x16x1024xf32, #tpu.memory_space<vmem>>
      %dma_wait3A_562 = tpu.memref_squeeze %dma_wait3A_561 : memref<1x16x1024xf32, #tpu.memory_space<vmem>> -> memref<16x1024xf32, #tpu.memory_space<vmem>>
      %dma_wait3A_563 = arith.constant 48 : i32
      %dma_wait3A_564 = tpu.memref_slice %arg6[%dma_wait3A_563] : memref<256xi32, #tpu.memory_space<vmem>> -> memref<16xi32, #tpu.memory_space<vmem>>
      %dma_wait3A_565 = arith.constant 0 : i32
      %dma_wait3A_566 = arith.constant 0 : i32
      %dma_wait3A_567 = tpu.memref_slice %arg3[%dma_wait3A_565, %dma_wait3A_566] : memref<8192x1024xf32, #tpu.memory_space<hbm>> -> memref<8192x1024xf32, #tpu.memory_space<hbm>>
      tpu.wait_indirect_dma semaphore(%arg11 : memref<!tpu.dma_semaphore, #tpu.memory_space<semaphore_mem>>) src(%dma_wait3A_567 : memref<8192x1024xf32, #tpu.memory_space<hbm>>) dst(%dma_wait3A_562 : memref<16x1024xf32, #tpu.memory_space<vmem>>)
      %add3A_568 = arith.constant 48 : i32
      %add3A_569 = arith.addi %mul3A_2, %add3A_568 : i32
      %dma_start3A_570 = arith.constant 3 : i32
      %dma_start3A_571 = arith.constant 0 : i32
      %dma_start3A_572 = arith.constant 0 : i32
      %dma_start3A_573 = tpu.memref_slice %arg7[%dma_start3A_570, %dma_start3A_571, %dma_start3A_572] : memref<7x16x1024xf32, #tpu.memory_space<vmem>> -> memref<1x16x1024xf32, #tpu.memory_space<vmem>>
      %dma_start3A_574 = tpu.memref_squeeze %dma_start3A_573 : memref<1x16x1024xf32, #tpu.memory_space<vmem>> -> memref<16x1024xf32, #tpu.memory_space<vmem>>
      %dma_start3A_575 = arith.constant 0 : i32
      %dma_start3A_576 = tpu.memref_slice %arg4[%add3A_569, %dma_start3A_575] : memref<8192x1024xf32, #tpu.memory_space<hbm>> -> memref<16x1024xf32, #tpu.memory_space<hbm>>
      %dma_start3A_577 = arith.constant 0 : i32
      %dma_start3A_578 = tpu.memref_slice %arg4[%add3A_569, %dma_start3A_577] : memref<8192x1024xf32, #tpu.memory_space<hbm>> -> memref<16x1024xf32, #tpu.memory_space<hbm>>
      %dma_start3A_579 = arith.constant 0 : i32
      %dma_start3A_580 = arith.constant 0 : i32
      %dma_start3A_581 = tpu.memref_slice %arg7[%dma_start3A_570, %dma_start3A_579, %dma_start3A_580] : memref<7x16x1024xf32, #tpu.memory_space<vmem>> -> memref<1x16x1024xf32, #tpu.memory_space<vmem>>
      %dma_start3A_582 = tpu.memref_squeeze %dma_start3A_581 : memref<1x16x1024xf32, #tpu.memory_space<vmem>> -> memref<16x1024xf32, #tpu.memory_space<vmem>>
      tpu.enqueue_dma source(%dma_start3A_582 : memref<16x1024xf32, #tpu.memory_space<vmem>>) target(%dma_start3A_578 : memref<16x1024xf32, #tpu.memory_space<hbm>>) target_semaphore(%arg18 : memref<!tpu.dma_semaphore, #tpu.memory_space<semaphore_mem>>)
      %dma_wait3A_583 = arith.constant 3 : i32
      %dma_wait3A_584 = arith.constant 0 : i32
      %dma_wait3A_585 = arith.constant 0 : i32
      %dma_wait3A_586 = tpu.memref_slice %arg7[%dma_wait3A_583, %dma_wait3A_584, %dma_wait3A_585] : memref<7x16x1024xf32, #tpu.memory_space<vmem>> -> memref<1x16x1024xf32, #tpu.memory_space<vmem>>
      %dma_wait3A_587 = tpu.memref_squeeze %dma_wait3A_586 : memref<1x16x1024xf32, #tpu.memory_space<vmem>> -> memref<16x1024xf32, #tpu.memory_space<vmem>>
      %dma_wait3A_588 = arith.constant 0 : i32
      %dma_wait3A_589 = tpu.memref_slice %arg4[%add3A_569, %dma_wait3A_588] : memref<8192x1024xf32, #tpu.memory_space<hbm>> -> memref<16x1024xf32, #tpu.memory_space<hbm>>
      %dma_wait3A_590 = arith.constant 0 : i32
      %dma_wait3A_591 = tpu.memref_slice %arg4[%add3A_569, %dma_wait3A_590] : memref<8192x1024xf32, #tpu.memory_space<hbm>> -> memref<16x1024xf32, #tpu.memory_space<hbm>>
      %dma_wait3A_592 = arith.constant 0 : i32
      %dma_wait3A_593 = arith.constant 0 : i32
      %dma_wait3A_594 = tpu.memref_slice %arg7[%dma_wait3A_583, %dma_wait3A_592, %dma_wait3A_593] : memref<7x16x1024xf32, #tpu.memory_space<vmem>> -> memref<1x16x1024xf32, #tpu.memory_space<vmem>>
      %dma_wait3A_595 = tpu.memref_squeeze %dma_wait3A_594 : memref<1x16x1024xf32, #tpu.memory_space<vmem>> -> memref<16x1024xf32, #tpu.memory_space<vmem>>
      tpu.wait_dma2 semaphore(%arg18 : memref<!tpu.dma_semaphore, #tpu.memory_space<semaphore_mem>>) src(%dma_wait3A_595 : memref<16x1024xf32, #tpu.memory_space<vmem>>) dst(%dma_wait3A_591 : memref<16x1024xf32, #tpu.memory_space<hbm>>)
      %dma_start3A_596 = arith.constant 3 : i32
      %dma_start3A_597 = arith.constant 0 : i32
      %dma_start3A_598 = arith.constant 0 : i32
      %dma_start3A_599 = tpu.memref_slice %arg7[%dma_start3A_596, %dma_start3A_597, %dma_start3A_598] : memref<7x16x1024xf32, #tpu.memory_space<vmem>> -> memref<1x16x1024xf32, #tpu.memory_space<vmem>>
      %dma_start3A_600 = tpu.memref_squeeze %dma_start3A_599 : memref<1x16x1024xf32, #tpu.memory_space<vmem>> -> memref<16x1024xf32, #tpu.memory_space<vmem>>
      %dma_start3A_601 = arith.constant 160 : i32
      %dma_start3A_602 = tpu.memref_slice %arg6[%dma_start3A_601] : memref<256xi32, #tpu.memory_space<vmem>> -> memref<16xi32, #tpu.memory_space<vmem>>
      %dma_start3A_603 = arith.constant 0 : i32
      %dma_start3A_604 = arith.constant 0 : i32
      %dma_start3A_605 = tpu.memref_slice %arg3[%dma_start3A_603, %dma_start3A_604] : memref<8192x1024xf32, #tpu.memory_space<hbm>> -> memref<8192x1024xf32, #tpu.memory_space<hbm>>
      tpu.enqueue_indirect_dma source(%dma_start3A_605 : memref<8192x1024xf32, #tpu.memory_space<hbm>>) target(%dma_start3A_600 : memref<16x1024xf32, #tpu.memory_space<vmem>>) offsets(%dma_start3A_602 : memref<16xi32, #tpu.memory_space<vmem>>) semaphore(%arg11 : memref<!tpu.dma_semaphore, #tpu.memory_space<semaphore_mem>>)
      %dma_wait3A_606 = arith.constant 4 : i32
      %dma_wait3A_607 = arith.constant 0 : i32
      %dma_wait3A_608 = arith.constant 0 : i32
      %dma_wait3A_609 = tpu.memref_slice %arg7[%dma_wait3A_606, %dma_wait3A_607, %dma_wait3A_608] : memref<7x16x1024xf32, #tpu.memory_space<vmem>> -> memref<1x16x1024xf32, #tpu.memory_space<vmem>>
      %dma_wait3A_610 = tpu.memref_squeeze %dma_wait3A_609 : memref<1x16x1024xf32, #tpu.memory_space<vmem>> -> memref<16x1024xf32, #tpu.memory_space<vmem>>
      %dma_wait3A_611 = arith.constant 64 : i32
      %dma_wait3A_612 = tpu.memref_slice %arg6[%dma_wait3A_611] : memref<256xi32, #tpu.memory_space<vmem>> -> memref<16xi32, #tpu.memory_space<vmem>>
      %dma_wait3A_613 = arith.constant 0 : i32
      %dma_wait3A_614 = arith.constant 0 : i32
      %dma_wait3A_615 = tpu.memref_slice %arg3[%dma_wait3A_613, %dma_wait3A_614] : memref<8192x1024xf32, #tpu.memory_space<hbm>> -> memref<8192x1024xf32, #tpu.memory_space<hbm>>
      tpu.wait_indirect_dma semaphore(%arg12 : memref<!tpu.dma_semaphore, #tpu.memory_space<semaphore_mem>>) src(%dma_wait3A_615 : memref<8192x1024xf32, #tpu.memory_space<hbm>>) dst(%dma_wait3A_610 : memref<16x1024xf32, #tpu.memory_space<vmem>>)
      %add3A_616 = arith.constant 64 : i32
      %add3A_617 = arith.addi %mul3A_2, %add3A_616 : i32
      %dma_start3A_618 = arith.constant 4 : i32
      %dma_start3A_619 = arith.constant 0 : i32
      %dma_start3A_620 = arith.constant 0 : i32
      %dma_start3A_621 = tpu.memref_slice %arg7[%dma_start3A_618, %dma_start3A_619, %dma_start3A_620] : memref<7x16x1024xf32, #tpu.memory_space<vmem>> -> memref<1x16x1024xf32, #tpu.memory_space<vmem>>
      %dma_start3A_622 = tpu.memref_squeeze %dma_start3A_621 : memref<1x16x1024xf32, #tpu.memory_space<vmem>> -> memref<16x1024xf32, #tpu.memory_space<vmem>>
      %dma_start3A_623 = arith.constant 0 : i32
      %dma_start3A_624 = tpu.memref_slice %arg4[%add3A_617, %dma_start3A_623] : memref<8192x1024xf32, #tpu.memory_space<hbm>> -> memref<16x1024xf32, #tpu.memory_space<hbm>>
      %dma_start3A_625 = arith.constant 0 : i32
      %dma_start3A_626 = tpu.memref_slice %arg4[%add3A_617, %dma_start3A_625] : memref<8192x1024xf32, #tpu.memory_space<hbm>> -> memref<16x1024xf32, #tpu.memory_space<hbm>>
      %dma_start3A_627 = arith.constant 0 : i32
      %dma_start3A_628 = arith.constant 0 : i32
      %dma_start3A_629 = tpu.memref_slice %arg7[%dma_start3A_618, %dma_start3A_627, %dma_start3A_628] : memref<7x16x1024xf32, #tpu.memory_space<vmem>> -> memref<1x16x1024xf32, #tpu.memory_space<vmem>>
      %dma_start3A_630 = tpu.memref_squeeze %dma_start3A_629 : memref<1x16x1024xf32, #tpu.memory_space<vmem>> -> memref<16x1024xf32, #tpu.memory_space<vmem>>
      tpu.enqueue_dma source(%dma_start3A_630 : memref<16x1024xf32, #tpu.memory_space<vmem>>) target(%dma_start3A_626 : memref<16x1024xf32, #tpu.memory_space<hbm>>) target_semaphore(%arg19 : memref<!tpu.dma_semaphore, #tpu.memory_space<semaphore_mem>>)
      %dma_wait3A_631 = arith.constant 4 : i32
      %dma_wait3A_632 = arith.constant 0 : i32
      %dma_wait3A_633 = arith.constant 0 : i32
      %dma_wait3A_634 = tpu.memref_slice %arg7[%dma_wait3A_631, %dma_wait3A_632, %dma_wait3A_633] : memref<7x16x1024xf32, #tpu.memory_space<vmem>> -> memref<1x16x1024xf32, #tpu.memory_space<vmem>>
      %dma_wait3A_635 = tpu.memref_squeeze %dma_wait3A_634 : memref<1x16x1024xf32, #tpu.memory_space<vmem>> -> memref<16x1024xf32, #tpu.memory_space<vmem>>
      %dma_wait3A_636 = arith.constant 0 : i32
      %dma_wait3A_637 = tpu.memref_slice %arg4[%add3A_617, %dma_wait3A_636] : memref<8192x1024xf32, #tpu.memory_space<hbm>> -> memref<16x1024xf32, #tpu.memory_space<hbm>>
      %dma_wait3A_638 = arith.constant 0 : i32
      %dma_wait3A_639 = tpu.memref_slice %arg4[%add3A_617, %dma_wait3A_638] : memref<8192x1024xf32, #tpu.memory_space<hbm>> -> memref<16x1024xf32, #tpu.memory_space<hbm>>
      %dma_wait3A_640 = arith.constant 0 : i32
      %dma_wait3A_641 = arith.constant 0 : i32
      %dma_wait3A_642 = tpu.memref_slice %arg7[%dma_wait3A_631, %dma_wait3A_640, %dma_wait3A_641] : memref<7x16x1024xf32, #tpu.memory_space<vmem>> -> memref<1x16x1024xf32, #tpu.memory_space<vmem>>
      %dma_wait3A_643 = tpu.memref_squeeze %dma_wait3A_642 : memref<1x16x1024xf32, #tpu.memory_space<vmem>> -> memref<16x1024xf32, #tpu.memory_space<vmem>>
      tpu.wait_dma2 semaphore(%arg19 : memref<!tpu.dma_semaphore, #tpu.memory_space<semaphore_mem>>) src(%dma_wait3A_643 : memref<16x1024xf32, #tpu.memory_space<vmem>>) dst(%dma_wait3A_639 : memref<16x1024xf32, #tpu.memory_space<hbm>>)
      %dma_start3A_644 = arith.constant 4 : i32
      %dma_start3A_645 = arith.constant 0 : i32
      %dma_start3A_646 = arith.constant 0 : i32
      %dma_start3A_647 = tpu.memref_slice %arg7[%dma_start3A_644, %dma_start3A_645, %dma_start3A_646] : memref<7x16x1024xf32, #tpu.memory_space<vmem>> -> memref<1x16x1024xf32, #tpu.memory_space<vmem>>
      %dma_start3A_648 = tpu.memref_squeeze %dma_start3A_647 : memref<1x16x1024xf32, #tpu.memory_space<vmem>> -> memref<16x1024xf32, #tpu.memory_space<vmem>>
      %dma_start3A_649 = arith.constant 176 : i32
      %dma_start3A_650 = tpu.memref_slice %arg6[%dma_start3A_649] : memref<256xi32, #tpu.memory_space<vmem>> -> memref<16xi32, #tpu.memory_space<vmem>>
      %dma_start3A_651 = arith.constant 0 : i32
      %dma_start3A_652 = arith.constant 0 : i32
      %dma_start3A_653 = tpu.memref_slice %arg3[%dma_start3A_651, %dma_start3A_652] : memref<8192x1024xf32, #tpu.memory_space<hbm>> -> memref<8192x1024xf32, #tpu.memory_space<hbm>>
      tpu.enqueue_indirect_dma source(%dma_start3A_653 : memref<8192x1024xf32, #tpu.memory_space<hbm>>) target(%dma_start3A_648 : memref<16x1024xf32, #tpu.memory_space<vmem>>) offsets(%dma_start3A_650 : memref<16xi32, #tpu.memory_space<vmem>>) semaphore(%arg12 : memref<!tpu.dma_semaphore, #tpu.memory_space<semaphore_mem>>)
      %dma_wait3A_654 = arith.constant 5 : i32
      %dma_wait3A_655 = arith.constant 0 : i32
      %dma_wait3A_656 = arith.constant 0 : i32
      %dma_wait3A_657 = tpu.memref_slice %arg7[%dma_wait3A_654, %dma_wait3A_655, %dma_wait3A_656] : memref<7x16x1024xf32, #tpu.memory_space<vmem>> -> memref<1x16x1024xf32, #tpu.memory_space<vmem>>
      %dma_wait3A_658 = tpu.memref_squeeze %dma_wait3A_657 : memref<1x16x1024xf32, #tpu.memory_space<vmem>> -> memref<16x1024xf32, #tpu.memory_space<vmem>>
      %dma_wait3A_659 = arith.constant 80 : i32
      %dma_wait3A_660 = tpu.memref_slice %arg6[%dma_wait3A_659] : memref<256xi32, #tpu.memory_space<vmem>> -> memref<16xi32, #tpu.memory_space<vmem>>
      %dma_wait3A_661 = arith.constant 0 : i32
      %dma_wait3A_662 = arith.constant 0 : i32
      %dma_wait3A_663 = tpu.memref_slice %arg3[%dma_wait3A_661, %dma_wait3A_662] : memref<8192x1024xf32, #tpu.memory_space<hbm>> -> memref<8192x1024xf32, #tpu.memory_space<hbm>>
      tpu.wait_indirect_dma semaphore(%arg13 : memref<!tpu.dma_semaphore, #tpu.memory_space<semaphore_mem>>) src(%dma_wait3A_663 : memref<8192x1024xf32, #tpu.memory_space<hbm>>) dst(%dma_wait3A_658 : memref<16x1024xf32, #tpu.memory_space<vmem>>)
      %add3A_664 = arith.constant 80 : i32
      %add3A_665 = arith.addi %mul3A_2, %add3A_664 : i32
      %dma_start3A_666 = arith.constant 5 : i32
      %dma_start3A_667 = arith.constant 0 : i32
      %dma_start3A_668 = arith.constant 0 : i32
      %dma_start3A_669 = tpu.memref_slice %arg7[%dma_start3A_666, %dma_start3A_667, %dma_start3A_668] : memref<7x16x1024xf32, #tpu.memory_space<vmem>> -> memref<1x16x1024xf32, #tpu.memory_space<vmem>>
      %dma_start3A_670 = tpu.memref_squeeze %dma_start3A_669 : memref<1x16x1024xf32, #tpu.memory_space<vmem>> -> memref<16x1024xf32, #tpu.memory_space<vmem>>
      %dma_start3A_671 = arith.constant 0 : i32
      %dma_start3A_672 = tpu.memref_slice %arg4[%add3A_665, %dma_start3A_671] : memref<8192x1024xf32, #tpu.memory_space<hbm>> -> memref<16x1024xf32, #tpu.memory_space<hbm>>
      %dma_start3A_673 = arith.constant 0 : i32
      %dma_start3A_674 = tpu.memref_slice %arg4[%add3A_665, %dma_start3A_673] : memref<8192x1024xf32, #tpu.memory_space<hbm>> -> memref<16x1024xf32, #tpu.memory_space<hbm>>
      %dma_start3A_675 = arith.constant 0 : i32
      %dma_start3A_676 = arith.constant 0 : i32
      %dma_start3A_677 = tpu.memref_slice %arg7[%dma_start3A_666, %dma_start3A_675, %dma_start3A_676] : memref<7x16x1024xf32, #tpu.memory_space<vmem>> -> memref<1x16x1024xf32, #tpu.memory_space<vmem>>
      %dma_start3A_678 = tpu.memref_squeeze %dma_start3A_677 : memref<1x16x1024xf32, #tpu.memory_space<vmem>> -> memref<16x1024xf32, #tpu.memory_space<vmem>>
      tpu.enqueue_dma source(%dma_start3A_678 : memref<16x1024xf32, #tpu.memory_space<vmem>>) target(%dma_start3A_674 : memref<16x1024xf32, #tpu.memory_space<hbm>>) target_semaphore(%arg20 : memref<!tpu.dma_semaphore, #tpu.memory_space<semaphore_mem>>)
      %dma_wait3A_679 = arith.constant 5 : i32
      %dma_wait3A_680 = arith.constant 0 : i32
      %dma_wait3A_681 = arith.constant 0 : i32
      %dma_wait3A_682 = tpu.memref_slice %arg7[%dma_wait3A_679, %dma_wait3A_680, %dma_wait3A_681] : memref<7x16x1024xf32, #tpu.memory_space<vmem>> -> memref<1x16x1024xf32, #tpu.memory_space<vmem>>
      %dma_wait3A_683 = tpu.memref_squeeze %dma_wait3A_682 : memref<1x16x1024xf32, #tpu.memory_space<vmem>> -> memref<16x1024xf32, #tpu.memory_space<vmem>>
      %dma_wait3A_684 = arith.constant 0 : i32
      %dma_wait3A_685 = tpu.memref_slice %arg4[%add3A_665, %dma_wait3A_684] : memref<8192x1024xf32, #tpu.memory_space<hbm>> -> memref<16x1024xf32, #tpu.memory_space<hbm>>
      %dma_wait3A_686 = arith.constant 0 : i32
      %dma_wait3A_687 = tpu.memref_slice %arg4[%add3A_665, %dma_wait3A_686] : memref<8192x1024xf32, #tpu.memory_space<hbm>> -> memref<16x1024xf32, #tpu.memory_space<hbm>>
      %dma_wait3A_688 = arith.constant 0 : i32
      %dma_wait3A_689 = arith.constant 0 : i32
      %dma_wait3A_690 = tpu.memref_slice %arg7[%dma_wait3A_679, %dma_wait3A_688, %dma_wait3A_689] : memref<7x16x1024xf32, #tpu.memory_space<vmem>> -> memref<1x16x1024xf32, #tpu.memory_space<vmem>>
      %dma_wait3A_691 = tpu.memref_squeeze %dma_wait3A_690 : memref<1x16x1024xf32, #tpu.memory_space<vmem>> -> memref<16x1024xf32, #tpu.memory_space<vmem>>
      tpu.wait_dma2 semaphore(%arg20 : memref<!tpu.dma_semaphore, #tpu.memory_space<semaphore_mem>>) src(%dma_wait3A_691 : memref<16x1024xf32, #tpu.memory_space<vmem>>) dst(%dma_wait3A_687 : memref<16x1024xf32, #tpu.memory_space<hbm>>)
      %dma_start3A_692 = arith.constant 5 : i32
      %dma_start3A_693 = arith.constant 0 : i32
      %dma_start3A_694 = arith.constant 0 : i32
      %dma_start3A_695 = tpu.memref_slice %arg7[%dma_start3A_692, %dma_start3A_693, %dma_start3A_694] : memref<7x16x1024xf32, #tpu.memory_space<vmem>> -> memref<1x16x1024xf32, #tpu.memory_space<vmem>>
      %dma_start3A_696 = tpu.memref_squeeze %dma_start3A_695 : memref<1x16x1024xf32, #tpu.memory_space<vmem>> -> memref<16x1024xf32, #tpu.memory_space<vmem>>
      %dma_start3A_697 = arith.constant 192 : i32
      %dma_start3A_698 = tpu.memref_slice %arg6[%dma_start3A_697] : memref<256xi32, #tpu.memory_space<vmem>> -> memref<16xi32, #tpu.memory_space<vmem>>
      %dma_start3A_699 = arith.constant 0 : i32
      %dma_start3A_700 = arith.constant 0 : i32
      %dma_start3A_701 = tpu.memref_slice %arg3[%dma_start3A_699, %dma_start3A_700] : memref<8192x1024xf32, #tpu.memory_space<hbm>> -> memref<8192x1024xf32, #tpu.memory_space<hbm>>
      tpu.enqueue_indirect_dma source(%dma_start3A_701 : memref<8192x1024xf32, #tpu.memory_space<hbm>>) target(%dma_start3A_696 : memref<16x1024xf32, #tpu.memory_space<vmem>>) offsets(%dma_start3A_698 : memref<16xi32, #tpu.memory_space<vmem>>) semaphore(%arg13 : memref<!tpu.dma_semaphore, #tpu.memory_space<semaphore_mem>>)
      %dma_wait3A_702 = arith.constant 6 : i32
      %dma_wait3A_703 = arith.constant 0 : i32
      %dma_wait3A_704 = arith.constant 0 : i32
      %dma_wait3A_705 = tpu.memref_slice %arg7[%dma_wait3A_702, %dma_wait3A_703, %dma_wait3A_704] : memref<7x16x1024xf32, #tpu.memory_space<vmem>> -> memref<1x16x1024xf32, #tpu.memory_space<vmem>>
      %dma_wait3A_706 = tpu.memref_squeeze %dma_wait3A_705 : memref<1x16x1024xf32, #tpu.memory_space<vmem>> -> memref<16x1024xf32, #tpu.memory_space<vmem>>
      %dma_wait3A_707 = arith.constant 96 : i32
      %dma_wait3A_708 = tpu.memref_slice %arg6[%dma_wait3A_707] : memref<256xi32, #tpu.memory_space<vmem>> -> memref<16xi32, #tpu.memory_space<vmem>>
      %dma_wait3A_709 = arith.constant 0 : i32
      %dma_wait3A_710 = arith.constant 0 : i32
      %dma_wait3A_711 = tpu.memref_slice %arg3[%dma_wait3A_709, %dma_wait3A_710] : memref<8192x1024xf32, #tpu.memory_space<hbm>> -> memref<8192x1024xf32, #tpu.memory_space<hbm>>
      tpu.wait_indirect_dma semaphore(%arg14 : memref<!tpu.dma_semaphore, #tpu.memory_space<semaphore_mem>>) src(%dma_wait3A_711 : memref<8192x1024xf32, #tpu.memory_space<hbm>>) dst(%dma_wait3A_706 : memref<16x1024xf32, #tpu.memory_space<vmem>>)
      %add3A_712 = arith.constant 96 : i32
      %add3A_713 = arith.addi %mul3A_2, %add3A_712 : i32
      %dma_start3A_714 = arith.constant 6 : i32
      %dma_start3A_715 = arith.constant 0 : i32
      %dma_start3A_716 = arith.constant 0 : i32
      %dma_start3A_717 = tpu.memref_slice %arg7[%dma_start3A_714, %dma_start3A_715, %dma_start3A_716] : memref<7x16x1024xf32, #tpu.memory_space<vmem>> -> memref<1x16x1024xf32, #tpu.memory_space<vmem>>
      %dma_start3A_718 = tpu.memref_squeeze %dma_start3A_717 : memref<1x16x1024xf32, #tpu.memory_space<vmem>> -> memref<16x1024xf32, #tpu.memory_space<vmem>>
      %dma_start3A_719 = arith.constant 0 : i32
      %dma_start3A_720 = tpu.memref_slice %arg4[%add3A_713, %dma_start3A_719] : memref<8192x1024xf32, #tpu.memory_space<hbm>> -> memref<16x1024xf32, #tpu.memory_space<hbm>>
      %dma_start3A_721 = arith.constant 0 : i32
      %dma_start3A_722 = tpu.memref_slice %arg4[%add3A_713, %dma_start3A_721] : memref<8192x1024xf32, #tpu.memory_space<hbm>> -> memref<16x1024xf32, #tpu.memory_space<hbm>>
      %dma_start3A_723 = arith.constant 0 : i32
      %dma_start3A_724 = arith.constant 0 : i32
      %dma_start3A_725 = tpu.memref_slice %arg7[%dma_start3A_714, %dma_start3A_723, %dma_start3A_724] : memref<7x16x1024xf32, #tpu.memory_space<vmem>> -> memref<1x16x1024xf32, #tpu.memory_space<vmem>>
      %dma_start3A_726 = tpu.memref_squeeze %dma_start3A_725 : memref<1x16x1024xf32, #tpu.memory_space<vmem>> -> memref<16x1024xf32, #tpu.memory_space<vmem>>
      tpu.enqueue_dma source(%dma_start3A_726 : memref<16x1024xf32, #tpu.memory_space<vmem>>) target(%dma_start3A_722 : memref<16x1024xf32, #tpu.memory_space<hbm>>) target_semaphore(%arg21 : memref<!tpu.dma_semaphore, #tpu.memory_space<semaphore_mem>>)
      %dma_wait3A_727 = arith.constant 6 : i32
      %dma_wait3A_728 = arith.constant 0 : i32
      %dma_wait3A_729 = arith.constant 0 : i32
      %dma_wait3A_730 = tpu.memref_slice %arg7[%dma_wait3A_727, %dma_wait3A_728, %dma_wait3A_729] : memref<7x16x1024xf32, #tpu.memory_space<vmem>> -> memref<1x16x1024xf32, #tpu.memory_space<vmem>>
      %dma_wait3A_731 = tpu.memref_squeeze %dma_wait3A_730 : memref<1x16x1024xf32, #tpu.memory_space<vmem>> -> memref<16x1024xf32, #tpu.memory_space<vmem>>
      %dma_wait3A_732 = arith.constant 0 : i32
      %dma_wait3A_733 = tpu.memref_slice %arg4[%add3A_713, %dma_wait3A_732] : memref<8192x1024xf32, #tpu.memory_space<hbm>> -> memref<16x1024xf32, #tpu.memory_space<hbm>>
      %dma_wait3A_734 = arith.constant 0 : i32
      %dma_wait3A_735 = tpu.memref_slice %arg4[%add3A_713, %dma_wait3A_734] : memref<8192x1024xf32, #tpu.memory_space<hbm>> -> memref<16x1024xf32, #tpu.memory_space<hbm>>
      %dma_wait3A_736 = arith.constant 0 : i32
      %dma_wait3A_737 = arith.constant 0 : i32
      %dma_wait3A_738 = tpu.memref_slice %arg7[%dma_wait3A_727, %dma_wait3A_736, %dma_wait3A_737] : memref<7x16x1024xf32, #tpu.memory_space<vmem>> -> memref<1x16x1024xf32, #tpu.memory_space<vmem>>
      %dma_wait3A_739 = tpu.memref_squeeze %dma_wait3A_738 : memref<1x16x1024xf32, #tpu.memory_space<vmem>> -> memref<16x1024xf32, #tpu.memory_space<vmem>>
      tpu.wait_dma2 semaphore(%arg21 : memref<!tpu.dma_semaphore, #tpu.memory_space<semaphore_mem>>) src(%dma_wait3A_739 : memref<16x1024xf32, #tpu.memory_space<vmem>>) dst(%dma_wait3A_735 : memref<16x1024xf32, #tpu.memory_space<hbm>>)
      %dma_start3A_740 = arith.constant 6 : i32
      %dma_start3A_741 = arith.constant 0 : i32
      %dma_start3A_742 = arith.constant 0 : i32
      %dma_start3A_743 = tpu.memref_slice %arg7[%dma_start3A_740, %dma_start3A_741, %dma_start3A_742] : memref<7x16x1024xf32, #tpu.memory_space<vmem>> -> memref<1x16x1024xf32, #tpu.memory_space<vmem>>
      %dma_start3A_744 = tpu.memref_squeeze %dma_start3A_743 : memref<1x16x1024xf32, #tpu.memory_space<vmem>> -> memref<16x1024xf32, #tpu.memory_space<vmem>>
      %dma_start3A_745 = arith.constant 208 : i32
      %dma_start3A_746 = tpu.memref_slice %arg6[%dma_start3A_745] : memref<256xi32, #tpu.memory_space<vmem>> -> memref<16xi32, #tpu.memory_space<vmem>>
      %dma_start3A_747 = arith.constant 0 : i32
      %dma_start3A_748 = arith.constant 0 : i32
      %dma_start3A_749 = tpu.memref_slice %arg3[%dma_start3A_747, %dma_start3A_748] : memref<8192x1024xf32, #tpu.memory_space<hbm>> -> memref<8192x1024xf32, #tpu.memory_space<hbm>>
      tpu.enqueue_indirect_dma source(%dma_start3A_749 : memref<8192x1024xf32, #tpu.memory_space<hbm>>) target(%dma_start3A_744 : memref<16x1024xf32, #tpu.memory_space<vmem>>) offsets(%dma_start3A_746 : memref<16xi32, #tpu.memory_space<vmem>>) semaphore(%arg14 : memref<!tpu.dma_semaphore, #tpu.memory_space<semaphore_mem>>)
      %dma_wait3A_750 = arith.constant 0 : i32
      %dma_wait3A_751 = arith.constant 0 : i32
      %dma_wait3A_752 = arith.constant 0 : i32
      %dma_wait3A_753 = tpu.memref_slice %arg7[%dma_wait3A_750, %dma_wait3A_751, %dma_wait3A_752] : memref<7x16x1024xf32, #tpu.memory_space<vmem>> -> memref<1x16x1024xf32, #tpu.memory_space<vmem>>
      %dma_wait3A_754 = tpu.memref_squeeze %dma_wait3A_753 : memref<1x16x1024xf32, #tpu.memory_space<vmem>> -> memref<16x1024xf32, #tpu.memory_space<vmem>>
      %dma_wait3A_755 = arith.constant 112 : i32
      %dma_wait3A_756 = tpu.memref_slice %arg6[%dma_wait3A_755] : memref<256xi32, #tpu.memory_space<vmem>> -> memref<16xi32, #tpu.memory_space<vmem>>
      %dma_wait3A_757 = arith.constant 0 : i32
      %dma_wait3A_758 = arith.constant 0 : i32
      %dma_wait3A_759 = tpu.memref_slice %arg3[%dma_wait3A_757, %dma_wait3A_758] : memref<8192x1024xf32, #tpu.memory_space<hbm>> -> memref<8192x1024xf32, #tpu.memory_space<hbm>>
      tpu.wait_indirect_dma semaphore(%arg8 : memref<!tpu.dma_semaphore, #tpu.memory_space<semaphore_mem>>) src(%dma_wait3A_759 : memref<8192x1024xf32, #tpu.memory_space<hbm>>) dst(%dma_wait3A_754 : memref<16x1024xf32, #tpu.memory_space<vmem>>)
      %add3A_760 = arith.constant 112 : i32
      %add3A_761 = arith.addi %mul3A_2, %add3A_760 : i32
      %dma_start3A_762 = arith.constant 0 : i32
      %dma_start3A_763 = arith.constant 0 : i32
      %dma_start3A_764 = arith.constant 0 : i32
      %dma_start3A_765 = tpu.memref_slice %arg7[%dma_start3A_762, %dma_start3A_763, %dma_start3A_764] : memref<7x16x1024xf32, #tpu.memory_space<vmem>> -> memref<1x16x1024xf32, #tpu.memory_space<vmem>>
      %dma_start3A_766 = tpu.memref_squeeze %dma_start3A_765 : memref<1x16x1024xf32, #tpu.memory_space<vmem>> -> memref<16x1024xf32, #tpu.memory_space<vmem>>
      %dma_start3A_767 = arith.constant 0 : i32
      %dma_start3A_768 = tpu.memref_slice %arg4[%add3A_761, %dma_start3A_767] : memref<8192x1024xf32, #tpu.memory_space<hbm>> -> memref<16x1024xf32, #tpu.memory_space<hbm>>
      %dma_start3A_769 = arith.constant 0 : i32
      %dma_start3A_770 = tpu.memref_slice %arg4[%add3A_761, %dma_start3A_769] : memref<8192x1024xf32, #tpu.memory_space<hbm>> -> memref<16x1024xf32, #tpu.memory_space<hbm>>
      %dma_start3A_771 = arith.constant 0 : i32
      %dma_start3A_772 = arith.constant 0 : i32
      %dma_start3A_773 = tpu.memref_slice %arg7[%dma_start3A_762, %dma_start3A_771, %dma_start3A_772] : memref<7x16x1024xf32, #tpu.memory_space<vmem>> -> memref<1x16x1024xf32, #tpu.memory_space<vmem>>
      %dma_start3A_774 = tpu.memref_squeeze %dma_start3A_773 : memref<1x16x1024xf32, #tpu.memory_space<vmem>> -> memref<16x1024xf32, #tpu.memory_space<vmem>>
      tpu.enqueue_dma source(%dma_start3A_774 : memref<16x1024xf32, #tpu.memory_space<vmem>>) target(%dma_start3A_770 : memref<16x1024xf32, #tpu.memory_space<hbm>>) target_semaphore(%arg15 : memref<!tpu.dma_semaphore, #tpu.memory_space<semaphore_mem>>)
      %dma_wait3A_775 = arith.constant 0 : i32
      %dma_wait3A_776 = arith.constant 0 : i32
      %dma_wait3A_777 = arith.constant 0 : i32
      %dma_wait3A_778 = tpu.memref_slice %arg7[%dma_wait3A_775, %dma_wait3A_776, %dma_wait3A_777] : memref<7x16x1024xf32, #tpu.memory_space<vmem>> -> memref<1x16x1024xf32, #tpu.memory_space<vmem>>
      %dma_wait3A_779 = tpu.memref_squeeze %dma_wait3A_778 : memref<1x16x1024xf32, #tpu.memory_space<vmem>> -> memref<16x1024xf32, #tpu.memory_space<vmem>>
      %dma_wait3A_780 = arith.constant 0 : i32
      %dma_wait3A_781 = tpu.memref_slice %arg4[%add3A_761, %dma_wait3A_780] : memref<8192x1024xf32, #tpu.memory_space<hbm>> -> memref<16x1024xf32, #tpu.memory_space<hbm>>
      %dma_wait3A_782 = arith.constant 0 : i32
      %dma_wait3A_783 = tpu.memref_slice %arg4[%add3A_761, %dma_wait3A_782] : memref<8192x1024xf32, #tpu.memory_space<hbm>> -> memref<16x1024xf32, #tpu.memory_space<hbm>>
      %dma_wait3A_784 = arith.constant 0 : i32
      %dma_wait3A_785 = arith.constant 0 : i32
      %dma_wait3A_786 = tpu.memref_slice %arg7[%dma_wait3A_775, %dma_wait3A_784, %dma_wait3A_785] : memref<7x16x1024xf32, #tpu.memory_space<vmem>> -> memref<1x16x1024xf32, #tpu.memory_space<vmem>>
      %dma_wait3A_787 = tpu.memref_squeeze %dma_wait3A_786 : memref<1x16x1024xf32, #tpu.memory_space<vmem>> -> memref<16x1024xf32, #tpu.memory_space<vmem>>
      tpu.wait_dma2 semaphore(%arg15 : memref<!tpu.dma_semaphore, #tpu.memory_space<semaphore_mem>>) src(%dma_wait3A_787 : memref<16x1024xf32, #tpu.memory_space<vmem>>) dst(%dma_wait3A_783 : memref<16x1024xf32, #tpu.memory_space<hbm>>)
      %dma_start3A_788 = arith.constant 0 : i32
      %dma_start3A_789 = arith.constant 0 : i32
      %dma_start3A_790 = arith.constant 0 : i32
      %dma_start3A_791 = tpu.memref_slice %arg7[%dma_start3A_788, %dma_start3A_789, %dma_start3A_790] : memref<7x16x1024xf32, #tpu.memory_space<vmem>> -> memref<1x16x1024xf32, #tpu.memory_space<vmem>>
      %dma_start3A_792 = tpu.memref_squeeze %dma_start3A_791 : memref<1x16x1024xf32, #tpu.memory_space<vmem>> -> memref<16x1024xf32, #tpu.memory_space<vmem>>
      %dma_start3A_793 = arith.constant 224 : i32
      %dma_start3A_794 = tpu.memref_slice %arg6[%dma_start3A_793] : memref<256xi32, #tpu.memory_space<vmem>> -> memref<16xi32, #tpu.memory_space<vmem>>
      %dma_start3A_795 = arith.constant 0 : i32
      %dma_start3A_796 = arith.constant 0 : i32
      %dma_start3A_797 = tpu.memref_slice %arg3[%dma_start3A_795, %dma_start3A_796] : memref<8192x1024xf32, #tpu.memory_space<hbm>> -> memref<8192x1024xf32, #tpu.memory_space<hbm>>
      tpu.enqueue_indirect_dma source(%dma_start3A_797 : memref<8192x1024xf32, #tpu.memory_space<hbm>>) target(%dma_start3A_792 : memref<16x1024xf32, #tpu.memory_space<vmem>>) offsets(%dma_start3A_794 : memref<16xi32, #tpu.memory_space<vmem>>) semaphore(%arg8 : memref<!tpu.dma_semaphore, #tpu.memory_space<semaphore_mem>>)
      %dma_wait3A_798 = arith.constant 1 : i32
      %dma_wait3A_799 = arith.constant 0 : i32
      %dma_wait3A_800 = arith.constant 0 : i32
      %dma_wait3A_801 = tpu.memref_slice %arg7[%dma_wait3A_798, %dma_wait3A_799, %dma_wait3A_800] : memref<7x16x1024xf32, #tpu.memory_space<vmem>> -> memref<1x16x1024xf32, #tpu.memory_space<vmem>>
      %dma_wait3A_802 = tpu.memref_squeeze %dma_wait3A_801 : memref<1x16x1024xf32, #tpu.memory_space<vmem>> -> memref<16x1024xf32, #tpu.memory_space<vmem>>
      %dma_wait3A_803 = arith.constant 128 : i32
      %dma_wait3A_804 = tpu.memref_slice %arg6[%dma_wait3A_803] : memref<256xi32, #tpu.memory_space<vmem>> -> memref<16xi32, #tpu.memory_space<vmem>>
      %dma_wait3A_805 = arith.constant 0 : i32
      %dma_wait3A_806 = arith.constant 0 : i32
      %dma_wait3A_807 = tpu.memref_slice %arg3[%dma_wait3A_805, %dma_wait3A_806] : memref<8192x1024xf32, #tpu.memory_space<hbm>> -> memref<8192x1024xf32, #tpu.memory_space<hbm>>
      tpu.wait_indirect_dma semaphore(%arg9 : memref<!tpu.dma_semaphore, #tpu.memory_space<semaphore_mem>>) src(%dma_wait3A_807 : memref<8192x1024xf32, #tpu.memory_space<hbm>>) dst(%dma_wait3A_802 : memref<16x1024xf32, #tpu.memory_space<vmem>>)
      %add3A_808 = arith.constant 128 : i32
      %add3A_809 = arith.addi %mul3A_2, %add3A_808 : i32
      %dma_start3A_810 = arith.constant 1 : i32
      %dma_start3A_811 = arith.constant 0 : i32
      %dma_start3A_812 = arith.constant 0 : i32
      %dma_start3A_813 = tpu.memref_slice %arg7[%dma_start3A_810, %dma_start3A_811, %dma_start3A_812] : memref<7x16x1024xf32, #tpu.memory_space<vmem>> -> memref<1x16x1024xf32, #tpu.memory_space<vmem>>
      %dma_start3A_814 = tpu.memref_squeeze %dma_start3A_813 : memref<1x16x1024xf32, #tpu.memory_space<vmem>> -> memref<16x1024xf32, #tpu.memory_space<vmem>>
      %dma_start3A_815 = arith.constant 0 : i32
      %dma_start3A_816 = tpu.memref_slice %arg4[%add3A_809, %dma_start3A_815] : memref<8192x1024xf32, #tpu.memory_space<hbm>> -> memref<16x1024xf32, #tpu.memory_space<hbm>>
      %dma_start3A_817 = arith.constant 0 : i32
      %dma_start3A_818 = tpu.memref_slice %arg4[%add3A_809, %dma_start3A_817] : memref<8192x1024xf32, #tpu.memory_space<hbm>> -> memref<16x1024xf32, #tpu.memory_space<hbm>>
      %dma_start3A_819 = arith.constant 0 : i32
      %dma_start3A_820 = arith.constant 0 : i32
      %dma_start3A_821 = tpu.memref_slice %arg7[%dma_start3A_810, %dma_start3A_819, %dma_start3A_820] : memref<7x16x1024xf32, #tpu.memory_space<vmem>> -> memref<1x16x1024xf32, #tpu.memory_space<vmem>>
      %dma_start3A_822 = tpu.memref_squeeze %dma_start3A_821 : memref<1x16x1024xf32, #tpu.memory_space<vmem>> -> memref<16x1024xf32, #tpu.memory_space<vmem>>
      tpu.enqueue_dma source(%dma_start3A_822 : memref<16x1024xf32, #tpu.memory_space<vmem>>) target(%dma_start3A_818 : memref<16x1024xf32, #tpu.memory_space<hbm>>) target_semaphore(%arg16 : memref<!tpu.dma_semaphore, #tpu.memory_space<semaphore_mem>>)
      %dma_wait3A_823 = arith.constant 1 : i32
      %dma_wait3A_824 = arith.constant 0 : i32
      %dma_wait3A_825 = arith.constant 0 : i32
      %dma_wait3A_826 = tpu.memref_slice %arg7[%dma_wait3A_823, %dma_wait3A_824, %dma_wait3A_825] : memref<7x16x1024xf32, #tpu.memory_space<vmem>> -> memref<1x16x1024xf32, #tpu.memory_space<vmem>>
      %dma_wait3A_827 = tpu.memref_squeeze %dma_wait3A_826 : memref<1x16x1024xf32, #tpu.memory_space<vmem>> -> memref<16x1024xf32, #tpu.memory_space<vmem>>
      %dma_wait3A_828 = arith.constant 0 : i32
      %dma_wait3A_829 = tpu.memref_slice %arg4[%add3A_809, %dma_wait3A_828] : memref<8192x1024xf32, #tpu.memory_space<hbm>> -> memref<16x1024xf32, #tpu.memory_space<hbm>>
      %dma_wait3A_830 = arith.constant 0 : i32
      %dma_wait3A_831 = tpu.memref_slice %arg4[%add3A_809, %dma_wait3A_830] : memref<8192x1024xf32, #tpu.memory_space<hbm>> -> memref<16x1024xf32, #tpu.memory_space<hbm>>
      %dma_wait3A_832 = arith.constant 0 : i32
      %dma_wait3A_833 = arith.constant 0 : i32
      %dma_wait3A_834 = tpu.memref_slice %arg7[%dma_wait3A_823, %dma_wait3A_832, %dma_wait3A_833] : memref<7x16x1024xf32, #tpu.memory_space<vmem>> -> memref<1x16x1024xf32, #tpu.memory_space<vmem>>
      %dma_wait3A_835 = tpu.memref_squeeze %dma_wait3A_834 : memref<1x16x1024xf32, #tpu.memory_space<vmem>> -> memref<16x1024xf32, #tpu.memory_space<vmem>>
      tpu.wait_dma2 semaphore(%arg16 : memref<!tpu.dma_semaphore, #tpu.memory_space<semaphore_mem>>) src(%dma_wait3A_835 : memref<16x1024xf32, #tpu.memory_space<vmem>>) dst(%dma_wait3A_831 : memref<16x1024xf32, #tpu.memory_space<hbm>>)
      %dma_start3A_836 = arith.constant 1 : i32
      %dma_start3A_837 = arith.constant 0 : i32
      %dma_start3A_838 = arith.constant 0 : i32
      %dma_start3A_839 = tpu.memref_slice %arg7[%dma_start3A_836, %dma_start3A_837, %dma_start3A_838] : memref<7x16x1024xf32, #tpu.memory_space<vmem>> -> memref<1x16x1024xf32, #tpu.memory_space<vmem>>
      %dma_start3A_840 = tpu.memref_squeeze %dma_start3A_839 : memref<1x16x1024xf32, #tpu.memory_space<vmem>> -> memref<16x1024xf32, #tpu.memory_space<vmem>>
      %dma_start3A_841 = arith.constant 240 : i32
      %dma_start3A_842 = tpu.memref_slice %arg6[%dma_start3A_841] : memref<256xi32, #tpu.memory_space<vmem>> -> memref<16xi32, #tpu.memory_space<vmem>>
      %dma_start3A_843 = arith.constant 0 : i32
      %dma_start3A_844 = arith.constant 0 : i32
      %dma_start3A_845 = tpu.memref_slice %arg3[%dma_start3A_843, %dma_start3A_844] : memref<8192x1024xf32, #tpu.memory_space<hbm>> -> memref<8192x1024xf32, #tpu.memory_space<hbm>>
      tpu.enqueue_indirect_dma source(%dma_start3A_845 : memref<8192x1024xf32, #tpu.memory_space<hbm>>) target(%dma_start3A_840 : memref<16x1024xf32, #tpu.memory_space<vmem>>) offsets(%dma_start3A_842 : memref<16xi32, #tpu.memory_space<vmem>>) semaphore(%arg9 : memref<!tpu.dma_semaphore, #tpu.memory_space<semaphore_mem>>)
      %dma_wait3A_846 = arith.constant 2 : i32
      %dma_wait3A_847 = arith.constant 0 : i32
      %dma_wait3A_848 = arith.constant 0 : i32
      %dma_wait3A_849 = tpu.memref_slice %arg7[%dma_wait3A_846, %dma_wait3A_847, %dma_wait3A_848] : memref<7x16x1024xf32, #tpu.memory_space<vmem>> -> memref<1x16x1024xf32, #tpu.memory_space<vmem>>
      %dma_wait3A_850 = tpu.memref_squeeze %dma_wait3A_849 : memref<1x16x1024xf32, #tpu.memory_space<vmem>> -> memref<16x1024xf32, #tpu.memory_space<vmem>>
      %dma_wait3A_851 = arith.constant 144 : i32
      %dma_wait3A_852 = tpu.memref_slice %arg6[%dma_wait3A_851] : memref<256xi32, #tpu.memory_space<vmem>> -> memref<16xi32, #tpu.memory_space<vmem>>
      %dma_wait3A_853 = arith.constant 0 : i32
      %dma_wait3A_854 = arith.constant 0 : i32
      %dma_wait3A_855 = tpu.memref_slice %arg3[%dma_wait3A_853, %dma_wait3A_854] : memref<8192x1024xf32, #tpu.memory_space<hbm>> -> memref<8192x1024xf32, #tpu.memory_space<hbm>>
      tpu.wait_indirect_dma semaphore(%arg10 : memref<!tpu.dma_semaphore, #tpu.memory_space<semaphore_mem>>) src(%dma_wait3A_855 : memref<8192x1024xf32, #tpu.memory_space<hbm>>) dst(%dma_wait3A_850 : memref<16x1024xf32, #tpu.memory_space<vmem>>)
      %add3A_856 = arith.constant 144 : i32
      %add3A_857 = arith.addi %mul3A_2, %add3A_856 : i32
      %dma_start3A_858 = arith.constant 2 : i32
      %dma_start3A_859 = arith.constant 0 : i32
      %dma_start3A_860 = arith.constant 0 : i32
      %dma_start3A_861 = tpu.memref_slice %arg7[%dma_start3A_858, %dma_start3A_859, %dma_start3A_860] : memref<7x16x1024xf32, #tpu.memory_space<vmem>> -> memref<1x16x1024xf32, #tpu.memory_space<vmem>>
      %dma_start3A_862 = tpu.memref_squeeze %dma_start3A_861 : memref<1x16x1024xf32, #tpu.memory_space<vmem>> -> memref<16x1024xf32, #tpu.memory_space<vmem>>
      %dma_start3A_863 = arith.constant 0 : i32
      %dma_start3A_864 = tpu.memref_slice %arg4[%add3A_857, %dma_start3A_863] : memref<8192x1024xf32, #tpu.memory_space<hbm>> -> memref<16x1024xf32, #tpu.memory_space<hbm>>
      %dma_start3A_865 = arith.constant 0 : i32
      %dma_start3A_866 = tpu.memref_slice %arg4[%add3A_857, %dma_start3A_865] : memref<8192x1024xf32, #tpu.memory_space<hbm>> -> memref<16x1024xf32, #tpu.memory_space<hbm>>
      %dma_start3A_867 = arith.constant 0 : i32
      %dma_start3A_868 = arith.constant 0 : i32
      %dma_start3A_869 = tpu.memref_slice %arg7[%dma_start3A_858, %dma_start3A_867, %dma_start3A_868] : memref<7x16x1024xf32, #tpu.memory_space<vmem>> -> memref<1x16x1024xf32, #tpu.memory_space<vmem>>
      %dma_start3A_870 = tpu.memref_squeeze %dma_start3A_869 : memref<1x16x1024xf32, #tpu.memory_space<vmem>> -> memref<16x1024xf32, #tpu.memory_space<vmem>>
      tpu.enqueue_dma source(%dma_start3A_870 : memref<16x1024xf32, #tpu.memory_space<vmem>>) target(%dma_start3A_866 : memref<16x1024xf32, #tpu.memory_space<hbm>>) target_semaphore(%arg17 : memref<!tpu.dma_semaphore, #tpu.memory_space<semaphore_mem>>)
      %dma_wait3A_871 = arith.constant 3 : i32
      %dma_wait3A_872 = arith.constant 0 : i32
      %dma_wait3A_873 = arith.constant 0 : i32
      %dma_wait3A_874 = tpu.memref_slice %arg7[%dma_wait3A_871, %dma_wait3A_872, %dma_wait3A_873] : memref<7x16x1024xf32, #tpu.memory_space<vmem>> -> memref<1x16x1024xf32, #tpu.memory_space<vmem>>
      %dma_wait3A_875 = tpu.memref_squeeze %dma_wait3A_874 : memref<1x16x1024xf32, #tpu.memory_space<vmem>> -> memref<16x1024xf32, #tpu.memory_space<vmem>>
      %dma_wait3A_876 = arith.constant 160 : i32
      %dma_wait3A_877 = tpu.memref_slice %arg6[%dma_wait3A_876] : memref<256xi32, #tpu.memory_space<vmem>> -> memref<16xi32, #tpu.memory_space<vmem>>
      %dma_wait3A_878 = arith.constant 0 : i32
      %dma_wait3A_879 = arith.constant 0 : i32
      %dma_wait3A_880 = tpu.memref_slice %arg3[%dma_wait3A_878, %dma_wait3A_879] : memref<8192x1024xf32, #tpu.memory_space<hbm>> -> memref<8192x1024xf32, #tpu.memory_space<hbm>>
      tpu.wait_indirect_dma semaphore(%arg11 : memref<!tpu.dma_semaphore, #tpu.memory_space<semaphore_mem>>) src(%dma_wait3A_880 : memref<8192x1024xf32, #tpu.memory_space<hbm>>) dst(%dma_wait3A_875 : memref<16x1024xf32, #tpu.memory_space<vmem>>)
      %add3A_881 = arith.constant 160 : i32
      %add3A_882 = arith.addi %mul3A_2, %add3A_881 : i32
      %dma_start3A_883 = arith.constant 3 : i32
      %dma_start3A_884 = arith.constant 0 : i32
      %dma_start3A_885 = arith.constant 0 : i32
      %dma_start3A_886 = tpu.memref_slice %arg7[%dma_start3A_883, %dma_start3A_884, %dma_start3A_885] : memref<7x16x1024xf32, #tpu.memory_space<vmem>> -> memref<1x16x1024xf32, #tpu.memory_space<vmem>>
      %dma_start3A_887 = tpu.memref_squeeze %dma_start3A_886 : memref<1x16x1024xf32, #tpu.memory_space<vmem>> -> memref<16x1024xf32, #tpu.memory_space<vmem>>
      %dma_start3A_888 = arith.constant 0 : i32
      %dma_start3A_889 = tpu.memref_slice %arg4[%add3A_882, %dma_start3A_888] : memref<8192x1024xf32, #tpu.memory_space<hbm>> -> memref<16x1024xf32, #tpu.memory_space<hbm>>
      %dma_start3A_890 = arith.constant 0 : i32
      %dma_start3A_891 = tpu.memref_slice %arg4[%add3A_882, %dma_start3A_890] : memref<8192x1024xf32, #tpu.memory_space<hbm>> -> memref<16x1024xf32, #tpu.memory_space<hbm>>
      %dma_start3A_892 = arith.constant 0 : i32
      %dma_start3A_893 = arith.constant 0 : i32
      %dma_start3A_894 = tpu.memref_slice %arg7[%dma_start3A_883, %dma_start3A_892, %dma_start3A_893] : memref<7x16x1024xf32, #tpu.memory_space<vmem>> -> memref<1x16x1024xf32, #tpu.memory_space<vmem>>
      %dma_start3A_895 = tpu.memref_squeeze %dma_start3A_894 : memref<1x16x1024xf32, #tpu.memory_space<vmem>> -> memref<16x1024xf32, #tpu.memory_space<vmem>>
      tpu.enqueue_dma source(%dma_start3A_895 : memref<16x1024xf32, #tpu.memory_space<vmem>>) target(%dma_start3A_891 : memref<16x1024xf32, #tpu.memory_space<hbm>>) target_semaphore(%arg18 : memref<!tpu.dma_semaphore, #tpu.memory_space<semaphore_mem>>)
      %dma_wait3A_896 = arith.constant 4 : i32
      %dma_wait3A_897 = arith.constant 0 : i32
      %dma_wait3A_898 = arith.constant 0 : i32
      %dma_wait3A_899 = tpu.memref_slice %arg7[%dma_wait3A_896, %dma_wait3A_897, %dma_wait3A_898] : memref<7x16x1024xf32, #tpu.memory_space<vmem>> -> memref<1x16x1024xf32, #tpu.memory_space<vmem>>
      %dma_wait3A_900 = tpu.memref_squeeze %dma_wait3A_899 : memref<1x16x1024xf32, #tpu.memory_space<vmem>> -> memref<16x1024xf32, #tpu.memory_space<vmem>>
      %dma_wait3A_901 = arith.constant 176 : i32
      %dma_wait3A_902 = tpu.memref_slice %arg6[%dma_wait3A_901] : memref<256xi32, #tpu.memory_space<vmem>> -> memref<16xi32, #tpu.memory_space<vmem>>
      %dma_wait3A_903 = arith.constant 0 : i32
      %dma_wait3A_904 = arith.constant 0 : i32
      %dma_wait3A_905 = tpu.memref_slice %arg3[%dma_wait3A_903, %dma_wait3A_904] : memref<8192x1024xf32, #tpu.memory_space<hbm>> -> memref<8192x1024xf32, #tpu.memory_space<hbm>>
      tpu.wait_indirect_dma semaphore(%arg12 : memref<!tpu.dma_semaphore, #tpu.memory_space<semaphore_mem>>) src(%dma_wait3A_905 : memref<8192x1024xf32, #tpu.memory_space<hbm>>) dst(%dma_wait3A_900 : memref<16x1024xf32, #tpu.memory_space<vmem>>)
      %add3A_906 = arith.constant 176 : i32
      %add3A_907 = arith.addi %mul3A_2, %add3A_906 : i32
      %dma_start3A_908 = arith.constant 4 : i32
      %dma_start3A_909 = arith.constant 0 : i32
      %dma_start3A_910 = arith.constant 0 : i32
      %dma_start3A_911 = tpu.memref_slice %arg7[%dma_start3A_908, %dma_start3A_909, %dma_start3A_910] : memref<7x16x1024xf32, #tpu.memory_space<vmem>> -> memref<1x16x1024xf32, #tpu.memory_space<vmem>>
      %dma_start3A_912 = tpu.memref_squeeze %dma_start3A_911 : memref<1x16x1024xf32, #tpu.memory_space<vmem>> -> memref<16x1024xf32, #tpu.memory_space<vmem>>
      %dma_start3A_913 = arith.constant 0 : i32
      %dma_start3A_914 = tpu.memref_slice %arg4[%add3A_907, %dma_start3A_913] : memref<8192x1024xf32, #tpu.memory_space<hbm>> -> memref<16x1024xf32, #tpu.memory_space<hbm>>
      %dma_start3A_915 = arith.constant 0 : i32
      %dma_start3A_916 = tpu.memref_slice %arg4[%add3A_907, %dma_start3A_915] : memref<8192x1024xf32, #tpu.memory_space<hbm>> -> memref<16x1024xf32, #tpu.memory_space<hbm>>
      %dma_start3A_917 = arith.constant 0 : i32
      %dma_start3A_918 = arith.constant 0 : i32
      %dma_start3A_919 = tpu.memref_slice %arg7[%dma_start3A_908, %dma_start3A_917, %dma_start3A_918] : memref<7x16x1024xf32, #tpu.memory_space<vmem>> -> memref<1x16x1024xf32, #tpu.memory_space<vmem>>
      %dma_start3A_920 = tpu.memref_squeeze %dma_start3A_919 : memref<1x16x1024xf32, #tpu.memory_space<vmem>> -> memref<16x1024xf32, #tpu.memory_space<vmem>>
      tpu.enqueue_dma source(%dma_start3A_920 : memref<16x1024xf32, #tpu.memory_space<vmem>>) target(%dma_start3A_916 : memref<16x1024xf32, #tpu.memory_space<hbm>>) target_semaphore(%arg19 : memref<!tpu.dma_semaphore, #tpu.memory_space<semaphore_mem>>)
      %dma_wait3A_921 = arith.constant 5 : i32
      %dma_wait3A_922 = arith.constant 0 : i32
      %dma_wait3A_923 = arith.constant 0 : i32
      %dma_wait3A_924 = tpu.memref_slice %arg7[%dma_wait3A_921, %dma_wait3A_922, %dma_wait3A_923] : memref<7x16x1024xf32, #tpu.memory_space<vmem>> -> memref<1x16x1024xf32, #tpu.memory_space<vmem>>
      %dma_wait3A_925 = tpu.memref_squeeze %dma_wait3A_924 : memref<1x16x1024xf32, #tpu.memory_space<vmem>> -> memref<16x1024xf32, #tpu.memory_space<vmem>>
      %dma_wait3A_926 = arith.constant 192 : i32
      %dma_wait3A_927 = tpu.memref_slice %arg6[%dma_wait3A_926] : memref<256xi32, #tpu.memory_space<vmem>> -> memref<16xi32, #tpu.memory_space<vmem>>
      %dma_wait3A_928 = arith.constant 0 : i32
      %dma_wait3A_929 = arith.constant 0 : i32
      %dma_wait3A_930 = tpu.memref_slice %arg3[%dma_wait3A_928, %dma_wait3A_929] : memref<8192x1024xf32, #tpu.memory_space<hbm>> -> memref<8192x1024xf32, #tpu.memory_space<hbm>>
      tpu.wait_indirect_dma semaphore(%arg13 : memref<!tpu.dma_semaphore, #tpu.memory_space<semaphore_mem>>) src(%dma_wait3A_930 : memref<8192x1024xf32, #tpu.memory_space<hbm>>) dst(%dma_wait3A_925 : memref<16x1024xf32, #tpu.memory_space<vmem>>)
      %add3A_931 = arith.constant 192 : i32
      %add3A_932 = arith.addi %mul3A_2, %add3A_931 : i32
      %dma_start3A_933 = arith.constant 5 : i32
      %dma_start3A_934 = arith.constant 0 : i32
      %dma_start3A_935 = arith.constant 0 : i32
      %dma_start3A_936 = tpu.memref_slice %arg7[%dma_start3A_933, %dma_start3A_934, %dma_start3A_935] : memref<7x16x1024xf32, #tpu.memory_space<vmem>> -> memref<1x16x1024xf32, #tpu.memory_space<vmem>>
      %dma_start3A_937 = tpu.memref_squeeze %dma_start3A_936 : memref<1x16x1024xf32, #tpu.memory_space<vmem>> -> memref<16x1024xf32, #tpu.memory_space<vmem>>
      %dma_start3A_938 = arith.constant 0 : i32
      %dma_start3A_939 = tpu.memref_slice %arg4[%add3A_932, %dma_start3A_938] : memref<8192x1024xf32, #tpu.memory_space<hbm>> -> memref<16x1024xf32, #tpu.memory_space<hbm>>
      %dma_start3A_940 = arith.constant 0 : i32
      %dma_start3A_941 = tpu.memref_slice %arg4[%add3A_932, %dma_start3A_940] : memref<8192x1024xf32, #tpu.memory_space<hbm>> -> memref<16x1024xf32, #tpu.memory_space<hbm>>
      %dma_start3A_942 = arith.constant 0 : i32
      %dma_start3A_943 = arith.constant 0 : i32
      %dma_start3A_944 = tpu.memref_slice %arg7[%dma_start3A_933, %dma_start3A_942, %dma_start3A_943] : memref<7x16x1024xf32, #tpu.memory_space<vmem>> -> memref<1x16x1024xf32, #tpu.memory_space<vmem>>
      %dma_start3A_945 = tpu.memref_squeeze %dma_start3A_944 : memref<1x16x1024xf32, #tpu.memory_space<vmem>> -> memref<16x1024xf32, #tpu.memory_space<vmem>>
      tpu.enqueue_dma source(%dma_start3A_945 : memref<16x1024xf32, #tpu.memory_space<vmem>>) target(%dma_start3A_941 : memref<16x1024xf32, #tpu.memory_space<hbm>>) target_semaphore(%arg20 : memref<!tpu.dma_semaphore, #tpu.memory_space<semaphore_mem>>)
      %dma_wait3A_946 = arith.constant 6 : i32
      %dma_wait3A_947 = arith.constant 0 : i32
      %dma_wait3A_948 = arith.constant 0 : i32
      %dma_wait3A_949 = tpu.memref_slice %arg7[%dma_wait3A_946, %dma_wait3A_947, %dma_wait3A_948] : memref<7x16x1024xf32, #tpu.memory_space<vmem>> -> memref<1x16x1024xf32, #tpu.memory_space<vmem>>
      %dma_wait3A_950 = tpu.memref_squeeze %dma_wait3A_949 : memref<1x16x1024xf32, #tpu.memory_space<vmem>> -> memref<16x1024xf32, #tpu.memory_space<vmem>>
      %dma_wait3A_951 = arith.constant 208 : i32
      %dma_wait3A_952 = tpu.memref_slice %arg6[%dma_wait3A_951] : memref<256xi32, #tpu.memory_space<vmem>> -> memref<16xi32, #tpu.memory_space<vmem>>
      %dma_wait3A_953 = arith.constant 0 : i32
      %dma_wait3A_954 = arith.constant 0 : i32
      %dma_wait3A_955 = tpu.memref_slice %arg3[%dma_wait3A_953, %dma_wait3A_954] : memref<8192x1024xf32, #tpu.memory_space<hbm>> -> memref<8192x1024xf32, #tpu.memory_space<hbm>>
      tpu.wait_indirect_dma semaphore(%arg14 : memref<!tpu.dma_semaphore, #tpu.memory_space<semaphore_mem>>) src(%dma_wait3A_955 : memref<8192x1024xf32, #tpu.memory_space<hbm>>) dst(%dma_wait3A_950 : memref<16x1024xf32, #tpu.memory_space<vmem>>)
      %add3A_956 = arith.constant 208 : i32
      %add3A_957 = arith.addi %mul3A_2, %add3A_956 : i32
      %dma_start3A_958 = arith.constant 6 : i32
      %dma_start3A_959 = arith.constant 0 : i32
      %dma_start3A_960 = arith.constant 0 : i32
      %dma_start3A_961 = tpu.memref_slice %arg7[%dma_start3A_958, %dma_start3A_959, %dma_start3A_960] : memref<7x16x1024xf32, #tpu.memory_space<vmem>> -> memref<1x16x1024xf32, #tpu.memory_space<vmem>>
      %dma_start3A_962 = tpu.memref_squeeze %dma_start3A_961 : memref<1x16x1024xf32, #tpu.memory_space<vmem>> -> memref<16x1024xf32, #tpu.memory_space<vmem>>
      %dma_start3A_963 = arith.constant 0 : i32
      %dma_start3A_964 = tpu.memref_slice %arg4[%add3A_957, %dma_start3A_963] : memref<8192x1024xf32, #tpu.memory_space<hbm>> -> memref<16x1024xf32, #tpu.memory_space<hbm>>
      %dma_start3A_965 = arith.constant 0 : i32
      %dma_start3A_966 = tpu.memref_slice %arg4[%add3A_957, %dma_start3A_965] : memref<8192x1024xf32, #tpu.memory_space<hbm>> -> memref<16x1024xf32, #tpu.memory_space<hbm>>
      %dma_start3A_967 = arith.constant 0 : i32
      %dma_start3A_968 = arith.constant 0 : i32
      %dma_start3A_969 = tpu.memref_slice %arg7[%dma_start3A_958, %dma_start3A_967, %dma_start3A_968] : memref<7x16x1024xf32, #tpu.memory_space<vmem>> -> memref<1x16x1024xf32, #tpu.memory_space<vmem>>
      %dma_start3A_970 = tpu.memref_squeeze %dma_start3A_969 : memref<1x16x1024xf32, #tpu.memory_space<vmem>> -> memref<16x1024xf32, #tpu.memory_space<vmem>>
      tpu.enqueue_dma source(%dma_start3A_970 : memref<16x1024xf32, #tpu.memory_space<vmem>>) target(%dma_start3A_966 : memref<16x1024xf32, #tpu.memory_space<hbm>>) target_semaphore(%arg21 : memref<!tpu.dma_semaphore, #tpu.memory_space<semaphore_mem>>)
      %dma_wait3A_971 = arith.constant 0 : i32
      %dma_wait3A_972 = arith.constant 0 : i32
      %dma_wait3A_973 = arith.constant 0 : i32
      %dma_wait3A_974 = tpu.memref_slice %arg7[%dma_wait3A_971, %dma_wait3A_972, %dma_wait3A_973] : memref<7x16x1024xf32, #tpu.memory_space<vmem>> -> memref<1x16x1024xf32, #tpu.memory_space<vmem>>
      %dma_wait3A_975 = tpu.memref_squeeze %dma_wait3A_974 : memref<1x16x1024xf32, #tpu.memory_space<vmem>> -> memref<16x1024xf32, #tpu.memory_space<vmem>>
      %dma_wait3A_976 = arith.constant 224 : i32
      %dma_wait3A_977 = tpu.memref_slice %arg6[%dma_wait3A_976] : memref<256xi32, #tpu.memory_space<vmem>> -> memref<16xi32, #tpu.memory_space<vmem>>
      %dma_wait3A_978 = arith.constant 0 : i32
      %dma_wait3A_979 = arith.constant 0 : i32
      %dma_wait3A_980 = tpu.memref_slice %arg3[%dma_wait3A_978, %dma_wait3A_979] : memref<8192x1024xf32, #tpu.memory_space<hbm>> -> memref<8192x1024xf32, #tpu.memory_space<hbm>>
      tpu.wait_indirect_dma semaphore(%arg8 : memref<!tpu.dma_semaphore, #tpu.memory_space<semaphore_mem>>) src(%dma_wait3A_980 : memref<8192x1024xf32, #tpu.memory_space<hbm>>) dst(%dma_wait3A_975 : memref<16x1024xf32, #tpu.memory_space<vmem>>)
      %add3A_981 = arith.constant 224 : i32
      %add3A_982 = arith.addi %mul3A_2, %add3A_981 : i32
      %dma_start3A_983 = arith.constant 0 : i32
      %dma_start3A_984 = arith.constant 0 : i32
      %dma_start3A_985 = arith.constant 0 : i32
      %dma_start3A_986 = tpu.memref_slice %arg7[%dma_start3A_983, %dma_start3A_984, %dma_start3A_985] : memref<7x16x1024xf32, #tpu.memory_space<vmem>> -> memref<1x16x1024xf32, #tpu.memory_space<vmem>>
      %dma_start3A_987 = tpu.memref_squeeze %dma_start3A_986 : memref<1x16x1024xf32, #tpu.memory_space<vmem>> -> memref<16x1024xf32, #tpu.memory_space<vmem>>
      %dma_start3A_988 = arith.constant 0 : i32
      %dma_start3A_989 = tpu.memref_slice %arg4[%add3A_982, %dma_start3A_988] : memref<8192x1024xf32, #tpu.memory_space<hbm>> -> memref<16x1024xf32, #tpu.memory_space<hbm>>
      %dma_start3A_990 = arith.constant 0 : i32
      %dma_start3A_991 = tpu.memref_slice %arg4[%add3A_982, %dma_start3A_990] : memref<8192x1024xf32, #tpu.memory_space<hbm>> -> memref<16x1024xf32, #tpu.memory_space<hbm>>
      %dma_start3A_992 = arith.constant 0 : i32
      %dma_start3A_993 = arith.constant 0 : i32
      %dma_start3A_994 = tpu.memref_slice %arg7[%dma_start3A_983, %dma_start3A_992, %dma_start3A_993] : memref<7x16x1024xf32, #tpu.memory_space<vmem>> -> memref<1x16x1024xf32, #tpu.memory_space<vmem>>
      %dma_start3A_995 = tpu.memref_squeeze %dma_start3A_994 : memref<1x16x1024xf32, #tpu.memory_space<vmem>> -> memref<16x1024xf32, #tpu.memory_space<vmem>>
      tpu.enqueue_dma source(%dma_start3A_995 : memref<16x1024xf32, #tpu.memory_space<vmem>>) target(%dma_start3A_991 : memref<16x1024xf32, #tpu.memory_space<hbm>>) target_semaphore(%arg15 : memref<!tpu.dma_semaphore, #tpu.memory_space<semaphore_mem>>)
      %dma_wait3A_996 = arith.constant 1 : i32
      %dma_wait3A_997 = arith.constant 0 : i32
      %dma_wait3A_998 = arith.constant 0 : i32
      %dma_wait3A_999 = tpu.memref_slice %arg7[%dma_wait3A_996, %dma_wait3A_997, %dma_wait3A_998] : memref<7x16x1024xf32, #tpu.memory_space<vmem>> -> memref<1x16x1024xf32, #tpu.memory_space<vmem>>
      %dma_wait3A_1000 = tpu.memref_squeeze %dma_wait3A_999 : memref<1x16x1024xf32, #tpu.memory_space<vmem>> -> memref<16x1024xf32, #tpu.memory_space<vmem>>
      %dma_wait3A_1001 = arith.constant 240 : i32
      %dma_wait3A_1002 = tpu.memref_slice %arg6[%dma_wait3A_1001] : memref<256xi32, #tpu.memory_space<vmem>> -> memref<16xi32, #tpu.memory_space<vmem>>
      %dma_wait3A_1003 = arith.constant 0 : i32
      %dma_wait3A_1004 = arith.constant 0 : i32
      %dma_wait3A_1005 = tpu.memref_slice %arg3[%dma_wait3A_1003, %dma_wait3A_1004] : memref<8192x1024xf32, #tpu.memory_space<hbm>> -> memref<8192x1024xf32, #tpu.memory_space<hbm>>
      tpu.wait_indirect_dma semaphore(%arg9 : memref<!tpu.dma_semaphore, #tpu.memory_space<semaphore_mem>>) src(%dma_wait3A_1005 : memref<8192x1024xf32, #tpu.memory_space<hbm>>) dst(%dma_wait3A_1000 : memref<16x1024xf32, #tpu.memory_space<vmem>>)
      %add3A_1006 = arith.constant 240 : i32
      %add3A_1007 = arith.addi %mul3A_2, %add3A_1006 : i32
      %dma_start3A_1008 = arith.constant 1 : i32
      %dma_start3A_1009 = arith.constant 0 : i32
      %dma_start3A_1010 = arith.constant 0 : i32
      %dma_start3A_1011 = tpu.memref_slice %arg7[%dma_start3A_1008, %dma_start3A_1009, %dma_start3A_1010] : memref<7x16x1024xf32, #tpu.memory_space<vmem>> -> memref<1x16x1024xf32, #tpu.memory_space<vmem>>
      %dma_start3A_1012 = tpu.memref_squeeze %dma_start3A_1011 : memref<1x16x1024xf32, #tpu.memory_space<vmem>> -> memref<16x1024xf32, #tpu.memory_space<vmem>>
      %dma_start3A_1013 = arith.constant 0 : i32
      %dma_start3A_1014 = tpu.memref_slice %arg4[%add3A_1007, %dma_start3A_1013] : memref<8192x1024xf32, #tpu.memory_space<hbm>> -> memref<16x1024xf32, #tpu.memory_space<hbm>>
      %dma_start3A_1015 = arith.constant 0 : i32
      %dma_start3A_1016 = tpu.memref_slice %arg4[%add3A_1007, %dma_start3A_1015] : memref<8192x1024xf32, #tpu.memory_space<hbm>> -> memref<16x1024xf32, #tpu.memory_space<hbm>>
      %dma_start3A_1017 = arith.constant 0 : i32
      %dma_start3A_1018 = arith.constant 0 : i32
      %dma_start3A_1019 = tpu.memref_slice %arg7[%dma_start3A_1008, %dma_start3A_1017, %dma_start3A_1018] : memref<7x16x1024xf32, #tpu.memory_space<vmem>> -> memref<1x16x1024xf32, #tpu.memory_space<vmem>>
      %dma_start3A_1020 = tpu.memref_squeeze %dma_start3A_1019 : memref<1x16x1024xf32, #tpu.memory_space<vmem>> -> memref<16x1024xf32, #tpu.memory_space<vmem>>
      tpu.enqueue_dma source(%dma_start3A_1020 : memref<16x1024xf32, #tpu.memory_space<vmem>>) target(%dma_start3A_1016 : memref<16x1024xf32, #tpu.memory_space<hbm>>) target_semaphore(%arg16 : memref<!tpu.dma_semaphore, #tpu.memory_space<semaphore_mem>>)
      %dma_wait3A_1021 = arith.constant 2 : i32
      %dma_wait3A_1022 = arith.constant 0 : i32
      %dma_wait3A_1023 = arith.constant 0 : i32
      %dma_wait3A_1024 = tpu.memref_slice %arg7[%dma_wait3A_1021, %dma_wait3A_1022, %dma_wait3A_1023] : memref<7x16x1024xf32, #tpu.memory_space<vmem>> -> memref<1x16x1024xf32, #tpu.memory_space<vmem>>
      %dma_wait3A_1025 = tpu.memref_squeeze %dma_wait3A_1024 : memref<1x16x1024xf32, #tpu.memory_space<vmem>> -> memref<16x1024xf32, #tpu.memory_space<vmem>>
      %dma_wait3A_1026 = arith.constant 0 : i32
      %dma_wait3A_1027 = tpu.memref_slice %arg4[%add3A_857, %dma_wait3A_1026] : memref<8192x1024xf32, #tpu.memory_space<hbm>> -> memref<16x1024xf32, #tpu.memory_space<hbm>>
      %dma_wait3A_1028 = arith.constant 0 : i32
      %dma_wait3A_1029 = tpu.memref_slice %arg4[%add3A_857, %dma_wait3A_1028] : memref<8192x1024xf32, #tpu.memory_space<hbm>> -> memref<16x1024xf32, #tpu.memory_space<hbm>>
      %dma_wait3A_1030 = arith.constant 0 : i32
      %dma_wait3A_1031 = arith.constant 0 : i32
      %dma_wait3A_1032 = tpu.memref_slice %arg7[%dma_wait3A_1021, %dma_wait3A_1030, %dma_wait3A_1031] : memref<7x16x1024xf32, #tpu.memory_space<vmem>> -> memref<1x16x1024xf32, #tpu.memory_space<vmem>>
      %dma_wait3A_1033 = tpu.memref_squeeze %dma_wait3A_1032 : memref<1x16x1024xf32, #tpu.memory_space<vmem>> -> memref<16x1024xf32, #tpu.memory_space<vmem>>
      tpu.wait_dma2 semaphore(%arg17 : memref<!tpu.dma_semaphore, #tpu.memory_space<semaphore_mem>>) src(%dma_wait3A_1033 : memref<16x1024xf32, #tpu.memory_space<vmem>>) dst(%dma_wait3A_1029 : memref<16x1024xf32, #tpu.memory_space<hbm>>)
      %dma_wait3A_1034 = arith.constant 3 : i32
      %dma_wait3A_1035 = arith.constant 0 : i32
      %dma_wait3A_1036 = arith.constant 0 : i32
      %dma_wait3A_1037 = tpu.memref_slice %arg7[%dma_wait3A_1034, %dma_wait3A_1035, %dma_wait3A_1036] : memref<7x16x1024xf32, #tpu.memory_space<vmem>> -> memref<1x16x1024xf32, #tpu.memory_space<vmem>>
      %dma_wait3A_1038 = tpu.memref_squeeze %dma_wait3A_1037 : memref<1x16x1024xf32, #tpu.memory_space<vmem>> -> memref<16x1024xf32, #tpu.memory_space<vmem>>
      %dma_wait3A_1039 = arith.constant 0 : i32
      %dma_wait3A_1040 = tpu.memref_slice %arg4[%add3A_882, %dma_wait3A_1039] : memref<8192x1024xf32, #tpu.memory_space<hbm>> -> memref<16x1024xf32, #tpu.memory_space<hbm>>
      %dma_wait3A_1041 = arith.constant 0 : i32
      %dma_wait3A_1042 = tpu.memref_slice %arg4[%add3A_882, %dma_wait3A_1041] : memref<8192x1024xf32, #tpu.memory_space<hbm>> -> memref<16x1024xf32, #tpu.memory_space<hbm>>
      %dma_wait3A_1043 = arith.constant 0 : i32
      %dma_wait3A_1044 = arith.constant 0 : i32
      %dma_wait3A_1045 = tpu.memref_slice %arg7[%dma_wait3A_1034, %dma_wait3A_1043, %dma_wait3A_1044] : memref<7x16x1024xf32, #tpu.memory_space<vmem>> -> memref<1x16x1024xf32, #tpu.memory_space<vmem>>
      %dma_wait3A_1046 = tpu.memref_squeeze %dma_wait3A_1045 : memref<1x16x1024xf32, #tpu.memory_space<vmem>> -> memref<16x1024xf32, #tpu.memory_space<vmem>>
      tpu.wait_dma2 semaphore(%arg18 : memref<!tpu.dma_semaphore, #tpu.memory_space<semaphore_mem>>) src(%dma_wait3A_1046 : memref<16x1024xf32, #tpu.memory_space<vmem>>) dst(%dma_wait3A_1042 : memref<16x1024xf32, #tpu.memory_space<hbm>>)
      %dma_wait3A_1047 = arith.constant 4 : i32
      %dma_wait3A_1048 = arith.constant 0 : i32
      %dma_wait3A_1049 = arith.constant 0 : i32
      %dma_wait3A_1050 = tpu.memref_slice %arg7[%dma_wait3A_1047, %dma_wait3A_1048, %dma_wait3A_1049] : memref<7x16x1024xf32, #tpu.memory_space<vmem>> -> memref<1x16x1024xf32, #tpu.memory_space<vmem>>
      %dma_wait3A_1051 = tpu.memref_squeeze %dma_wait3A_1050 : memref<1x16x1024xf32, #tpu.memory_space<vmem>> -> memref<16x1024xf32, #tpu.memory_space<vmem>>
      %dma_wait3A_1052 = arith.constant 0 : i32
      %dma_wait3A_1053 = tpu.memref_slice %arg4[%add3A_907, %dma_wait3A_1052] : memref<8192x1024xf32, #tpu.memory_space<hbm>> -> memref<16x1024xf32, #tpu.memory_space<hbm>>
      %dma_wait3A_1054 = arith.constant 0 : i32
      %dma_wait3A_1055 = tpu.memref_slice %arg4[%add3A_907, %dma_wait3A_1054] : memref<8192x1024xf32, #tpu.memory_space<hbm>> -> memref<16x1024xf32, #tpu.memory_space<hbm>>
      %dma_wait3A_1056 = arith.constant 0 : i32
      %dma_wait3A_1057 = arith.constant 0 : i32
      %dma_wait3A_1058 = tpu.memref_slice %arg7[%dma_wait3A_1047, %dma_wait3A_1056, %dma_wait3A_1057] : memref<7x16x1024xf32, #tpu.memory_space<vmem>> -> memref<1x16x1024xf32, #tpu.memory_space<vmem>>
      %dma_wait3A_1059 = tpu.memref_squeeze %dma_wait3A_1058 : memref<1x16x1024xf32, #tpu.memory_space<vmem>> -> memref<16x1024xf32, #tpu.memory_space<vmem>>
      tpu.wait_dma2 semaphore(%arg19 : memref<!tpu.dma_semaphore, #tpu.memory_space<semaphore_mem>>) src(%dma_wait3A_1059 : memref<16x1024xf32, #tpu.memory_space<vmem>>) dst(%dma_wait3A_1055 : memref<16x1024xf32, #tpu.memory_space<hbm>>)
      %dma_wait3A_1060 = arith.constant 5 : i32
      %dma_wait3A_1061 = arith.constant 0 : i32
      %dma_wait3A_1062 = arith.constant 0 : i32
      %dma_wait3A_1063 = tpu.memref_slice %arg7[%dma_wait3A_1060, %dma_wait3A_1061, %dma_wait3A_1062] : memref<7x16x1024xf32, #tpu.memory_space<vmem>> -> memref<1x16x1024xf32, #tpu.memory_space<vmem>>
      %dma_wait3A_1064 = tpu.memref_squeeze %dma_wait3A_1063 : memref<1x16x1024xf32, #tpu.memory_space<vmem>> -> memref<16x1024xf32, #tpu.memory_space<vmem>>
      %dma_wait3A_1065 = arith.constant 0 : i32
      %dma_wait3A_1066 = tpu.memref_slice %arg4[%add3A_932, %dma_wait3A_1065] : memref<8192x1024xf32, #tpu.memory_space<hbm>> -> memref<16x1024xf32, #tpu.memory_space<hbm>>
      %dma_wait3A_1067 = arith.constant 0 : i32
      %dma_wait3A_1068 = tpu.memref_slice %arg4[%add3A_932, %dma_wait3A_1067] : memref<8192x1024xf32, #tpu.memory_space<hbm>> -> memref<16x1024xf32, #tpu.memory_space<hbm>>
      %dma_wait3A_1069 = arith.constant 0 : i32
      %dma_wait3A_1070 = arith.constant 0 : i32
      %dma_wait3A_1071 = tpu.memref_slice %arg7[%dma_wait3A_1060, %dma_wait3A_1069, %dma_wait3A_1070] : memref<7x16x1024xf32, #tpu.memory_space<vmem>> -> memref<1x16x1024xf32, #tpu.memory_space<vmem>>
      %dma_wait3A_1072 = tpu.memref_squeeze %dma_wait3A_1071 : memref<1x16x1024xf32, #tpu.memory_space<vmem>> -> memref<16x1024xf32, #tpu.memory_space<vmem>>
      tpu.wait_dma2 semaphore(%arg20 : memref<!tpu.dma_semaphore, #tpu.memory_space<semaphore_mem>>) src(%dma_wait3A_1072 : memref<16x1024xf32, #tpu.memory_space<vmem>>) dst(%dma_wait3A_1068 : memref<16x1024xf32, #tpu.memory_space<hbm>>)
      %dma_wait3A_1073 = arith.constant 6 : i32
      %dma_wait3A_1074 = arith.constant 0 : i32
      %dma_wait3A_1075 = arith.constant 0 : i32
      %dma_wait3A_1076 = tpu.memref_slice %arg7[%dma_wait3A_1073, %dma_wait3A_1074, %dma_wait3A_1075] : memref<7x16x1024xf32, #tpu.memory_space<vmem>> -> memref<1x16x1024xf32, #tpu.memory_space<vmem>>
      %dma_wait3A_1077 = tpu.memref_squeeze %dma_wait3A_1076 : memref<1x16x1024xf32, #tpu.memory_space<vmem>> -> memref<16x1024xf32, #tpu.memory_space<vmem>>
      %dma_wait3A_1078 = arith.constant 0 : i32
      %dma_wait3A_1079 = tpu.memref_slice %arg4[%add3A_957, %dma_wait3A_1078] : memref<8192x1024xf32, #tpu.memory_space<hbm>> -> memref<16x1024xf32, #tpu.memory_space<hbm>>
      %dma_wait3A_1080 = arith.constant 0 : i32
      %dma_wait3A_1081 = tpu.memref_slice %arg4[%add3A_957, %dma_wait3A_1080] : memref<8192x1024xf32, #tpu.memory_space<hbm>> -> memref<16x1024xf32, #tpu.memory_space<hbm>>
      %dma_wait3A_1082 = arith.constant 0 : i32
      %dma_wait3A_1083 = arith.constant 0 : i32
      %dma_wait3A_1084 = tpu.memref_slice %arg7[%dma_wait3A_1073, %dma_wait3A_1082, %dma_wait3A_1083] : memref<7x16x1024xf32, #tpu.memory_space<vmem>> -> memref<1x16x1024xf32, #tpu.memory_space<vmem>>
      %dma_wait3A_1085 = tpu.memref_squeeze %dma_wait3A_1084 : memref<1x16x1024xf32, #tpu.memory_space<vmem>> -> memref<16x1024xf32, #tpu.memory_space<vmem>>
      tpu.wait_dma2 semaphore(%arg21 : memref<!tpu.dma_semaphore, #tpu.memory_space<semaphore_mem>>) src(%dma_wait3A_1085 : memref<16x1024xf32, #tpu.memory_space<vmem>>) dst(%dma_wait3A_1081 : memref<16x1024xf32, #tpu.memory_space<hbm>>)
      %dma_wait3A_1086 = arith.constant 0 : i32
      %dma_wait3A_1087 = arith.constant 0 : i32
      %dma_wait3A_1088 = arith.constant 0 : i32
      %dma_wait3A_1089 = tpu.memref_slice %arg7[%dma_wait3A_1086, %dma_wait3A_1087, %dma_wait3A_1088] : memref<7x16x1024xf32, #tpu.memory_space<vmem>> -> memref<1x16x1024xf32, #tpu.memory_space<vmem>>
      %dma_wait3A_1090 = tpu.memref_squeeze %dma_wait3A_1089 : memref<1x16x1024xf32, #tpu.memory_space<vmem>> -> memref<16x1024xf32, #tpu.memory_space<vmem>>
      %dma_wait3A_1091 = arith.constant 0 : i32
      %dma_wait3A_1092 = tpu.memref_slice %arg4[%add3A_982, %dma_wait3A_1091] : memref<8192x1024xf32, #tpu.memory_space<hbm>> -> memref<16x1024xf32, #tpu.memory_space<hbm>>
      %dma_wait3A_1093 = arith.constant 0 : i32
      %dma_wait3A_1094 = tpu.memref_slice %arg4[%add3A_982, %dma_wait3A_1093] : memref<8192x1024xf32, #tpu.memory_space<hbm>> -> memref<16x1024xf32, #tpu.memory_space<hbm>>
      %dma_wait3A_1095 = arith.constant 0 : i32
      %dma_wait3A_1096 = arith.constant 0 : i32
      %dma_wait3A_1097 = tpu.memref_slice %arg7[%dma_wait3A_1086, %dma_wait3A_1095, %dma_wait3A_1096] : memref<7x16x1024xf32, #tpu.memory_space<vmem>> -> memref<1x16x1024xf32, #tpu.memory_space<vmem>>
      %dma_wait3A_1098 = tpu.memref_squeeze %dma_wait3A_1097 : memref<1x16x1024xf32, #tpu.memory_space<vmem>> -> memref<16x1024xf32, #tpu.memory_space<vmem>>
      tpu.wait_dma2 semaphore(%arg15 : memref<!tpu.dma_semaphore, #tpu.memory_space<semaphore_mem>>) src(%dma_wait3A_1098 : memref<16x1024xf32, #tpu.memory_space<vmem>>) dst(%dma_wait3A_1094 : memref<16x1024xf32, #tpu.memory_space<hbm>>)
      %dma_wait3A_1099 = arith.constant 1 : i32
      %dma_wait3A_1100 = arith.constant 0 : i32
      %dma_wait3A_1101 = arith.constant 0 : i32
      %dma_wait3A_1102 = tpu.memref_slice %arg7[%dma_wait3A_1099, %dma_wait3A_1100, %dma_wait3A_1101] : memref<7x16x1024xf32, #tpu.memory_space<vmem>> -> memref<1x16x1024xf32, #tpu.memory_space<vmem>>
      %dma_wait3A_1103 = tpu.memref_squeeze %dma_wait3A_1102 : memref<1x16x1024xf32, #tpu.memory_space<vmem>> -> memref<16x1024xf32, #tpu.memory_space<vmem>>
      %dma_wait3A_1104 = arith.constant 0 : i32
      %dma_wait3A_1105 = tpu.memref_slice %arg4[%add3A_1007, %dma_wait3A_1104] : memref<8192x1024xf32, #tpu.memory_space<hbm>> -> memref<16x1024xf32, #tpu.memory_space<hbm>>
      %dma_wait3A_1106 = arith.constant 0 : i32
      %dma_wait3A_1107 = tpu.memref_slice %arg4[%add3A_1007, %dma_wait3A_1106] : memref<8192x1024xf32, #tpu.memory_space<hbm>> -> memref<16x1024xf32, #tpu.memory_space<hbm>>
      %dma_wait3A_1108 = arith.constant 0 : i32
      %dma_wait3A_1109 = arith.constant 0 : i32
      %dma_wait3A_1110 = tpu.memref_slice %arg7[%dma_wait3A_1099, %dma_wait3A_1108, %dma_wait3A_1109] : memref<7x16x1024xf32, #tpu.memory_space<vmem>> -> memref<1x16x1024xf32, #tpu.memory_space<vmem>>
      %dma_wait3A_1111 = tpu.memref_squeeze %dma_wait3A_1110 : memref<1x16x1024xf32, #tpu.memory_space<vmem>> -> memref<16x1024xf32, #tpu.memory_space<vmem>>
      tpu.wait_dma2 semaphore(%arg16 : memref<!tpu.dma_semaphore, #tpu.memory_space<semaphore_mem>>) src(%dma_wait3A_1111 : memref<16x1024xf32, #tpu.memory_space<vmem>>) dst(%dma_wait3A_1107 : memref<16x1024xf32, #tpu.memory_space<hbm>>)
    } else {
    }
    return
  }
}

</mosaic_0001>

<sc_bundles>
// kernel: kernel.3.cloned.1.call-start
scs
__scs_entry_jumppad:
0x0: {  	(pc) =	sbr.rel $0x88, $3  }
0x1: {  	(tag) =	ssettag $0x0;
	lr =	simm.s32 $0x1  }
0x2: {  	[smem:$0x3F9E] =	sst lr;
	_ =	strace $0xD0000000  }
0x3: {  	_ = 	snop  }
0x4: {  	_ = 	snop  }
0x5: {  	_ = 	snop  }
0x6: {  	_ = 	snop  }
0x7: {  	_ = 	snop  }
__scs_overlays_trampoline_lowered:
0x8: {  	[smem:$0x3FAD] =	sst s0  }
0x9: {  	[smem:$0x3FAE] =	sst s1  }
0xa: {  	[smem:$0x3FAF] =	sst s2  }
0xb: {  	[smem:$0x3FB0] =	sst s3  }
0xc: {  	[smem:$0x3FB1] =	sst s4  }
0xd: {  	[smem:$0x3FB2] =	sst s5  }
0xe: {  	[smem:$0x3FB3] =	sst s6  }
0xf: {  	[smem:$0x3FB4] =	sst s7  }
0x10: {  	[smem:$0x3FB5] =	sst s8  }
0x11: {  	[smem:$0x3FB6] =	sst s9;
	s0 =	simm.s32 @!p0 $0x0  }
0x12: {  	s1 =	sld [smem:$0x3F9C];
	s0 =	simm.s32 @p0 $0x1  }
0x13: {  	[smem:$0x3FB7] =	sst s0;
	s0 =	simm.s32 @!p1 $0x0  }
0x14: {  	s2 =	sld [smem:$0x3F9B];
	s0 =	simm.s32 @p1 $0x1  }
0x15: {  	[smem:$0x3FB8] =	sst s0;
	s0 =	simm.s32 @!p2 $0x0  }
0x16: {  	s3 =	sld [smem:$0x3FDB];
	s0 =	simm.s32 @p2 $0x1  }
0x17: {  	s4 =	simm.s32 $0x1BF5;
	[smem:$0x3FBA] =	sst s0  }
0x18: {  	s0 =	sld [smem:$0x3F9D];
	_ =	swait.ge [sflag:s4], $0x0  }
0x19: {  	s7 =	sld [smem:$0x3F9E]  }
0x1a: {  	s8 =	sadd.s32 $0xFFFFE003, lr  }
0x1b: {  	s9 =	sadd.s32 $0xFFFFFEF7, lr;
	s5 =	simm.s32 $0xFFFFFFFF;
	p2 =	slt.u32 s8, $0xFFFFF086  }
0x1c: {  	p1 =	slt.u32 s9, $0xF7A;
	s5 =	simm.s32 @!p2 $0x0  }
0x1d: {  	s5 =	simm.s32 @p1 $0x1;
	p0 =	seq.s32 s7, s2  }
0x1e: {  	s7 =	smul.u32 @!p0 $0xF7A, s2;
	p2 =	seq.s32 @!p0 s5, $0x0  }
0x1f: {  	s9 =	smul.u32 $0xF7A, s1;
	s8 =	simm.s32 @!p0 $0x1BF5;
	p2 =	por !p2, p0  }
0x20: {  	[sflag:s8] =	ssyncset.s32 @!p0 $0xFFFFF086;
	s6 =	sadd.s32 @!p0 s3, s7;
	s7 =	simm.s32 @!p0 $0x108  }
0x21: {  	s3 =	sadd.s32 s3, s9;
	s6 =	sadd.s32 @!p0 $0x88, s6;
	s7 =	simm.s32 @p2 $0x1082  }
0x22: {  	[simem:s7], [sflag:s8] =	dma.local @!p0 [hbm:s6], $0xF7A  }
0x23: {  	s9 =	sor.u32 $0xD0000000, s2;
	s6 =	simm.s32 $0x108;
	_ =	swait.ge @!p0 [sflag:s8], $0x0  }
0x24: {  	s3 =	sadd.s32 $0x88, s3;
	s6 =	simm.s32 @!p1 $0x1082;
	[sflag:s4] =	ssyncset.s32 $0xFFFFF086  }
0x25: {  	[simem:s6], [sflag:s4] =	dma.local [hbm:s3], $0xF7A  }
0x26: {  	[smem:$0x3F9E] =	sst s1;
	(tag) =	ssettag s2;
	_ =	strace s9  }
0x27: {  	s1 =	sld [smem:$0x3FAE]  }
0x28: {  	s2 =	sld [smem:$0x3FAF]  }
0x29: {  	s4 =	sld [smem:$0x3FB1]  }
0x2a: {  	p0 =	seq.s32 s5, $0x0;
	s5 =	sld [smem:$0x3FB2]  }
0x2b: {  	s6 =	sld [smem:$0x3FB3]  }
0x2c: {  	s7 =	sld [smem:$0x3FB4]  }
0x2d: {  	s3 =	simm.s32 $0x108;
	s8 =	sld [smem:$0x3FB5]  }
0x2e: {  	s3 =	simm.s32 @!p0 $0x1082;
	s9 =	sld [smem:$0x3FB6]  }
0x2f: {  	lr =	sadd.s32 s0, s3;
	s0 =	sld [smem:$0x3FAD]  }
0x30: {  	s3 =	sld [smem:$0x3FB0]  }
0x31: {  	[smem:$0x3FB9] =	sst s10  }
0x32: {  	s10 =	sld [smem:$0x3FB7];
	_ =	sdelay $0x3  }
0x33: {  	p0 =	seq.s32 s10, $0x1;
	s10 =	sld [smem:$0x3FB9];
	_ =	sdelay $0x3  }
0x34: {  	[smem:$0x3FB9] =	sst s10  }
0x35: {  	s10 =	sld [smem:$0x3FB8];
	_ =	sdelay $0x3  }
0x36: {  	p1 =	seq.s32 s10, $0x1;
	s10 =	sld [smem:$0x3FB9];
	_ =	sdelay $0x3  }
0x37: {  	[smem:$0x3FB9] =	sst s10  }
0x38: {  	s10 =	sld [smem:$0x3FBA]  }
0x39: {  	_ = 	snop;
	(pc) =	sbr.ind lr, $3  }
0x3a: {  	_ = 	snop  }
0x3b: {  	_ = 	snop  }
0x3c: {  	p2 =	seq.s32 s10, $0x1;
	s10 =	sld [smem:$0x3FB9]  }
0x3d: {  	_ =	shalt  }
0x3e: {  	_ =	shalt  }
0x3f: {  	_ =	shalt  }
0x40: {  	_ =	shalt  }
0x41: {  	_ =	shalt  }
0x42: {  	_ =	shalt  }
0x43: {  	_ =	shalt  }
0x44: {  	_ =	shalt  }
0x45: {  	_ =	shalt  }
0x46: {  	_ =	shalt  }
0x47: {  	_ =	shalt  }
0x48: {  	_ =	shalt  }
0x49: {  	_ =	shalt  }
0x4a: {  	_ =	shalt  }
0x4b: {  	_ =	shalt  }
0x4c: {  	_ =	shalt  }
0x4d: {  	_ =	shalt  }
0x4e: {  	_ =	shalt  }
0x4f: {  	_ =	shalt  }
0x50: {  	_ =	shalt  }
0x51: {  	_ =	shalt  }
0x52: {  	_ =	shalt  }
0x53: {  	_ =	shalt  }
0x54: {  	_ =	shalt  }
0x55: {  	_ =	shalt  }
0x56: {  	_ =	shalt  }
0x57: {  	_ =	shalt  }
0x58: {  	_ =	shalt  }
0x59: {  	_ =	shalt  }
0x5a: {  	_ =	shalt  }
0x5b: {  	_ =	shalt  }
0x5c: {  	_ =	shalt  }
0x5d: {  	_ =	shalt  }
0x5e: {  	_ =	shalt  }
0x5f: {  	_ =	shalt  }
0x60: {  	_ =	shalt  }
0x61: {  	_ =	shalt  }
0x62: {  	_ =	shalt  }
0x63: {  	_ =	shalt  }
0x64: {  	_ =	shalt  }
0x65: {  	_ =	shalt  }
0x66: {  	_ =	shalt  }
0x67: {  	_ =	shalt  }
0x68: {  	_ =	shalt  }
0x69: {  	_ =	shalt  }
0x6a: {  	_ =	shalt  }
0x6b: {  	_ =	shalt  }
0x6c: {  	_ =	shalt  }
0x6d: {  	_ =	shalt  }
0x6e: {  	_ =	shalt  }
0x6f: {  	_ =	shalt  }
0x70: {  	_ =	shalt  }
0x71: {  	_ =	shalt  }
0x72: {  	_ =	shalt  }
0x73: {  	_ =	shalt  }
0x74: {  	_ =	shalt  }
0x75: {  	_ =	shalt  }
0x76: {  	_ =	shalt  }
0x77: {  	_ =	shalt  }
0x78: {  	_ =	shalt  }
0x79: {  	_ =	shalt  }
0x7a: {  	_ =	shalt  }
0x7b: {  	_ =	shalt  }
0x7c: {  	_ =	shalt  }
0x7d: {  	_ =	shalt  }
0x7e: {  	_ =	shalt  }
0x7f: {  	_ =	shalt  }
0x80: {  	_ =	shalt  }
0x81: {  	_ =	shalt  }
0x82: {  	_ =	shalt  }
0x83: {  	_ =	shalt  }
0x84: {  	_ =	shalt  }
0x85: {  	_ =	shalt  }
0x86: {  	_ =	shalt  }
0x87: {  	_ =	shalt  }
.Lfunc_end0:
.L_simem_size_0:
called_computation_lowered:
.L_overlay_start_0:
0x88: {  	s2 =	sld [smem:$0x3FD9]  }
0x89: {  	s3 =	sld [smem:$0x3FFE];
	_ =	sdelay $0x1  }
0x8a: {  	s1 =	srdreg.scid  }
0x8b: {  	s0 =	sand.u32 $0x1, s1  }
0x8c: {  	s17 =	sshll.u32 s0, $0xA;
	s2 =	sadd.s32 s3, s2  }
0x8d: {  	s2 =	sadd.s32 s2, s17  }
0x8e: {  	[smem:$0x3FC5] =	sst s2  }
0x8f: {  	_ = 	snop  }
0x90: {  	s2 =	sld [smem:$0x3FC7]  }
0x91: {  	s18 =	sld [smem:$0x3FD0];
	(tm) =	ssettm $0x1  }
0x92: {  	s4 =	sld [smem:$0x3FFB];
	_ =	sdelay $0x3  }
0x93: {  	_ =	strace s4  }
0x94: {  	s4 =	sld [smem:$0x3FFC];
	_ =	sdelay $0x3  }
0x95: {  	_ =	strace s4  }
0x96: {  	s4 =	sld [smem:$0x3FFD];
	_ =	sdelay $0x3  }
0x97: {  	_ =	strace s4  }
0x98: {  	_ =	strace $0x8FFFFFFF  }
0x99: {  	s19 =	sld [smem:$0x3FDB];
	_ =	sdelay $0x1  }
0x9a: {  	s5 =	simm.s32 $_scs_section_size  }
0x9b: {  	s6 =	simm.s32 $_size__tile_overlayer_lowered;
	s7 =	simm.s32 $_tile_overlayer_lowered  }
0x9c: {  	s22 =	simm.s32 $0x1BFF;
	s21 =	sshll.u32 s7, $0x1;
	s4 =	sadd.s32 s5, s19  }
0x9d: {  	s8 =	simm.s32 $0x0;
	s20 =	sshll.u32 s6, $0x1;
	s6 =	sadd.s32 s21, s4  }
0x9e: {  	[timem:s8], [sflag:s22] =	dma.local [hbm:s6], s20  }
0x9f: {  	_ =	swait.ge [sflag:s22], s20  }
0xa0: {  	s5 =	ssub.s32 $0x0, s20;
	[sflag:s22] =	ssyncset.done $0x0  }
0xa1: {  	[sflag:s22] =	ssyncadd.s32 s5;
	_ =	sdelay $0x1  }
0xa2: {  	s23 =	simm.s32 $0x1B8B  }
0xa3: {  	_ =	swait.ge [sflag:s23], $0x1  }
0xa4: {  	[sflag:s23] =	ssyncset.done $0x0  }
0xa5: {  	s25 =	simm.s32 $0x1B8E;
	s24 =	sld [smem:$0x3FFE];
	[sflag:s23] =	ssyncadd.s32 $0xFFFFFFFF  }
0xa6: {  	s26 =	simm.s32 $execute0_lowered;
	[smem:$0x3FD2] =	sst s25  }
0xa7: {  	s6 =	sshll.u32 s26, $0x1;
	_ =	strace $0x80000046;
	[dreg:$0x1] =	wrdreg $0xFFFFFFFF  }
0xa8: {  	s28 =	simm.s32 $_size_execute0_lowered;
	s4 =	sadd.s32 s4, s6;
	[dreg:$0x0] =	wrdreg $0x0  }
0xa9: {  	s6 =	sshll.u32 s28, $0x1;
	[dreg:$0x2] =	wrdreg s4  }
0xaa: {  	[dreg:$0x3] =	wrdreg s6  }
0xab: {  	[dreg:$0x4] =	wrdreg $0xC0  }
0xac: {  	_ =	task [dreg:s8], $0x5FFFF  }
0xad: {  	[dreg:$0x1] =	wrdreg $0xFFFFFFFF  }
0xae: {  	[dreg:$0x0] =	wrdreg $0x60  }
0xaf: {  	[dreg:$0x2] =	wrdreg s24  }
0xb0: {  	[dreg:$0x3] =	wrdreg s2  }
0xb1: {  	[dreg:$0x4] =	wrdreg s18  }
0xb2: {  	[dreg:$0x5] =	wrdreg $0x9  }
0xb3: {  	_ =	task.clear_ibuf [dreg:s8], $0x6FFFF;
	_ =	strace $0x90000046  }
0xb4: {  	s29 =	simm.s32 $0x9;
	_ =	strace $0x80000048  }
0xb5: {  	_ =	swait.ge [sflag:s29], $0x1  }
0xb6: {  	[sflag:s29] =	ssyncadd.s32 $0xFFFFFFFF  }
0xb7: {  	_ =	strace $0x90000048  }
0xb8: {  	_ =	sfence  }
0xb9: {  	s30 =	sld [smem:$0x0];
	_ =	sdelay $0x2  }
0xba: {  	s31 =	sshll.u32 s1, $0xD;
	s1 =	sshrl.u32 s1, $0x2  }
0xbb: {  	s3 =	sand.u32 $0x4000, s31;
	s1 =	sadd.s32 s1, s30  }
0xbc: {  	s0 =	sor.u32 s3, s0;
	s1 =	sshll.u32 s1, $0x11  }
0xbd: {  	s0 =	sor.u32 s1, s0  }
0xbe: {  	s0 =	sadd.s32 $0x8F2B, s0  }
0xbf: {  	[sflag:s0] =	ssyncadd.remote.s32 $0x1  }
0xc0: {  	_ =	sfence.sel $0xFFFF  }
0xc1: {  	[dreg:$0x0] =	wrdreg $0xFFFFFFFF;
	(pc) =	sbr.abs _section_cstart, $3  }
0xc2: {  	[dreg:$0x1] =	wrdreg $0xFFFFFFFF  }
0xc3: {  	_ =	task.clear_ibuf [dreg:s8], $0x2FFFF;
	_ =	strace $0x9FFFFFFF  }
0xc4: {  	(tm) =	ssettm $0x7FFFFFFF  }
0xc5: {  	_ =	shalt  }
tec
execute0_lowered:
.L_overlay_start_1:
0x0: {  	(tag) =	ssettag $0x1  }
0x1: {  	s0 =	rddreg [dreg:$0x2];
	s2 =	srdreg.scid  }
0x2: {  	s1 =	simm.s32 $0x0;
	s4 =	stileid.u32;
	s2 =	sand.u32 $0x1, s2  }
0x3: {  	s4 =	sshll.u32 s4, $0x9;
	s3 =	ssub.s32 $0x2, s2;
	s2 =	sshll.u32 s2, $0x8  }
0x4: {  	s29 =	simm.s32 $0x18180;
	s5 =	sshrl.u32 s3, $0x1;
	s30 =	sor.u32 s2, s4  }
0x5: {  	[smem:$0x7FF] =	sst s1;
	s3 =	ssub.s32 s3, s5;
	s12 =	sor.u32 $0x10, s30  }
0x6: {  	s13 =	sor.u32 $0x20, s30;
	s14 =	sor.u32 $0x30, s30;
	s9 =	sor.u32 $0x40, s30  }
0x7: {  	s5 =	sor.u32 $0x50, s30;
	s11 =	sor.u32 $0x60, s30;
	s7 =	sor.u32 $0x70, s30  }
0x8: {  	s6 =	sor.u32 $0x80, s30;
	s8 =	sor.u32 $0x90, s30;
	s4 =	sshll.u32 s30, $0x7  }
0x9: {  	s23 =	sor.u32 $0xA0, s30;
	s10 =	sshll.u32 s12, $0x7;
	s4 =	sadd.s32 s0, s4  }
0xa: {  	s21 =	sshll.u32 s13, $0x7;
	[dreg:$0x4] =	wrdreg s4;
	s20 =	sadd.s32 s0, s10  }
0xb: {  	s22 =	sshll.u32 s14, $0x7;
	s4 =	sadd.s32 s0, s21;
	[dreg:$0x5] =	wrdreg s20  }
0xc: {  	s15 =	sshll.u32 s9, $0x7;
	s24 =	sadd.s32 s0, s22;
	[dreg:$0x6] =	wrdreg s4  }
0xd: {  	s28 =	sshll.u32 s11, $0x7;
	s25 =	sadd.s32 s0, s15;
	[dreg:$0x7] =	wrdreg s24  }
0xe: {  	s2 =	sshll.u32 s7, $0x7;
	s10 =	sadd.s32 s0, s28;
	[dreg:$0x8] =	wrdreg s25  }
0xf: {  	s17 =	sshll.u32 s8, $0x7;
	s15 =	sadd.s32 s0, s2;
	[dreg:$0xa] =	wrdreg s10  }
0x10: {  	s26 =	sshll.u32 s5, $0x7;
	s19 =	sadd.s32 s0, s17;
	[dreg:$0xb] =	wrdreg s15  }
0x11: {  	v18 =	vlaneseq.u32;
	s16 =	sshll.u32 s6, $0x7;
	s18 =	sshll.u32 s23, $0x7;
	[dreg:$0xd] =	wrdreg s19  }
0x12: {  	v4 =	vor.u32 s5, v18;
	s5 =	simm.s32 $0x1;
	s4 =	sadd.s32 s0, s26;
	s26 =	rddreg [dreg:$0x0]  }
0x13: {  	v7 =	vor.u32 s6, v18;
	s6 =	simm.s32 $0x8;
	s20 =	sadd.s32 s0, s18;
	s18 =	rddreg [dreg:$0x1]  }
0x14: {  	s19 =	sor.u32 $0xC0, s30;
	s15 =	sor.u32 $0xD0, s30;
	[dreg:$0x9] =	wrdreg s4  }
0x15: {  	s10 =	sor.u32 $0xF0, s30;
	s4 =	sadd.s32 s0, s16;
	[dreg:$0xe] =	wrdreg s20  }
0x16: {  	s16 =	sor.u32 $0xB0, s30;
	s22 =	sshll.u32 s19, $0x7;
	s17 =	sshll.u32 s15, $0x7  }
0x17: {  	s20 =	sor.u32 $0xE0, s30;
	[dreg:$0xc] =	wrdreg s4;
	s24 =	sadd.s32 s0, s22  }
0x18: {  	s21 =	sshll.u32 s16, $0x7;
	s25 =	sadd.s32 s0, s17;
	[dreg:$0x10] =	wrdreg s24  }
0x19: {  	s28 =	sshll.u32 s20, $0x7;
	s4 =	sadd.s32 s0, s21;
	[dreg:$0x11] =	wrdreg s25  }
0x1a: {  	s21 =	sshll.u32 s10, $0x7;
	s17 =	sadd.s32 s0, s28;
	[dreg:$0xf] =	wrdreg s4  }
0x1b: {  	v6 =	vor.u32 s7, v18;
	s7 =	simm.s32 $0x2;
	[dreg:$0x12] =	wrdreg s17;
	s0 =	sadd.s32 s0, s21  }
0x1c: {  	v8 =	vor.u32 s8, v18;
	s8 =	simm.s32 $0x9;
	s2 =	sadd.s32 $0x600, s26;
	[dreg:$0x13] =	wrdreg s0  }
0x1d: {  	s4 =	sor.u32 $0xFF, s30;
	_ =	strace $0x80000047;
	[dreg:$0x14] =	wrdreg s2  }
0x1e: {  	v3 =	vor.u32 s9, v18;
	s9 =	simm.s32 $0x3;
	s17 =	sadd.s32 $0x800, s18;
	[dreg:$0x15] =	wrdreg s4  }
0x1f: {  	v5 =	vor.u32 s11, v18;
	s11 =	simm.s32 $0x4;
	s21 =	sadd.s32 $0x1000, s18;
	[dreg:$0x16] =	wrdreg s17  }
0x20: {  	v0 =	vor.u32 s12, v18;
	s12 =	simm.s32 $0xB;
	s24 =	sadd.s32 $0x1800, s18;
	[dreg:$0x17] =	wrdreg s21  }
0x21: {  	v1 =	vor.u32 s13, v18;
	s13 =	simm.s32 $0x5;
	s25 =	sadd.s32 $0x2000, s18;
	[dreg:$0x18] =	wrdreg s24  }
0x22: {  	v2 =	vor.u32 s14, v18;
	s14 =	simm.s32 $0xC;
	s26 =	sadd.s32 $0x2800, s18;
	[dreg:$0x19] =	wrdreg s25  }
0x23: {  	s31 =	sadd.s32 $0x100, s18;
	s28 =	sadd.s32 $0x3000, s18;
	[dreg:$0x1a] =	wrdreg s26  }
0x24: {  	s22 =	smax.u32 s3, $0x1;
	s3 =	sadd.s32 $0x4000, s18;
	[dreg:$0x1b] =	wrdreg s28  }
0x25: {  	v12 =	vor.u32 s15, v18;
	s15 =	simm.s32 $0x6;
	s2 =	sadd.s32 $0x3800, s18;
	[dreg:$0x1d] =	wrdreg s3  }
0x26: {  	v11 =	vor.u32 s19, v18;
	s19 =	simm.s32 $0x7;
	s4 =	sadd.s32 $0x4800, s18;
	[dreg:$0x1c] =	wrdreg s2  }
0x27: {  	v10 =	vor.u32 s16, v18;
	s16 =	simm.s32 $0xD;
	s17 =	sadd.s32 $0x5000, s18;
	[dreg:$0x1e] =	wrdreg s4  }
0x28: {  	v13 =	vor.u32 s20, v18;
	s20 =	simm.s32 $0xE;
	s21 =	sadd.s32 $0x5800, s18;
	[dreg:$0x1f] =	wrdreg s17  }
0x29: {  	v14 =	vor.u32 s10, v18;
	s10 =	simm.s32 $0xA;
	s24 =	sadd.s32 $0x6000, s18;
	[smem:$0x7F9] =	sst s21  }
.Ltmp0:
0x2a: {  	s25 =	sadd.s32 $0x6800, s18;
	[smem:$0x7FA] =	sst s24;
	(pc) =	sbr.rel .LBB2_1-.Ltmp0, $4  }
0x2b: {  	s0 =	sadd.s32 $0x300, s18;
	s26 =	sadd.s32 $0x7000, s18;
	[smem:$0x7FB] =	sst s25  }
0x2c: {  	v17 =	vshrl.u32 v18, $0x3;
	s28 =	sadd.s32 $0x7800, s18;
	s3 =	simm.s32 $0xC180;
	[smem:$0x7FC] =	sst s26  }
0x2d: {  	vm0 =	vmmov $0xffff;
	v16 =	vand.u32 $0x7, v18;
	v17 =	vmul.u32 $0x8, v17;
	[smem:$0x7FD] =	sst s28;
	s17 =	sadd.s32 $0x200, s18;
	s25 =	simm.s32 $0x180  }
0x2e: {  	v15 =	vor.u32 s30, v18;
	v9 =	vor.u32 s23, v18;
	v18 =	vor.u32 $0x8, v18;
	s26 =	simm.s32 $0x4180;
	s4 =	simm.s32 $0x10180;
	s2 =	simm.s32 $0x14180  }
.LBB2_3:
0x2f: {  	v20 =	vshll.u32 v19, $0x3  }
0x30: {  	v19 =	vand.u32 $0x7, v19;
	v20 =	vand.u32 $0xFFC0, v20  }
0x31: {  	v19 =	vor.u32 v19, v20  }
0x32: {  	v20 =	vperm.xlane v19, v16;
	_ =	sdelay $0x1  }
0x33: {  	v20 =	vadd.s32 v17, v20;
	_ =	sdelay $0x4  }
0x34: {  	[tilespmem:s25], [sflag:$0x1] =	stream.indirect_vreg.gather [hbm4b:s18+s1], $0x80, v20, vm0, $0xb8;
	[tilespmem:$0x1C180] =	vst v63  }
0x35: {  	s2 =	simm.s32 $0x980;
	v19 =	vperm.xlane v19, v18  }
0x36: {  	[tilespmem:s2], [sflag:$0x1] =	stream.indirect_vreg.gather [hbm4b:s31+s1], $0x80, v20, vm0, $0xb8;
	[tilespmem:$0x1C180] =	vst v63  }
0x37: {  	s21 =	simm.s32 $0x1180;
	v19 =	vadd.s32 v17, v19  }
0x38: {  	[tilespmem:s21], [sflag:$0x1] =	stream.indirect_vreg.gather [hbm4b:s17+s1], $0x80, v20, vm0, $0xb8;
	[tilespmem:$0x1C180] =	vst v63  }
0x39: {  	s23 =	simm.s32 $0x1980  }
0x3a: {  	[tilespmem:s23], [sflag:$0x1] =	stream.indirect_vreg.gather [hbm4b:s0+s1], $0x80, v20, vm0, $0xb8;
	[tilespmem:$0x1C180] =	vst v63  }
0x3b: {  	s24 =	simm.s32 $0x2180  }
0x3c: {  	[tilespmem:s24], [sflag:$0x1] =	stream.indirect_vreg.gather [hbm4b:s18+s1], $0x80, v19, vm0, $0xb8;
	[tilespmem:$0x1C180] =	vst v63  }
0x3d: {  	s28 =	simm.s32 $0x2980  }
0x3e: {  	[tilespmem:s28], [sflag:$0x1] =	stream.indirect_vreg.gather [hbm4b:s31+s1], $0x80, v19, vm0, $0xb8;
	[tilespmem:$0x1C180] =	vst v63  }
0x3f: {  	s3 =	simm.s32 $0x3180  }
0x40: {  	[tilespmem:s3], [sflag:$0x1] =	stream.indirect_vreg.gather [hbm4b:s17+s1], $0x80, v19, vm0, $0xb8;
	[tilespmem:$0x1C180] =	vst v63  }
0x41: {  	s4 =	simm.s32 $0x3980  }
0x42: {  	[tilespmem:s4], [sflag:$0x1] =	stream.indirect_vreg.gather [hbm4b:s0+s1], $0x80, v19, vm0, $0xb8;
	[tilespmem:$0x1C180] =	vst v63  }
0x43: {  	v19 =	vld [tilespmem:$0x90];
	_ =	sdelay $0x4  }
0x44: {  	v20 =	vshll.u32 v19, $0x3  }
0x45: {  	v19 =	vand.u32 $0x7, v19;
	v20 =	vand.u32 $0xFFFFFFC0, v20  }
0x46: {  	v19 =	vor.u32 v19, v20  }
0x47: {  	v20 =	vperm.xlane v19, v16;
	_ =	sdelay $0x1  }
0x48: {  	v20 =	vadd.s32 v17, v20;
	_ =	sdelay $0x4  }
0x49: {  	[tilespmem:s26], [sflag:$0x2] =	stream.indirect_vreg.gather [hbm4b:s18+s1], $0x80, v20, vm0, $0xb8;
	[tilespmem:$0x1C180] =	vst v63  }
0x4a: {  	s21 =	simm.s32 $0x4980;
	v19 =	vperm.xlane v19, v18  }
0x4b: {  	[tilespmem:s21], [sflag:$0x2] =	stream.indirect_vreg.gather [hbm4b:s31+s1], $0x80, v20, vm0, $0xb8;
	[tilespmem:$0x1C180] =	vst v63  }
0x4c: {  	s23 =	simm.s32 $0x5180;
	v19 =	vadd.s32 v17, v19  }
0x4d: {  	[tilespmem:s23], [sflag:$0x2] =	stream.indirect_vreg.gather [hbm4b:s17+s1], $0x80, v20, vm0, $0xb8;
	[tilespmem:$0x1C180] =	vst v63  }
0x4e: {  	s24 =	simm.s32 $0x5980  }
0x4f: {  	[tilespmem:s24], [sflag:$0x2] =	stream.indirect_vreg.gather [hbm4b:s0+s1], $0x80, v20, vm0, $0xb8;
	[tilespmem:$0x1C180] =	vst v63  }
0x50: {  	s28 =	simm.s32 $0x6180  }
0x51: {  	[tilespmem:s28], [sflag:$0x2] =	stream.indirect_vreg.gather [hbm4b:s18+s1], $0x80, v19, vm0, $0xb8;
	[tilespmem:$0x1C180] =	vst v63  }
0x52: {  	s3 =	simm.s32 $0x6980  }
0x53: {  	[tilespmem:s3], [sflag:$0x2] =	stream.indirect_vreg.gather [hbm4b:s31+s1], $0x80, v19, vm0, $0xb8;
	[tilespmem:$0x1C180] =	vst v63  }
0x54: {  	s4 =	simm.s32 $0x7180  }
0x55: {  	[tilespmem:s4], [sflag:$0x2] =	stream.indirect_vreg.gather [hbm4b:s17+s1], $0x80, v19, vm0, $0xb8;
	[tilespmem:$0x1C180] =	vst v63  }
0x56: {  	s21 =	simm.s32 $0x7980  }
0x57: {  	[tilespmem:s21], [sflag:$0x2] =	stream.indirect_vreg.gather [hbm4b:s0+s1], $0x80, v19, vm0, $0xb8;
	[tilespmem:$0x1C180] =	vst v63  }
0x58: {  	v19 =	vld [tilespmem:$0xA0];
	_ =	sdelay $0x4  }
0x59: {  	v20 =	vshll.u32 v19, $0x3  }
0x5a: {  	v19 =	vand.u32 $0x7, v19;
	v20 =	vand.u32 $0xFFFFFFC0, v20  }
0x5b: {  	v19 =	vor.u32 v19, v20  }
0x5c: {  	v20 =	vperm.xlane v19, v16;
	_ =	sdelay $0x1  }
0x5d: {  	v20 =	vadd.s32 v17, v20;
	_ =	sdelay $0x3  }
0x5e: {  	s29 =	simm.s32 $0x8180  }
0x5f: {  	[tilespmem:s29], [sflag:$0x3] =	stream.indirect_vreg.gather [hbm4b:s18+s1], $0x80, v20, vm0, $0xb8;
	[tilespmem:$0x1C180] =	vst v63  }
0x60: {  	s23 =	simm.s32 $0x8980;
	v19 =	vperm.xlane v19, v18  }
0x61: {  	[tilespmem:s23], [sflag:$0x3] =	stream.indirect_vreg.gather [hbm4b:s31+s1], $0x80, v20, vm0, $0xb8;
	[tilespmem:$0x1C180] =	vst v63  }
0x62: {  	s24 =	simm.s32 $0x9180;
	v19 =	vadd.s32 v17, v19  }
0x63: {  	[tilespmem:s24], [sflag:$0x3] =	stream.indirect_vreg.gather [hbm4b:s17+s1], $0x80, v20, vm0, $0xb8;
	[tilespmem:$0x1C180] =	vst v63  }
0x64: {  	s23 =	simm.s32 $0x9980  }
0x65: {  	[tilespmem:s23], [sflag:$0x3] =	stream.indirect_vreg.gather [hbm4b:s0+s1], $0x80, v20, vm0, $0xb8;
	[tilespmem:$0x1C180] =	vst v63  }
0x66: {  	s28 =	simm.s32 $0xA180  }
0x67: {  	[tilespmem:s28], [sflag:$0x3] =	stream.indirect_vreg.gather [hbm4b:s18+s1], $0x80, v19, vm0, $0xb8;
	[tilespmem:$0x1C180] =	vst v63  }
0x68: {  	s24 =	simm.s32 $0xA980  }
0x69: {  	[tilespmem:s24], [sflag:$0x3] =	stream.indirect_vreg.gather [hbm4b:s31+s1], $0x80, v19, vm0, $0xb8;
	[tilespmem:$0x1C180] =	vst v63  }
0x6a: {  	s28 =	simm.s32 $0xB180  }
0x6b: {  	[tilespmem:s28], [sflag:$0x3] =	stream.indirect_vreg.gather [hbm4b:s17+s1], $0x80, v19, vm0, $0xb8;
	[tilespmem:$0x1C180] =	vst v63  }
0x6c: {  	s23 =	simm.s32 $0xB980  }
0x6d: {  	[tilespmem:s23], [sflag:$0x3] =	stream.indirect_vreg.gather [hbm4b:s0+s1], $0x80, v19, vm0, $0xb8;
	[tilespmem:$0x1C180] =	vst v63  }
0x6e: {  	v19 =	vld [tilespmem:$0xB0];
	_ =	sdelay $0x4  }
0x6f: {  	v20 =	vshll.u32 v19, $0x3  }
0x70: {  	v19 =	vand.u32 $0x7, v19;
	v20 =	vand.u32 $0xFFFFFFC0, v20  }
0x71: {  	v19 =	vor.u32 v19, v20  }
0x72: {  	v20 =	vperm.xlane v19, v16;
	_ =	sdelay $0x1  }
0x73: {  	v20 =	vadd.s32 v17, v20;
	_ =	sdelay $0x3  }
0x74: {  	s21 =	simm.s32 $0xC180  }
0x75: {  	[tilespmem:s21], [sflag:$0x4] =	stream.indirect_vreg.gather [hbm4b:s18+s1], $0x80, v20, vm0, $0xb8;
	[tilespmem:$0x1C180] =	vst v63  }
0x76: {  	v19 =	vperm.xlane v19, v18;
	s21 =	simm.s32 $0xC980  }
0x77: {  	[tilespmem:s21], [sflag:$0x4] =	stream.indirect_vreg.gather [hbm4b:s31+s1], $0x80, v20, vm0, $0xb8;
	[tilespmem:$0x1C180] =	vst v63  }
0x78: {  	v19 =	vadd.s32 v17, v19;
	s21 =	simm.s32 $0xD180  }
0x79: {  	[tilespmem:s21], [sflag:$0x4] =	stream.indirect_vreg.gather [hbm4b:s17+s1], $0x80, v20, vm0, $0xb8;
	[tilespmem:$0x1C180] =	vst v63  }
0x7a: {  	s21 =	simm.s32 $0xD980  }
0x7b: {  	[tilespmem:s21], [sflag:$0x4] =	stream.indirect_vreg.gather [hbm4b:s0+s1], $0x80, v20, vm0, $0xb8;
	[tilespmem:$0x1C180] =	vst v63  }
0x7c: {  	s21 =	simm.s32 $0xE180  }
0x7d: {  	[tilespmem:s21], [sflag:$0x4] =	stream.indirect_vreg.gather [hbm4b:s18+s1], $0x80, v19, vm0, $0xb8;
	[tilespmem:$0x1C180] =	vst v63  }
0x7e: {  	s21 =	simm.s32 $0xE980  }
0x7f: {  	[tilespmem:s21], [sflag:$0x4] =	stream.indirect_vreg.gather [hbm4b:s31+s1], $0x80, v19, vm0, $0xb8;
	[tilespmem:$0x1C180] =	vst v63  }
0x80: {  	s21 =	simm.s32 $0xF180  }
0x81: {  	[tilespmem:s21], [sflag:$0x4] =	stream.indirect_vreg.gather [hbm4b:s17+s1], $0x80, v19, vm0, $0xb8;
	[tilespmem:$0x1C180] =	vst v63  }
0x82: {  	s21 =	simm.s32 $0xF980  }
0x83: {  	[tilespmem:s21], [sflag:$0x4] =	stream.indirect_vreg.gather [hbm4b:s0+s1], $0x80, v19, vm0, $0xb8;
	[tilespmem:$0x1C180] =	vst v63  }
0x84: {  	v19 =	vld [tilespmem:$0xC0];
	_ =	sdelay $0x4  }
0x85: {  	v20 =	vshll.u32 v19, $0x3  }
0x86: {  	v19 =	vand.u32 $0x7, v19;
	v20 =	vand.u32 $0xFFFFFFC0, v20  }
0x87: {  	v19 =	vor.u32 v19, v20  }
0x88: {  	v20 =	vperm.xlane v19, v16;
	_ =	sdelay $0x1  }
0x89: {  	v20 =	vadd.s32 v17, v20;
	_ =	sdelay $0x3  }
0x8a: {  	s2 =	simm.s32 $0x10180  }
0x8b: {  	[tilespmem:s2], [sflag:$0x5] =	stream.indirect_vreg.gather [hbm4b:s18+s1], $0x80, v20, vm0, $0xb8;
	[tilespmem:$0x1C180] =	vst v63  }
0x8c: {  	v19 =	vperm.xlane v19, v18;
	s2 =	simm.s32 $0x10980  }
0x8d: {  	[tilespmem:s2], [sflag:$0x5] =	stream.indirect_vreg.gather [hbm4b:s31+s1], $0x80, v20, vm0, $0xb8;
	[tilespmem:$0x1C180] =	vst v63  }
0x8e: {  	s21 =	simm.s32 $0x11180;
	v19 =	vadd.s32 v17, v19  }
0x8f: {  	[tilespmem:s21], [sflag:$0x5] =	stream.indirect_vreg.gather [hbm4b:s17+s1], $0x80, v20, vm0, $0xb8;
	[tilespmem:$0x1C180] =	vst v63  }
0x90: {  	s21 =	simm.s32 $0x11980  }
0x91: {  	[tilespmem:s21], [sflag:$0x5] =	stream.indirect_vreg.gather [hbm4b:s0+s1], $0x80, v20, vm0, $0xb8;
	[tilespmem:$0x1C180] =	vst v63  }
0x92: {  	s21 =	simm.s32 $0x12180  }
0x93: {  	[tilespmem:s21], [sflag:$0x5] =	stream.indirect_vreg.gather [hbm4b:s18+s1], $0x80, v19, vm0, $0xb8;
	[tilespmem:$0x1C180] =	vst v63  }
0x94: {  	s21 =	simm.s32 $0x12980  }
0x95: {  	[tilespmem:s21], [sflag:$0x5] =	stream.indirect_vreg.gather [hbm4b:s31+s1], $0x80, v19, vm0, $0xb8;
	[tilespmem:$0x1C180] =	vst v63  }
0x96: {  	s21 =	simm.s32 $0x13180  }
0x97: {  	[tilespmem:s21], [sflag:$0x5] =	stream.indirect_vreg.gather [hbm4b:s17+s1], $0x80, v19, vm0, $0xb8;
	[tilespmem:$0x1C180] =	vst v63  }
0x98: {  	s21 =	simm.s32 $0x13980  }
0x99: {  	[tilespmem:s21], [sflag:$0x5] =	stream.indirect_vreg.gather [hbm4b:s0+s1], $0x80, v19, vm0, $0xb8;
	[tilespmem:$0x1C180] =	vst v63  }
0x9a: {  	v19 =	vld [tilespmem:$0xD0];
	_ =	sdelay $0x4  }
0x9b: {  	v20 =	vshll.u32 v19, $0x3  }
0x9c: {  	v19 =	vand.u32 $0x7, v19;
	v20 =	vand.u32 $0xFFFFFFC0, v20  }
0x9d: {  	v19 =	vor.u32 v19, v20  }
0x9e: {  	v20 =	vperm.xlane v19, v16;
	_ =	sdelay $0x1  }
0x9f: {  	v20 =	vadd.s32 v17, v20;
	_ =	sdelay $0x3  }
0xa0: {  	s3 =	simm.s32 $0x14180  }
0xa1: {  	[tilespmem:s3], [sflag:$0x6] =	stream.indirect_vreg.gather [hbm4b:s18+s1], $0x80, v20, vm0, $0xb8;
	[tilespmem:$0x1C180] =	vst v63  }
0xa2: {  	s21 =	simm.s32 $0x14980;
	v19 =	vperm.xlane v19, v18  }
0xa3: {  	[tilespmem:s21], [sflag:$0x6] =	stream.indirect_vreg.gather [hbm4b:s31+s1], $0x80, v20, vm0, $0xb8;
	[tilespmem:$0x1C180] =	vst v63  }
0xa4: {  	v19 =	vadd.s32 v17, v19;
	s21 =	simm.s32 $0x15180  }
0xa5: {  	[tilespmem:s21], [sflag:$0x6] =	stream.indirect_vreg.gather [hbm4b:s17+s1], $0x80, v20, vm0, $0xb8;
	[tilespmem:$0x1C180] =	vst v63  }
0xa6: {  	s21 =	simm.s32 $0x15980  }
0xa7: {  	[tilespmem:s21], [sflag:$0x6] =	stream.indirect_vreg.gather [hbm4b:s0+s1], $0x80, v20, vm0, $0xb8;
	[tilespmem:$0x1C180] =	vst v63  }
0xa8: {  	s21 =	simm.s32 $0x16180  }
0xa9: {  	[tilespmem:s21], [sflag:$0x6] =	stream.indirect_vreg.gather [hbm4b:s18+s1], $0x80, v19, vm0, $0xb8;
	[tilespmem:$0x1C180] =	vst v63  }
0xaa: {  	s21 =	simm.s32 $0x16980  }
0xab: {  	[tilespmem:s21], [sflag:$0x6] =	stream.indirect_vreg.gather [hbm4b:s31+s1], $0x80, v19, vm0, $0xb8;
	[tilespmem:$0x1C180] =	vst v63  }
0xac: {  	s21 =	simm.s32 $0x17180  }
0xad: {  	[tilespmem:s21], [sflag:$0x6] =	stream.indirect_vreg.gather [hbm4b:s17+s1], $0x80, v19, vm0, $0xb8;
	[tilespmem:$0x1C180] =	vst v63  }
0xae: {  	s21 =	simm.s32 $0x17980  }
0xaf: {  	[tilespmem:s21], [sflag:$0x6] =	stream.indirect_vreg.gather [hbm4b:s0+s1], $0x80, v19, vm0, $0xb8;
	[tilespmem:$0x1C180] =	vst v63  }
0xb0: {  	v19 =	vld [tilespmem:$0xE0];
	_ =	sdelay $0x4  }
0xb1: {  	v20 =	vshll.u32 v19, $0x3  }
0xb2: {  	v19 =	vand.u32 $0x7, v19;
	v20 =	vand.u32 $0xFFFFFFC0, v20  }
0xb3: {  	v19 =	vor.u32 v19, v20  }
0xb4: {  	v20 =	vperm.xlane v19, v16;
	_ =	sdelay $0x1  }
0xb5: {  	v20 =	vadd.s32 v17, v20;
	_ =	sdelay $0x3  }
0xb6: {  	s4 =	simm.s32 $0x18180  }
0xb7: {  	[tilespmem:s4], [sflag:$0x7] =	stream.indirect_vreg.gather [hbm4b:s18+s1], $0x80, v20, vm0, $0xb8;
	[tilespmem:$0x1C180] =	vst v63  }
0xb8: {  	s21 =	simm.s32 $0x18980;
	v19 =	vperm.xlane v19, v18  }
0xb9: {  	[tilespmem:s21], [sflag:$0x7] =	stream.indirect_vreg.gather [hbm4b:s31+s1], $0x80, v20, vm0, $0xb8;
	[tilespmem:$0x1C180] =	vst v63  }
0xba: {  	v19 =	vadd.s32 v17, v19;
	s4 =	simm.s32 $0x19180  }
0xbb: {  	[tilespmem:s4], [sflag:$0x7] =	stream.indirect_vreg.gather [hbm4b:s17+s1], $0x80, v20, vm0, $0xb8;
	[tilespmem:$0x1C180] =	vst v63  }
0xbc: {  	s21 =	simm.s32 $0x19980  }
0xbd: {  	[tilespmem:s21], [sflag:$0x7] =	stream.indirect_vreg.gather [hbm4b:s0+s1], $0x80, v20, vm0, $0xb8;
	[tilespmem:$0x1C180] =	vst v63  }
0xbe: {  	s4 =	simm.s32 $0x1A180  }
0xbf: {  	[tilespmem:s4], [sflag:$0x7] =	stream.indirect_vreg.gather [hbm4b:s18+s1], $0x80, v19, vm0, $0xb8;
	[tilespmem:$0x1C180] =	vst v63  }
0xc0: {  	s21 =	simm.s32 $0x1A980  }
0xc1: {  	[tilespmem:s21], [sflag:$0x7] =	stream.indirect_vreg.gather [hbm4b:s31+s1], $0x80, v19, vm0, $0xb8;
	[tilespmem:$0x1C180] =	vst v63  }
0xc2: {  	s4 =	simm.s32 $0x1B180  }
0xc3: {  	[tilespmem:s4], [sflag:$0x7] =	stream.indirect_vreg.gather [hbm4b:s17+s1], $0x80, v19, vm0, $0xb8;
	[tilespmem:$0x1C180] =	vst v63  }
0xc4: {  	s21 =	simm.s32 $0x1B980  }
0xc5: {  	[tilespmem:s21], [sflag:$0x7] =	stream.indirect_vreg.gather [hbm4b:s0+s1], $0x80, v19, vm0, $0xb8;
	[tilespmem:$0x1C180] =	vst v63  }
0xc6: {  	_ =	swait.ge [sflag:s5], $0x4000  }
0xc7: {  	[sflag:s5] =	ssyncset.done $0x0  }
0xc8: {  	s4 =	rddreg [dreg:$0x4];
	[sflag:s5] =	ssyncadd.s32 $0xFFFFC000  }
0xc9: {  	[hbm4b:s4+s1] =	stream.linear.scatter [tilespmem:s25], [sflag:$0x8], $0x4000, $0x38;
	[tilespmem:$0x1C180] =	vst v63  }
0xca: {  	_ =	swait.ge [sflag:s6], $0x4000  }
0xcb: {  	[sflag:s6] =	ssyncset.done $0x0  }
0xcc: {  	[sflag:s6] =	ssyncadd.s32 $0xFFFFC000  }
0xcd: {  	v19 =	vld [tilespmem:$0xF0];
	_ =	sdelay $0x4  }
0xce: {  	v20 =	vshll.u32 v19, $0x3  }
0xcf: {  	v19 =	vand.u32 $0x7, v19;
	v20 =	vand.u32 $0xFFFFFFC0, v20  }
0xd0: {  	v19 =	vor.u32 v19, v20  }
0xd1: {  	v20 =	vperm.xlane v19, v16;
	_ =	sdelay $0x1  }
0xd2: {  	v20 =	vadd.s32 v17, v20;
	_ =	sdelay $0x4  }
0xd3: {  	[tilespmem:s25], [sflag:$0x1] =	stream.indirect_vreg.gather [hbm4b:s18+s1], $0x80, v20, vm0, $0xb8;
	[tilespmem:$0x1C180] =	vst v63  }
0xd4: {  	s21 =	simm.s32 $0x980;
	v19 =	vperm.xlane v19, v18  }
0xd5: {  	[tilespmem:s21], [sflag:$0x1] =	stream.indirect_vreg.gather [hbm4b:s31+s1], $0x80, v20, vm0, $0xb8;
	[tilespmem:$0x1C180] =	vst v63  }
0xd6: {  	s4 =	simm.s32 $0x1180;
	v19 =	vadd.s32 v17, v19  }
0xd7: {  	[tilespmem:s4], [sflag:$0x1] =	stream.indirect_vreg.gather [hbm4b:s17+s1], $0x80, v20, vm0, $0xb8;
	[tilespmem:$0x1C180] =	vst v63  }
0xd8: {  	s21 =	simm.s32 $0x1980  }
0xd9: {  	[tilespmem:s21], [sflag:$0x1] =	stream.indirect_vreg.gather [hbm4b:s0+s1], $0x80, v20, vm0, $0xb8;
	[tilespmem:$0x1C180] =	vst v63  }
0xda: {  	s4 =	simm.s32 $0x2180  }
0xdb: {  	[tilespmem:s4], [sflag:$0x1] =	stream.indirect_vreg.gather [hbm4b:s18+s1], $0x80, v19, vm0, $0xb8;
	[tilespmem:$0x1C180] =	vst v63  }
0xdc: {  	s21 =	simm.s32 $0x2980  }
0xdd: {  	[tilespmem:s21], [sflag:$0x1] =	stream.indirect_vreg.gather [hbm4b:s31+s1], $0x80, v19, vm0, $0xb8;
	[tilespmem:$0x1C180] =	vst v63  }
0xde: {  	s4 =	simm.s32 $0x3180  }
0xdf: {  	[tilespmem:s4], [sflag:$0x1] =	stream.indirect_vreg.gather [hbm4b:s17+s1], $0x80, v19, vm0, $0xb8;
	[tilespmem:$0x1C180] =	vst v63  }
0xe0: {  	s21 =	simm.s32 $0x3980  }
0xe1: {  	[tilespmem:s21], [sflag:$0x1] =	stream.indirect_vreg.gather [hbm4b:s0+s1], $0x80, v19, vm0, $0xb8;
	[tilespmem:$0x1C180] =	vst v63  }
0xe2: {  	_ =	swait.ge [sflag:s7], $0x4000  }
0xe3: {  	[sflag:s7] =	ssyncset.done $0x0  }
0xe4: {  	s4 =	rddreg [dreg:$0x5];
	[sflag:s7] =	ssyncadd.s32 $0xFFFFC000  }
0xe5: {  	[hbm4b:s4+s1] =	stream.linear.scatter [tilespmem:s26], [sflag:$0x9], $0x4000, $0x38;
	[tilespmem:$0x1C180] =	vst v63  }
0xe6: {  	_ =	swait.ge [sflag:s8], $0x4000  }
0xe7: {  	[sflag:s8] =	ssyncset.done $0x0  }
0xe8: {  	[sflag:s8] =	ssyncadd.s32 $0xFFFFC000  }
0xe9: {  	v19 =	vld [tilespmem:$0x100];
	_ =	sdelay $0x4  }
0xea: {  	v20 =	vshll.u32 v19, $0x3  }
0xeb: {  	v19 =	vand.u32 $0x7, v19;
	v20 =	vand.u32 $0xFFFFFFC0, v20  }
0xec: {  	v19 =	vor.u32 v19, v20  }
0xed: {  	v20 =	vperm.xlane v19, v16;
	_ =	sdelay $0x1  }
0xee: {  	v20 =	vadd.s32 v17, v20;
	_ =	sdelay $0x4  }
0xef: {  	[tilespmem:s26], [sflag:$0x2] =	stream.indirect_vreg.gather [hbm4b:s18+s1], $0x80, v20, vm0, $0xb8;
	[tilespmem:$0x1C180] =	vst v63  }
0xf0: {  	s21 =	simm.s32 $0x4980;
	v19 =	vperm.xlane v19, v18  }
0xf1: {  	[tilespmem:s21], [sflag:$0x2] =	stream.indirect_vreg.gather [hbm4b:s31+s1], $0x80, v20, vm0, $0xb8;
	[tilespmem:$0x1C180] =	vst v63  }
0xf2: {  	s4 =	simm.s32 $0x5180;
	v19 =	vadd.s32 v17, v19  }
0xf3: {  	[tilespmem:s4], [sflag:$0x2] =	stream.indirect_vreg.gather [hbm4b:s17+s1], $0x80, v20, vm0, $0xb8;
	[tilespmem:$0x1C180] =	vst v63  }
0xf4: {  	s21 =	simm.s32 $0x5980  }
0xf5: {  	[tilespmem:s21], [sflag:$0x2] =	stream.indirect_vreg.gather [hbm4b:s0+s1], $0x80, v20, vm0, $0xb8;
	[tilespmem:$0x1C180] =	vst v63  }
0xf6: {  	s4 =	simm.s32 $0x6180  }
0xf7: {  	[tilespmem:s4], [sflag:$0x2] =	stream.indirect_vreg.gather [hbm4b:s18+s1], $0x80, v19, vm0, $0xb8;
	[tilespmem:$0x1C180] =	vst v63  }
0xf8: {  	s21 =	simm.s32 $0x6980  }
0xf9: {  	[tilespmem:s21], [sflag:$0x2] =	stream.indirect_vreg.gather [hbm4b:s31+s1], $0x80, v19, vm0, $0xb8;
	[tilespmem:$0x1C180] =	vst v63  }
0xfa: {  	s4 =	simm.s32 $0x7180  }
0xfb: {  	[tilespmem:s4], [sflag:$0x2] =	stream.indirect_vreg.gather [hbm4b:s17+s1], $0x80, v19, vm0, $0xb8;
	[tilespmem:$0x1C180] =	vst v63  }
0xfc: {  	s21 =	simm.s32 $0x7980  }
0xfd: {  	[tilespmem:s21], [sflag:$0x2] =	stream.indirect_vreg.gather [hbm4b:s0+s1], $0x80, v19, vm0, $0xb8;
	[tilespmem:$0x1C180] =	vst v63  }
0xfe: {  	_ =	swait.ge [sflag:s9], $0x4000  }
0xff: {  	[sflag:s9] =	ssyncset.done $0x0  }
0x100: {  	s4 =	rddreg [dreg:$0x6];
	[sflag:s9] =	ssyncadd.s32 $0xFFFFC000  }
0x101: {  	[hbm4b:s4+s1] =	stream.linear.scatter [tilespmem:s29], [sflag:$0xA], $0x4000, $0x38;
	[tilespmem:$0x1C180] =	vst v63  }
0x102: {  	_ =	swait.ge [sflag:s10], $0x4000  }
0x103: {  	[sflag:s10] =	ssyncset.done $0x0  }
0x104: {  	[sflag:s10] =	ssyncadd.s32 $0xFFFFC000  }
0x105: {  	v19 =	vld [tilespmem:$0x110];
	_ =	sdelay $0x4  }
0x106: {  	v20 =	vshll.u32 v19, $0x3  }
0x107: {  	v19 =	vand.u32 $0x7, v19;
	v20 =	vand.u32 $0xFFFFFFC0, v20  }
0x108: {  	v19 =	vor.u32 v19, v20  }
0x109: {  	v20 =	vperm.xlane v19, v16;
	_ =	sdelay $0x1  }
0x10a: {  	v20 =	vadd.s32 v17, v20;
	_ =	sdelay $0x4  }
0x10b: {  	[tilespmem:s29], [sflag:$0x3] =	stream.indirect_vreg.gather [hbm4b:s18+s1], $0x80, v20, vm0, $0xb8;
	[tilespmem:$0x1C180] =	vst v63  }
0x10c: {  	s21 =	simm.s32 $0x8980;
	v19 =	vperm.xlane v19, v18  }
0x10d: {  	[tilespmem:s21], [sflag:$0x3] =	stream.indirect_vreg.gather [hbm4b:s31+s1], $0x80, v20, vm0, $0xb8;
	[tilespmem:$0x1C180] =	vst v63  }
0x10e: {  	s4 =	simm.s32 $0x9180;
	v19 =	vadd.s32 v17, v19  }
0x10f: {  	[tilespmem:s4], [sflag:$0x3] =	stream.indirect_vreg.gather [hbm4b:s17+s1], $0x80, v20, vm0, $0xb8;
	[tilespmem:$0x1C180] =	vst v63  }
0x110: {  	s21 =	simm.s32 $0x9980  }
0x111: {  	[tilespmem:s21], [sflag:$0x3] =	stream.indirect_vreg.gather [hbm4b:s0+s1], $0x80, v20, vm0, $0xb8;
	[tilespmem:$0x1C180] =	vst v63  }
0x112: {  	s21 =	simm.s32 $0xA180  }
0x113: {  	[tilespmem:s21], [sflag:$0x3] =	stream.indirect_vreg.gather [hbm4b:s18+s1], $0x80, v19, vm0, $0xb8;
	[tilespmem:$0x1C180] =	vst v63  }
0x114: {  	_ = 	snop  }
0x115: {  	[tilespmem:s24], [sflag:$0x3] =	stream.indirect_vreg.gather [hbm4b:s31+s1], $0x80, v19, vm0, $0xb8;
	[tilespmem:$0x1C180] =	vst v63  }
0x116: {  	_ = 	snop  }
0x117: {  	[tilespmem:s28], [sflag:$0x3] =	stream.indirect_vreg.gather [hbm4b:s17+s1], $0x80, v19, vm0, $0xb8;
	[tilespmem:$0x1C180] =	vst v63  }
0x118: {  	s23 =	simm.s32 $0xB980  }
0x119: {  	[tilespmem:s23], [sflag:$0x3] =	stream.indirect_vreg.gather [hbm4b:s0+s1], $0x80, v19, vm0, $0xb8;
	[tilespmem:$0x1C180] =	vst v63  }
0x11a: {  	_ =	swait.ge [sflag:s11], $0x4000  }
0x11b: {  	[sflag:s11] =	ssyncset.done $0x0  }
0x11c: {  	s3 =	simm.s32 $0xC180;
	s24 =	rddreg [dreg:$0x7];
	[sflag:s11] =	ssyncadd.s32 $0xFFFFC000  }
0x11d: {  	[hbm4b:s24+s1] =	stream.linear.scatter [tilespmem:s3], [sflag:$0xB], $0x4000, $0x38;
	[tilespmem:$0x1C180] =	vst v63  }
0x11e: {  	_ =	swait.ge [sflag:s12], $0x4000  }
0x11f: {  	[sflag:s12] =	ssyncset.done $0x0  }
0x120: {  	[sflag:s12] =	ssyncadd.s32 $0xFFFFC000  }
0x121: {  	v19 =	vld [tilespmem:$0x120];
	_ =	sdelay $0x4  }
0x122: {  	v20 =	vshll.u32 v19, $0x3  }
0x123: {  	v19 =	vand.u32 $0x7, v19;
	v20 =	vand.u32 $0xFFFFFFC0, v20  }
0x124: {  	v19 =	vor.u32 v19, v20  }
0x125: {  	v20 =	vperm.xlane v19, v16;
	_ =	sdelay $0x1  }
0x126: {  	v20 =	vadd.s32 v17, v20;
	_ =	sdelay $0x4  }
0x127: {  	[tilespmem:s3], [sflag:$0x4] =	stream.indirect_vreg.gather [hbm4b:s18+s1], $0x80, v20, vm0, $0xb8;
	[tilespmem:$0x1C180] =	vst v63  }
0x128: {  	s28 =	simm.s32 $0xC980;
	v19 =	vperm.xlane v19, v18  }
0x129: {  	[tilespmem:s28], [sflag:$0x4] =	stream.indirect_vreg.gather [hbm4b:s31+s1], $0x80, v20, vm0, $0xb8;
	[tilespmem:$0x1C180] =	vst v63  }
0x12a: {  	s23 =	simm.s32 $0xD180;
	v19 =	vadd.s32 v17, v19  }
0x12b: {  	[tilespmem:s23], [sflag:$0x4] =	stream.indirect_vreg.gather [hbm4b:s17+s1], $0x80, v20, vm0, $0xb8;
	[tilespmem:$0x1C180] =	vst v63  }
0x12c: {  	s24 =	simm.s32 $0xD980  }
0x12d: {  	[tilespmem:s24], [sflag:$0x4] =	stream.indirect_vreg.gather [hbm4b:s0+s1], $0x80, v20, vm0, $0xb8;
	[tilespmem:$0x1C180] =	vst v63  }
0x12e: {  	s28 =	simm.s32 $0xE180  }
0x12f: {  	[tilespmem:s28], [sflag:$0x4] =	stream.indirect_vreg.gather [hbm4b:s18+s1], $0x80, v19, vm0, $0xb8;
	[tilespmem:$0x1C180] =	vst v63  }
0x130: {  	s23 =	simm.s32 $0xE980  }
0x131: {  	[tilespmem:s23], [sflag:$0x4] =	stream.indirect_vreg.gather [hbm4b:s31+s1], $0x80, v19, vm0, $0xb8;
	[tilespmem:$0x1C180] =	vst v63  }
0x132: {  	s24 =	simm.s32 $0xF180  }
0x133: {  	[tilespmem:s24], [sflag:$0x4] =	stream.indirect_vreg.gather [hbm4b:s17+s1], $0x80, v19, vm0, $0xb8;
	[tilespmem:$0x1C180] =	vst v63  }
0x134: {  	s28 =	simm.s32 $0xF980  }
0x135: {  	[tilespmem:s28], [sflag:$0x4] =	stream.indirect_vreg.gather [hbm4b:s0+s1], $0x80, v19, vm0, $0xb8;
	[tilespmem:$0x1C180] =	vst v63  }
0x136: {  	_ =	swait.ge [sflag:s13], $0x4000  }
0x137: {  	[sflag:s13] =	ssyncset.done $0x0  }
0x138: {  	s4 =	simm.s32 $0x10180;
	s23 =	rddreg [dreg:$0x8];
	[sflag:s13] =	ssyncadd.s32 $0xFFFFC000  }
0x139: {  	[hbm4b:s23+s1] =	stream.linear.scatter [tilespmem:s4], [sflag:$0xC], $0x4000, $0x38;
	[tilespmem:$0x1C180] =	vst v63  }
0x13a: {  	_ =	swait.ge [sflag:s14], $0x4000  }
0x13b: {  	[sflag:s14] =	ssyncset.done $0x0  }
0x13c: {  	[sflag:s14] =	ssyncadd.s32 $0xFFFFC000  }
0x13d: {  	v19 =	vld [tilespmem:$0x130];
	_ =	sdelay $0x4  }
0x13e: {  	v20 =	vshll.u32 v19, $0x3  }
0x13f: {  	v19 =	vand.u32 $0x7, v19;
	v20 =	vand.u32 $0xFFFFFFC0, v20  }
0x140: {  	v19 =	vor.u32 v19, v20  }
0x141: {  	v20 =	vperm.xlane v19, v16;
	_ =	sdelay $0x1  }
0x142: {  	v20 =	vadd.s32 v17, v20;
	_ =	sdelay $0x4  }
0x143: {  	[tilespmem:s4], [sflag:$0x5] =	stream.indirect_vreg.gather [hbm4b:s18+s1], $0x80, v20, vm0, $0xb8;
	[tilespmem:$0x1C180] =	vst v63  }
0x144: {  	v19 =	vperm.xlane v19, v18  }
0x145: {  	[tilespmem:s2], [sflag:$0x5] =	stream.indirect_vreg.gather [hbm4b:s31+s1], $0x80, v20, vm0, $0xb8;
	[tilespmem:$0x1C180] =	vst v63  }
0x146: {  	s24 =	simm.s32 $0x11180;
	v19 =	vadd.s32 v17, v19  }
0x147: {  	[tilespmem:s24], [sflag:$0x5] =	stream.indirect_vreg.gather [hbm4b:s17+s1], $0x80, v20, vm0, $0xb8;
	[tilespmem:$0x1C180] =	vst v63  }
0x148: {  	s28 =	simm.s32 $0x11980  }
0x149: {  	[tilespmem:s28], [sflag:$0x5] =	stream.indirect_vreg.gather [hbm4b:s0+s1], $0x80, v20, vm0, $0xb8;
	[tilespmem:$0x1C180] =	vst v63  }
0x14a: {  	s23 =	simm.s32 $0x12180  }
0x14b: {  	[tilespmem:s23], [sflag:$0x5] =	stream.indirect_vreg.gather [hbm4b:s18+s1], $0x80, v19, vm0, $0xb8;
	[tilespmem:$0x1C180] =	vst v63  }
0x14c: {  	s24 =	simm.s32 $0x12980  }
0x14d: {  	[tilespmem:s24], [sflag:$0x5] =	stream.indirect_vreg.gather [hbm4b:s31+s1], $0x80, v19, vm0, $0xb8;
	[tilespmem:$0x1C180] =	vst v63  }
0x14e: {  	s28 =	simm.s32 $0x13180  }
0x14f: {  	[tilespmem:s28], [sflag:$0x5] =	stream.indirect_vreg.gather [hbm4b:s17+s1], $0x80, v19, vm0, $0xb8;
	[tilespmem:$0x1C180] =	vst v63  }
0x150: {  	s23 =	simm.s32 $0x13980  }
0x151: {  	[tilespmem:s23], [sflag:$0x5] =	stream.indirect_vreg.gather [hbm4b:s0+s1], $0x80, v19, vm0, $0xb8;
	[tilespmem:$0x1C180] =	vst v63  }
0x152: {  	_ =	swait.ge [sflag:s15], $0x4000  }
0x153: {  	[sflag:s15] =	ssyncset.done $0x0  }
0x154: {  	s2 =	simm.s32 $0x14180;
	s24 =	rddreg [dreg:$0x9];
	[sflag:s15] =	ssyncadd.s32 $0xFFFFC000  }
0x155: {  	[hbm4b:s24+s1] =	stream.linear.scatter [tilespmem:s2], [sflag:$0xD], $0x4000, $0x38;
	[tilespmem:$0x1C180] =	vst v63  }
0x156: {  	_ =	swait.ge [sflag:s16], $0x4000  }
0x157: {  	[sflag:s16] =	ssyncset.done $0x0  }
0x158: {  	[sflag:s16] =	ssyncadd.s32 $0xFFFFC000  }
0x159: {  	v19 =	vld [tilespmem:$0x140];
	_ =	sdelay $0x4  }
0x15a: {  	v20 =	vshll.u32 v19, $0x3  }
0x15b: {  	v19 =	vand.u32 $0x7, v19;
	v20 =	vand.u32 $0xFFFFFFC0, v20  }
0x15c: {  	v19 =	vor.u32 v19, v20  }
0x15d: {  	v20 =	vperm.xlane v19, v16;
	_ =	sdelay $0x1  }
0x15e: {  	v20 =	vadd.s32 v17, v20;
	_ =	sdelay $0x4  }
0x15f: {  	[tilespmem:s2], [sflag:$0x6] =	stream.indirect_vreg.gather [hbm4b:s18+s1], $0x80, v20, vm0, $0xb8;
	[tilespmem:$0x1C180] =	vst v63  }
0x160: {  	s28 =	simm.s32 $0x14980;
	v19 =	vperm.xlane v19, v18  }
0x161: {  	[tilespmem:s28], [sflag:$0x6] =	stream.indirect_vreg.gather [hbm4b:s31+s1], $0x80, v20, vm0, $0xb8;
	[tilespmem:$0x1C180] =	vst v63  }
0x162: {  	s23 =	simm.s32 $0x15180;
	v19 =	vadd.s32 v17, v19  }
0x163: {  	[tilespmem:s23], [sflag:$0x6] =	stream.indirect_vreg.gather [hbm4b:s17+s1], $0x80, v20, vm0, $0xb8;
	[tilespmem:$0x1C180] =	vst v63  }
0x164: {  	s24 =	simm.s32 $0x15980  }
0x165: {  	[tilespmem:s24], [sflag:$0x6] =	stream.indirect_vreg.gather [hbm4b:s0+s1], $0x80, v20, vm0, $0xb8;
	[tilespmem:$0x1C180] =	vst v63  }
0x166: {  	s28 =	simm.s32 $0x16180  }
0x167: {  	[tilespmem:s28], [sflag:$0x6] =	stream.indirect_vreg.gather [hbm4b:s18+s1], $0x80, v19, vm0, $0xb8;
	[tilespmem:$0x1C180] =	vst v63  }
0x168: {  	s23 =	simm.s32 $0x16980  }
0x169: {  	[tilespmem:s23], [sflag:$0x6] =	stream.indirect_vreg.gather [hbm4b:s31+s1], $0x80, v19, vm0, $0xb8;
	[tilespmem:$0x1C180] =	vst v63  }
0x16a: {  	s24 =	simm.s32 $0x17180  }
0x16b: {  	[tilespmem:s24], [sflag:$0x6] =	stream.indirect_vreg.gather [hbm4b:s17+s1], $0x80, v19, vm0, $0xb8;
	[tilespmem:$0x1C180] =	vst v63  }
0x16c: {  	s28 =	simm.s32 $0x17980  }
0x16d: {  	[tilespmem:s28], [sflag:$0x6] =	stream.indirect_vreg.gather [hbm4b:s0+s1], $0x80, v19, vm0, $0xb8;
	[tilespmem:$0x1C180] =	vst v63  }
0x16e: {  	_ =	swait.ge [sflag:s19], $0x4000  }
0x16f: {  	[sflag:s19] =	ssyncset.done $0x0  }
0x170: {  	s29 =	simm.s32 $0x18180;
	s23 =	rddreg [dreg:$0xa];
	[sflag:s19] =	ssyncadd.s32 $0xFFFFC000  }
0x171: {  	[hbm4b:s23+s1] =	stream.linear.scatter [tilespmem:s29], [sflag:$0xE], $0x4000, $0x38;
	[tilespmem:$0x1C180] =	vst v63  }
0x172: {  	_ =	swait.ge [sflag:s20], $0x4000  }
0x173: {  	[sflag:s20] =	ssyncset.done $0x0  }
0x174: {  	[sflag:s20] =	ssyncadd.s32 $0xFFFFC000  }
0x175: {  	v19 =	vld [tilespmem:$0x150];
	_ =	sdelay $0x4  }
0x176: {  	v20 =	vshll.u32 v19, $0x3  }
0x177: {  	v19 =	vand.u32 $0x7, v19;
	v20 =	vand.u32 $0xFFFFFFC0, v20  }
0x178: {  	v19 =	vor.u32 v19, v20  }
0x179: {  	v20 =	vperm.xlane v19, v16;
	_ =	sdelay $0x1  }
0x17a: {  	v20 =	vadd.s32 v17, v20;
	_ =	sdelay $0x4  }
0x17b: {  	[tilespmem:s29], [sflag:$0x7] =	stream.indirect_vreg.gather [hbm4b:s18+s1], $0x80, v20, vm0, $0xb8;
	[tilespmem:$0x1C180] =	vst v63  }
0x17c: {  	s24 =	simm.s32 $0x18980;
	v19 =	vperm.xlane v19, v18  }
0x17d: {  	[tilespmem:s24], [sflag:$0x7] =	stream.indirect_vreg.gather [hbm4b:s31+s1], $0x80, v20, vm0, $0xb8;
	[tilespmem:$0x1C180] =	vst v63  }
0x17e: {  	s28 =	simm.s32 $0x19180;
	v19 =	vadd.s32 v17, v19  }
0x17f: {  	[tilespmem:s28], [sflag:$0x7] =	stream.indirect_vreg.gather [hbm4b:s17+s1], $0x80, v20, vm0, $0xb8;
	[tilespmem:$0x1C180] =	vst v63  }
0x180: {  	s23 =	simm.s32 $0x19980  }
0x181: {  	[tilespmem:s23], [sflag:$0x7] =	stream.indirect_vreg.gather [hbm4b:s0+s1], $0x80, v20, vm0, $0xb8;
	[tilespmem:$0x1C180] =	vst v63  }
0x182: {  	s24 =	simm.s32 $0x1A180  }
0x183: {  	[tilespmem:s24], [sflag:$0x7] =	stream.indirect_vreg.gather [hbm4b:s18+s1], $0x80, v19, vm0, $0xb8;
	[tilespmem:$0x1C180] =	vst v63  }
0x184: {  	s28 =	simm.s32 $0x1A980  }
0x185: {  	[tilespmem:s28], [sflag:$0x7] =	stream.indirect_vreg.gather [hbm4b:s31+s1], $0x80, v19, vm0, $0xb8;
	[tilespmem:$0x1C180] =	vst v63  }
0x186: {  	s23 =	simm.s32 $0x1B180  }
0x187: {  	[tilespmem:s23], [sflag:$0x7] =	stream.indirect_vreg.gather [hbm4b:s17+s1], $0x80, v19, vm0, $0xb8;
	[tilespmem:$0x1C180] =	vst v63  }
0x188: {  	s24 =	simm.s32 $0x1B980  }
0x189: {  	[tilespmem:s24], [sflag:$0x7] =	stream.indirect_vreg.gather [hbm4b:s0+s1], $0x80, v19, vm0, $0xb8;
	[tilespmem:$0x1C180] =	vst v63  }
0x18a: {  	_ =	swait.ge [sflag:s5], $0x4000  }
0x18b: {  	[sflag:s5] =	ssyncset.done $0x0  }
0x18c: {  	s28 =	rddreg [dreg:$0xb];
	[sflag:s5] =	ssyncadd.s32 $0xFFFFC000  }
0x18d: {  	[hbm4b:s28+s1] =	stream.linear.scatter [tilespmem:s25], [sflag:$0x8], $0x4000, $0x38;
	[tilespmem:$0x1C180] =	vst v63  }
0x18e: {  	_ =	swait.ge [sflag:s6], $0x4000  }
0x18f: {  	[sflag:s6] =	ssyncset.done $0x0  }
0x190: {  	[sflag:s6] =	ssyncadd.s32 $0xFFFFC000  }
0x191: {  	v19 =	vld [tilespmem:$0x160];
	_ =	sdelay $0x4  }
0x192: {  	v20 =	vshll.u32 v19, $0x3  }
0x193: {  	v19 =	vand.u32 $0x7, v19;
	v20 =	vand.u32 $0xFFFFFFC0, v20  }
0x194: {  	v19 =	vor.u32 v19, v20  }
0x195: {  	v20 =	vperm.xlane v19, v16;
	_ =	sdelay $0x1  }
0x196: {  	v20 =	vadd.s32 v17, v20;
	_ =	sdelay $0x4  }
0x197: {  	[tilespmem:s25], [sflag:$0x1] =	stream.indirect_vreg.gather [hbm4b:s18+s1], $0x80, v20, vm0, $0xb8;
	[tilespmem:$0x1C180] =	vst v63  }
0x198: {  	s23 =	simm.s32 $0x980;
	v19 =	vperm.xlane v19, v18  }
0x199: {  	[tilespmem:s23], [sflag:$0x1] =	stream.indirect_vreg.gather [hbm4b:s31+s1], $0x80, v20, vm0, $0xb8;
	[tilespmem:$0x1C180] =	vst v63  }
0x19a: {  	s24 =	simm.s32 $0x1180;
	v19 =	vadd.s32 v17, v19  }
0x19b: {  	[tilespmem:s24], [sflag:$0x1] =	stream.indirect_vreg.gather [hbm4b:s17+s1], $0x80, v20, vm0, $0xb8;
	[tilespmem:$0x1C180] =	vst v63  }
0x19c: {  	s28 =	simm.s32 $0x1980  }
0x19d: {  	[tilespmem:s28], [sflag:$0x1] =	stream.indirect_vreg.gather [hbm4b:s0+s1], $0x80, v20, vm0, $0xb8;
	[tilespmem:$0x1C180] =	vst v63  }
0x19e: {  	s23 =	simm.s32 $0x2180  }
0x19f: {  	[tilespmem:s23], [sflag:$0x1] =	stream.indirect_vreg.gather [hbm4b:s18+s1], $0x80, v19, vm0, $0xb8;
	[tilespmem:$0x1C180] =	vst v63  }
0x1a0: {  	s28 =	simm.s32 $0x2980  }
0x1a1: {  	[tilespmem:s28], [sflag:$0x1] =	stream.indirect_vreg.gather [hbm4b:s31+s1], $0x80, v19, vm0, $0xb8;
	[tilespmem:$0x1C180] =	vst v63  }
0x1a2: {  	s23 =	simm.s32 $0x3180  }
0x1a3: {  	[tilespmem:s23], [sflag:$0x1] =	stream.indirect_vreg.gather [hbm4b:s17+s1], $0x80, v19, vm0, $0xb8;
	[tilespmem:$0x1C180] =	vst v63  }
0x1a4: {  	s28 =	simm.s32 $0x3980  }
0x1a5: {  	[tilespmem:s28], [sflag:$0x1] =	stream.indirect_vreg.gather [hbm4b:s0+s1], $0x80, v19, vm0, $0xb8;
	[tilespmem:$0x1C180] =	vst v63  }
0x1a6: {  	_ =	swait.ge [sflag:s7], $0x4000  }
0x1a7: {  	[sflag:s7] =	ssyncset.done $0x0  }
0x1a8: {  	s23 =	rddreg [dreg:$0xc];
	[sflag:s7] =	ssyncadd.s32 $0xFFFFC000  }
0x1a9: {  	[hbm4b:s23+s1] =	stream.linear.scatter [tilespmem:s26], [sflag:$0x9], $0x4000, $0x38;
	[tilespmem:$0x1C180] =	vst v63  }
0x1aa: {  	_ =	swait.ge [sflag:s8], $0x4000  }
0x1ab: {  	[sflag:s8] =	ssyncset.done $0x0  }
0x1ac: {  	[sflag:s8] =	ssyncadd.s32 $0xFFFFC000  }
0x1ad: {  	v19 =	vld [tilespmem:$0x170];
	_ =	sdelay $0x4  }
0x1ae: {  	v20 =	vshll.u32 v19, $0x3  }
0x1af: {  	v19 =	vand.u32 $0x7, v19;
	v20 =	vand.u32 $0xFFFFFFC0, v20  }
0x1b0: {  	v19 =	vor.u32 v19, v20  }
0x1b1: {  	v20 =	vperm.xlane v19, v16;
	_ =	sdelay $0x1  }
0x1b2: {  	v20 =	vadd.s32 v17, v20;
	_ =	sdelay $0x4  }
0x1b3: {  	[tilespmem:s26], [sflag:$0x2] =	stream.indirect_vreg.gather [hbm4b:s18+s1], $0x80, v20, vm0, $0xb8;
	[tilespmem:$0x1C180] =	vst v63  }
0x1b4: {  	s28 =	simm.s32 $0x4980;
	v19 =	vperm.xlane v19, v18  }
0x1b5: {  	[tilespmem:s28], [sflag:$0x2] =	stream.indirect_vreg.gather [hbm4b:s31+s1], $0x80, v20, vm0, $0xb8;
	[tilespmem:$0x1C180] =	vst v63  }
0x1b6: {  	s23 =	simm.s32 $0x5180;
	v19 =	vadd.s32 v17, v19  }
0x1b7: {  	[tilespmem:s23], [sflag:$0x2] =	stream.indirect_vreg.gather [hbm4b:s17+s1], $0x80, v20, vm0, $0xb8;
	[tilespmem:$0x1C180] =	vst v63  }
0x1b8: {  	s28 =	simm.s32 $0x5980  }
0x1b9: {  	[tilespmem:s28], [sflag:$0x2] =	stream.indirect_vreg.gather [hbm4b:s0+s1], $0x80, v20, vm0, $0xb8;
	[tilespmem:$0x1C180] =	vst v63  }
0x1ba: {  	s23 =	simm.s32 $0x6180  }
0x1bb: {  	[tilespmem:s23], [sflag:$0x2] =	stream.indirect_vreg.gather [hbm4b:s18+s1], $0x80, v19, vm0, $0xb8;
	[tilespmem:$0x1C180] =	vst v63  }
0x1bc: {  	s28 =	simm.s32 $0x6980  }
0x1bd: {  	[tilespmem:s28], [sflag:$0x2] =	stream.indirect_vreg.gather [hbm4b:s31+s1], $0x80, v19, vm0, $0xb8;
	[tilespmem:$0x1C180] =	vst v63  }
0x1be: {  	s23 =	simm.s32 $0x7180  }
0x1bf: {  	[tilespmem:s23], [sflag:$0x2] =	stream.indirect_vreg.gather [hbm4b:s17+s1], $0x80, v19, vm0, $0xb8;
	[tilespmem:$0x1C180] =	vst v63  }
0x1c0: {  	s24 =	simm.s32 $0x8180;
	s28 =	simm.s32 $0x7980  }
0x1c1: {  	[tilespmem:s28], [sflag:$0x2] =	stream.indirect_vreg.gather [hbm4b:s0+s1], $0x80, v19, vm0, $0xb8;
	[tilespmem:$0x1C180] =	vst v63  }
.LBB2_4:
0x1c2: {  	_ =	swait.ge [sflag:s9], $0x4000  }
0x1c3: {  	[sflag:s9] =	ssyncset.done $0x0  }
0x1c4: {  	s21 =	rddreg [dreg:$0xd];
	[sflag:s9] =	ssyncadd.s32 $0xFFFFC000  }
0x1c5: {  	[hbm4b:s21+s1] =	stream.linear.scatter [tilespmem:s24], [sflag:$0xA], $0x4000, $0x38;
	[tilespmem:$0x1C180] =	vst v63  }
0x1c6: {  	_ =	swait.ge [sflag:s11], $0x4000  }
0x1c7: {  	[sflag:s11] =	ssyncset.done $0x0  }
0x1c8: {  	s23 =	rddreg [dreg:$0xe];
	[sflag:s11] =	ssyncadd.s32 $0xFFFFC000  }
0x1c9: {  	[hbm4b:s23+s1] =	stream.linear.scatter [tilespmem:s3], [sflag:$0xB], $0x4000, $0x38;
	[tilespmem:$0x1C180] =	vst v63  }
0x1ca: {  	_ =	swait.ge [sflag:s13], $0x4000  }
0x1cb: {  	[sflag:s13] =	ssyncset.done $0x0  }
0x1cc: {  	s24 =	rddreg [dreg:$0xf];
	[sflag:s13] =	ssyncadd.s32 $0xFFFFC000  }
0x1cd: {  	[hbm4b:s24+s1] =	stream.linear.scatter [tilespmem:s4], [sflag:$0xC], $0x4000, $0x38;
	[tilespmem:$0x1C180] =	vst v63  }
0x1ce: {  	_ =	swait.ge [sflag:s15], $0x4000  }
0x1cf: {  	[sflag:s15] =	ssyncset.done $0x0  }
0x1d0: {  	s28 =	rddreg [dreg:$0x10];
	[sflag:s15] =	ssyncadd.s32 $0xFFFFC000  }
0x1d1: {  	[hbm4b:s28+s1] =	stream.linear.scatter [tilespmem:s2], [sflag:$0xD], $0x4000, $0x38;
	[tilespmem:$0x1C180] =	vst v63  }
0x1d2: {  	_ =	swait.ge [sflag:s19], $0x4000  }
0x1d3: {  	[sflag:s19] =	ssyncset.done $0x0  }
0x1d4: {  	s23 =	rddreg [dreg:$0x11];
	[sflag:s19] =	ssyncadd.s32 $0xFFFFC000  }
0x1d5: {  	[hbm4b:s23+s1] =	stream.linear.scatter [tilespmem:s29], [sflag:$0xE], $0x4000, $0x38;
	[tilespmem:$0x1C180] =	vst v63  }
0x1d6: {  	_ =	swait.ge [sflag:s5], $0x4000  }
0x1d7: {  	[sflag:s5] =	ssyncset.done $0x0  }
0x1d8: {  	s24 =	rddreg [dreg:$0x12];
	[sflag:s5] =	ssyncadd.s32 $0xFFFFC000  }
0x1d9: {  	[hbm4b:s24+s1] =	stream.linear.scatter [tilespmem:s25], [sflag:$0x8], $0x4000, $0x38;
	[tilespmem:$0x1C180] =	vst v63  }
0x1da: {  	_ =	swait.ge [sflag:s7], $0x4000  }
0x1db: {  	[sflag:s7] =	ssyncset.done $0x0  }
0x1dc: {  	s28 =	rddreg [dreg:$0x13];
	[sflag:s7] =	ssyncadd.s32 $0xFFFFC000  }
0x1dd: {  	[hbm4b:s28+s1] =	stream.linear.scatter [tilespmem:s26], [sflag:$0x9], $0x4000, $0x38;
	[tilespmem:$0x1C180] =	vst v63  }
0x1de: {  	_ =	swait.ge [sflag:s10], $0x4000  }
0x1df: {  	[sflag:s10] =	ssyncset.done $0x0  }
0x1e0: {  	[sflag:s10] =	ssyncadd.s32 $0xFFFFC000  }
0x1e1: {  	_ =	swait.ge [sflag:s12], $0x4000  }
0x1e2: {  	[sflag:s12] =	ssyncset.done $0x0  }
0x1e3: {  	[sflag:s12] =	ssyncadd.s32 $0xFFFFC000  }
0x1e4: {  	_ =	swait.ge [sflag:s14], $0x4000  }
0x1e5: {  	[sflag:s14] =	ssyncset.done $0x0  }
0x1e6: {  	[sflag:s14] =	ssyncadd.s32 $0xFFFFC000  }
0x1e7: {  	_ =	swait.ge [sflag:s16], $0x4000  }
0x1e8: {  	[sflag:s16] =	ssyncset.done $0x0  }
0x1e9: {  	[sflag:s16] =	ssyncadd.s32 $0xFFFFC000  }
0x1ea: {  	_ =	swait.ge [sflag:s20], $0x4000  }
0x1eb: {  	[sflag:s20] =	ssyncset.done $0x0  }
0x1ec: {  	s22 =	sadd.s32 $0xFFFFFFFF, s22;
	[sflag:s20] =	ssyncadd.s32 $0xFFFFC000  }
0x1ed: {  	p0 =	sne.s32 s22, $0x0;
	_ =	swait.ge [sflag:s6], $0x4000  }
.Ltmp1:
0x1ee: {  	[sflag:s6] =	ssyncset.done $0x0;
	(pc) =	sbr.rel @!p0 .LBB2_5-.Ltmp1, $4  }
0x1ef: {  	[sflag:s6] =	ssyncadd.s32 $0xFFFFC000  }
0x1f0: {  	_ =	swait.ge [sflag:s8], $0x4000  }
0x1f1: {  	[sflag:s8] =	ssyncset.done $0x0  }
0x1f2: {  	[sflag:s8] =	ssyncadd.s32 $0xFFFFC000  }
.LBB2_1:
0x1f3: {  	s21 =	rddreg [dreg:$0x14];
	s23 =	simm.s32 $0xF  }
0x1f4: {  	[tilespmem:s1], [sflag:$0xF] =	stream.linear.gather [hbm4b:s21+s1], $0x80, $0x38;
	[tilespmem:$0x1C180] =	vst v63  }
0x1f5: {  	_ =	swait.ge [sflag:s23], $0x80  }
0x1f6: {  	[sflag:s23] =	ssyncset.done $0x0  }
0x1f7: {  	[sflag:s23] =	ssyncadd.s32 $0xFFFFFF80  }
0x1f8: {  	v19 =	vld [tilespmem:$0x0];
	_ =	sdelay $0x4  }
0x1f9: {  	(v2sf) =	vpush v19, $0x0;
	_ =	sdelay $0xe  }
0x1fa: {  	s24 =	spop (v2sf)  }
0x1fb: {  	s21 =	sadd.s32 $0xFFFFFFFF, s24  }
0x1fc: {  	p0 =	slt.s32 s21, $0x1FFF  }
0x1fd: {  	s21 =	simm.s32 @!p0 $0x1FFF  }
0x1fe: {  	v31 =	vbroadcast v19, $0x1;
	vm1 =	vlt.s32 v15, s21  }
0x1ff: {  	(v2sf) =	vpush v19, $0x1;
	vm2 =	vlt.s32 v0, s21;
	v20 =	vnsel vm1, s21, v15  }
0x200: {  	v21 =	vnsel vm2, s21, v0;
	vm1 =	vlt.s32 v1, s21;
	vm2 =	vlt.s32 v3, s21  }
0x201: {  	v22 =	vnsel vm1, s21, v1;
	vm1 =	vlt.s32 v2, s21;
	v24 =	vnsel vm2, s21, v3  }
0x202: {  	vm2 =	vlt.s32 v6, s21;
	v20 =	vadd.s32 v31, v20;
	v21 =	vadd.s32 v31, v21  }
0x203: {  	v23 =	vnsel vm1, s21, v2;
	vm1 =	vlt.s32 v4, s21;
	v27 =	vnsel vm2, s21, v6  }
0x204: {  	vm2 =	vlt.s32 v9, s21;
	v22 =	vadd.s32 v31, v22;
	v24 =	vadd.s32 v31, v24  }
0x205: {  	v25 =	vnsel vm1, s21, v4;
	vm1 =	vlt.s32 v5, s21;
	v30 =	vnsel vm2, s21, v9  }
0x206: {  	v23 =	vadd.s32 v31, v23;
	v27 =	vadd.s32 v31, v27;
	v26 =	vnsel vm1, s21, v5  }
0x207: {  	vm1 =	vlt.s32 v7, s21;
	v25 =	vadd.s32 v31, v25;
	v30 =	vadd.s32 v31, v30  }
0x208: {  	v28 =	vnsel vm1, s21, v7;
	vm1 =	vlt.s32 v8, s21;
	v26 =	vadd.s32 v31, v26  }
0x209: {  	v29 =	vnsel vm1, s21, v8;
	vm1 =	vlt.s32 v10, s21;
	v28 =	vadd.s32 v31, v28  }
0x20a: {  	v32 =	vnsel vm1, s21, v10;
	vm1 =	vlt.s32 v11, s21;
	v29 =	vadd.s32 v31, v29  }
0x20b: {  	v19 =	vnsel vm1, s21, v11;
	vm1 =	vlt.s32 v12, s21;
	v32 =	vadd.s32 v31, v32  }
0x20c: {  	v33 =	vnsel vm1, s21, v12;
	vm1 =	vlt.s32 v13, s21;
	v19 =	vadd.s32 v31, v19  }
0x20d: {  	v34 =	vnsel vm1, s21, v13;
	vm1 =	vlt.s32 v14, s21;
	v33 =	vadd.s32 v31, v33  }
0x20e: {  	v35 =	vnsel vm1, s21, v14;
	vm1 =	vgt.s32 v21, $0x0;
	v34 =	vadd.s32 v31, v34  }
0x20f: {  	v31 =	vadd.s32 v31, v35;
	v21 =	vnsel vm1, $0x0, v21;
	vm1 =	vgt.s32 v22, $0x0  }
0x210: {  	v21 =	vmin.u32 v21, $0x1FFF;
	v22 =	vnsel vm1, $0x0, v22;
	vm1 =	vgt.s32 v23, $0x0  }
0x211: {  	s28 =	rddreg [dreg:$0x15];
	[tilespmem:$0x90] =	vst v21;
	v43 =	vmin.u32 v22, $0x1FFF;
	v44 =	vnsel vm1, $0x0, v23;
	vm1 =	vgt.s32 v24, $0x0  }
0x212: {  	p0 =	slt.s32 s30, s21;
	s23 =	smov.u32 s21;
	p1 =	slt.s32 s28, s21;
	[tilespmem:$0xA0] =	vst v43;
	v45 =	vmin.u32 v44, $0x1FFF;
	v46 =	vnsel vm1, $0x0, v24;
	vm1 =	vgt.s32 v25, $0x0  }
0x213: {  	s23 =	smov.u32 @p0 s30;
	s24 =	spop (v2sf);
	s21 =	smov.u32 @p1 s28;
	[tilespmem:$0xB0] =	vst v45;
	v47 =	vmin.u32 v46, $0x1FFF;
	v48 =	vnsel vm1, $0x0, v25;
	vm1 =	vgt.s32 v26, $0x0  }
0x214: {  	s23 =	sadd.s32 s24, s23;
	s24 =	sadd.s32 s24, s21;
	[tilespmem:$0xC0] =	vst v47;
	v49 =	vmin.u32 v48, $0x1FFF;
	v50 =	vnsel vm1, $0x0, v26;
	vm1 =	vgt.s32 v27, $0x0  }
0x215: {  	p0 =	sgt.s32 s23, $0x0;
	p1 =	sgt.s32 s24, $0x0;
	[tilespmem:$0xD0] =	vst v49;
	v51 =	vmin.u32 v50, $0x1FFF;
	v52 =	vnsel vm1, $0x0, v27;
	vm1 =	vgt.s32 v28, $0x0  }
0x216: {  	s23 =	simm.s32 @!p0 $0x0;
	s24 =	simm.s32 @!p1 $0x0;
	[tilespmem:$0xE0] =	vst v51;
	v53 =	vmin.u32 v52, $0x1FFF;
	v54 =	vnsel vm1, $0x0, v28;
	vm1 =	vgt.s32 v29, $0x0  }
0x217: {  	s21 =	smin.u32 s23, $0x1FFF;
	s28 =	smin.u32 s24, $0x1FFF;
	[tilespmem:$0xF0] =	vst v53;
	v55 =	vmin.u32 v54, $0x1FFF;
	v56 =	vnsel vm1, $0x0, v29;
	vm1 =	vgt.s32 v30, $0x0  }
0x218: {  	s23 =	ssub.s32 s28, s21;
	[tilespmem:$0x100] =	vst v55;
	v57 =	vmin.u32 v56, $0x1FFF;
	v58 =	vnsel vm1, $0x0, v30;
	vm1 =	vgt.s32 v32, $0x0  }
0x219: {  	p0 =	sne.s32 s23, $0xFF;
	s23 =	sand.u32 $0x7, s21;
	[tilespmem:$0x110] =	vst v57;
	v59 =	vmin.u32 v58, $0x1FFF;
	v60 =	vnsel vm1, $0x0, v32;
	vm1 =	vgt.s32 v19, $0x0  }
0x21a: {  	p1 =	sne.s32 @!p0 s23, $0x0;
	[tilespmem:$0x120] =	vst v59;
	v61 =	vmin.u32 v60, $0x1FFF;
	v19 =	vnsel vm1, $0x0, v19;
	vm1 =	vgt.s32 v33, $0x0  }
0x21b: {  	p0 =	por p0, p1;
	[tilespmem:$0x130] =	vst v61;
	v62 =	vnsel vm1, $0x0, v33;
	vm1 =	vgt.s32 v20, $0x0;
	v19 =	vmin.u32 v19, $0x1FFF  }
.Ltmp2:
0x21c: {  	[tilespmem:$0x140] =	vst v19;
	v19 =	vnsel vm1, $0x0, v20;
	v20 =	vmin.u32 v62, $0x1FFF;
	vm1 =	vgt.s32 v34, $0x0;
	(pc) =	sbr.rel @p0 .LBB2_3-.Ltmp2, $4  }
0x21d: {  	[tilespmem:$0x150] =	vst v20;
	v19 =	vmin.u32 v19, $0x1FFF;
	v20 =	vnsel vm1, $0x0, v34;
	vm1 =	vgt.s32 v31, $0x0  }
0x21e: {  	[tilespmem:$0x80] =	vst v19;
	v20 =	vmin.u32 v20, $0x1FFF;
	v63 =	vnsel vm1, $0x0, v31  }
0x21f: {  	[tilespmem:$0x160] =	vst v20;
	v20 =	vmin.u32 v63, $0x1FFF  }
0x220: {  	[tilespmem:$0x170] =	vst v20  }
0x221: {  	s21 =	sshll.u32 s21, $0x7  }
0x222: {  	s28 =	rddreg [dreg:$0x16];
	s23 =	sadd.s32 s18, s21  }
0x223: {  	[tilespmem:s25], [sflag:$0x1] =	stream.linear.gather [hbm4b:s23+s1], $0x4000, $0x38;
	[tilespmem:$0x1C180] =	vst v63  }
0x224: {  	s24 =	rddreg [dreg:$0x17];
	s23 =	sadd.s32 s21, s28  }
0x225: {  	[tilespmem:s26], [sflag:$0x2] =	stream.linear.gather [hbm4b:s23+s1], $0x4000, $0x38;
	[tilespmem:$0x1C180] =	vst v63  }
0x226: {  	s28 =	rddreg [dreg:$0x18];
	s23 =	sadd.s32 s21, s24;
	s24 =	simm.s32 $0x8180  }
0x227: {  	[tilespmem:s24], [sflag:$0x3] =	stream.linear.gather [hbm4b:s23+s1], $0x4000, $0x38;
	[tilespmem:$0x1C180] =	vst v63  }
0x228: {  	s23 =	sadd.s32 s21, s28;
	s28 =	rddreg [dreg:$0x19]  }
0x229: {  	[tilespmem:s3], [sflag:$0x4] =	stream.linear.gather [hbm4b:s23+s1], $0x4000, $0x38;
	[tilespmem:$0x1C180] =	vst v63  }
0x22a: {  	s23 =	sadd.s32 s21, s28;
	s28 =	rddreg [dreg:$0x1a]  }
0x22b: {  	[tilespmem:s4], [sflag:$0x5] =	stream.linear.gather [hbm4b:s23+s1], $0x4000, $0x38;
	[tilespmem:$0x1C180] =	vst v63  }
0x22c: {  	s23 =	sadd.s32 s21, s28;
	s28 =	rddreg [dreg:$0x1b]  }
0x22d: {  	[tilespmem:s2], [sflag:$0x6] =	stream.linear.gather [hbm4b:s23+s1], $0x4000, $0x38;
	[tilespmem:$0x1C180] =	vst v63  }
0x22e: {  	s23 =	sadd.s32 s21, s28  }
0x22f: {  	[tilespmem:s29], [sflag:$0x7] =	stream.linear.gather [hbm4b:s23+s1], $0x4000, $0x38;
	[tilespmem:$0x1C180] =	vst v63  }
0x230: {  	_ =	swait.ge [sflag:s5], $0x4000  }
0x231: {  	[sflag:s5] =	ssyncset.done $0x0  }
0x232: {  	s28 =	rddreg [dreg:$0x4];
	[sflag:s5] =	ssyncadd.s32 $0xFFFFC000  }
0x233: {  	[hbm4b:s28+s1] =	stream.linear.scatter [tilespmem:s25], [sflag:$0x8], $0x4000, $0x38;
	[tilespmem:$0x1C180] =	vst v63  }
0x234: {  	_ =	swait.ge [sflag:s6], $0x4000  }
0x235: {  	[sflag:s6] =	ssyncset.done $0x0;
	s28 =	rddreg [dreg:$0x1c]  }
0x236: {  	[sflag:s6] =	ssyncadd.s32 $0xFFFFC000;
	s23 =	sadd.s32 s21, s28  }
0x237: {  	[tilespmem:s25], [sflag:$0x1] =	stream.linear.gather [hbm4b:s23+s1], $0x4000, $0x38;
	[tilespmem:$0x1C180] =	vst v63  }
0x238: {  	_ =	swait.ge [sflag:s7], $0x4000  }
0x239: {  	[sflag:s7] =	ssyncset.done $0x0  }
0x23a: {  	s28 =	rddreg [dreg:$0x5];
	[sflag:s7] =	ssyncadd.s32 $0xFFFFC000  }
0x23b: {  	[hbm4b:s28+s1] =	stream.linear.scatter [tilespmem:s26], [sflag:$0x9], $0x4000, $0x38;
	[tilespmem:$0x1C180] =	vst v63  }
0x23c: {  	_ =	swait.ge [sflag:s8], $0x4000  }
0x23d: {  	[sflag:s8] =	ssyncset.done $0x0;
	s28 =	rddreg [dreg:$0x1d]  }
0x23e: {  	[sflag:s8] =	ssyncadd.s32 $0xFFFFC000;
	s23 =	sadd.s32 s21, s28  }
0x23f: {  	[tilespmem:s26], [sflag:$0x2] =	stream.linear.gather [hbm4b:s23+s1], $0x4000, $0x38;
	[tilespmem:$0x1C180] =	vst v63  }
0x240: {  	_ =	swait.ge [sflag:s9], $0x4000  }
0x241: {  	[sflag:s9] =	ssyncset.done $0x0  }
0x242: {  	s28 =	rddreg [dreg:$0x6];
	[sflag:s9] =	ssyncadd.s32 $0xFFFFC000  }
0x243: {  	[hbm4b:s28+s1] =	stream.linear.scatter [tilespmem:s24], [sflag:$0xA], $0x4000, $0x38;
	[tilespmem:$0x1C180] =	vst v63  }
0x244: {  	_ =	swait.ge [sflag:s10], $0x4000  }
0x245: {  	[sflag:s10] =	ssyncset.done $0x0;
	s28 =	rddreg [dreg:$0x1e]  }
0x246: {  	[sflag:s10] =	ssyncadd.s32 $0xFFFFC000;
	s23 =	sadd.s32 s21, s28  }
0x247: {  	[tilespmem:s24], [sflag:$0x3] =	stream.linear.gather [hbm4b:s23+s1], $0x4000, $0x38;
	[tilespmem:$0x1C180] =	vst v63  }
0x248: {  	_ =	swait.ge [sflag:s11], $0x4000  }
0x249: {  	[sflag:s11] =	ssyncset.done $0x0  }
0x24a: {  	s28 =	rddreg [dreg:$0x7];
	[sflag:s11] =	ssyncadd.s32 $0xFFFFC000  }
0x24b: {  	[hbm4b:s28+s1] =	stream.linear.scatter [tilespmem:s3], [sflag:$0xB], $0x4000, $0x38;
	[tilespmem:$0x1C180] =	vst v63  }
0x24c: {  	_ =	swait.ge [sflag:s12], $0x4000  }
0x24d: {  	[sflag:s12] =	ssyncset.done $0x0;
	s28 =	rddreg [dreg:$0x1f]  }
0x24e: {  	[sflag:s12] =	ssyncadd.s32 $0xFFFFC000;
	s23 =	sadd.s32 s21, s28  }
0x24f: {  	[tilespmem:s3], [sflag:$0x4] =	stream.linear.gather [hbm4b:s23+s1], $0x4000, $0x38;
	[tilespmem:$0x1C180] =	vst v63  }
0x250: {  	_ =	swait.ge [sflag:s13], $0x4000  }
0x251: {  	[sflag:s13] =	ssyncset.done $0x0  }
0x252: {  	s28 =	rddreg [dreg:$0x8];
	[sflag:s13] =	ssyncadd.s32 $0xFFFFC000  }
0x253: {  	[hbm4b:s28+s1] =	stream.linear.scatter [tilespmem:s4], [sflag:$0xC], $0x4000, $0x38;
	[tilespmem:$0x1C180] =	vst v63  }
0x254: {  	_ =	swait.ge [sflag:s14], $0x4000  }
0x255: {  	s28 =	sld [smem:$0x7F9];
	_ =	sdelay $0x1  }
0x256: {  	[sflag:s14] =	ssyncset.done $0x0  }
0x257: {  	[sflag:s14] =	ssyncadd.s32 $0xFFFFC000;
	s23 =	sadd.s32 s21, s28  }
0x258: {  	[tilespmem:s4], [sflag:$0x5] =	stream.linear.gather [hbm4b:s23+s1], $0x4000, $0x38;
	[tilespmem:$0x1C180] =	vst v63  }
0x259: {  	_ =	swait.ge [sflag:s15], $0x4000  }
0x25a: {  	[sflag:s15] =	ssyncset.done $0x0  }
0x25b: {  	s28 =	rddreg [dreg:$0x9];
	[sflag:s15] =	ssyncadd.s32 $0xFFFFC000  }
0x25c: {  	[hbm4b:s28+s1] =	stream.linear.scatter [tilespmem:s2], [sflag:$0xD], $0x4000, $0x38;
	[tilespmem:$0x1C180] =	vst v63  }
0x25d: {  	_ =	swait.ge [sflag:s16], $0x4000  }
0x25e: {  	s28 =	sld [smem:$0x7FA];
	_ =	sdelay $0x1  }
0x25f: {  	[sflag:s16] =	ssyncset.done $0x0  }
0x260: {  	[sflag:s16] =	ssyncadd.s32 $0xFFFFC000;
	s23 =	sadd.s32 s21, s28  }
0x261: {  	[tilespmem:s2], [sflag:$0x6] =	stream.linear.gather [hbm4b:s23+s1], $0x4000, $0x38;
	[tilespmem:$0x1C180] =	vst v63  }
0x262: {  	_ =	swait.ge [sflag:s19], $0x4000  }
0x263: {  	[sflag:s19] =	ssyncset.done $0x0  }
0x264: {  	s28 =	rddreg [dreg:$0xa];
	[sflag:s19] =	ssyncadd.s32 $0xFFFFC000  }
0x265: {  	[hbm4b:s28+s1] =	stream.linear.scatter [tilespmem:s29], [sflag:$0xE], $0x4000, $0x38;
	[tilespmem:$0x1C180] =	vst v63  }
0x266: {  	_ =	swait.ge [sflag:s20], $0x4000  }
0x267: {  	s28 =	sld [smem:$0x7FB];
	_ =	sdelay $0x1  }
0x268: {  	[sflag:s20] =	ssyncset.done $0x0  }
0x269: {  	[sflag:s20] =	ssyncadd.s32 $0xFFFFC000;
	s23 =	sadd.s32 s21, s28  }
0x26a: {  	[tilespmem:s29], [sflag:$0x7] =	stream.linear.gather [hbm4b:s23+s1], $0x4000, $0x38;
	[tilespmem:$0x1C180] =	vst v63  }
0x26b: {  	_ =	swait.ge [sflag:s5], $0x4000  }
0x26c: {  	[sflag:s5] =	ssyncset.done $0x0  }
0x26d: {  	s28 =	rddreg [dreg:$0xb];
	[sflag:s5] =	ssyncadd.s32 $0xFFFFC000  }
0x26e: {  	[hbm4b:s28+s1] =	stream.linear.scatter [tilespmem:s25], [sflag:$0x8], $0x4000, $0x38;
	[tilespmem:$0x1C180] =	vst v63  }
0x26f: {  	_ =	swait.ge [sflag:s6], $0x4000  }
0x270: {  	s28 =	sld [smem:$0x7FC];
	_ =	sdelay $0x1  }
0x271: {  	[sflag:s6] =	ssyncset.done $0x0  }
0x272: {  	[sflag:s6] =	ssyncadd.s32 $0xFFFFC000;
	s23 =	sadd.s32 s21, s28  }
0x273: {  	[tilespmem:s25], [sflag:$0x1] =	stream.linear.gather [hbm4b:s23+s1], $0x4000, $0x38;
	[tilespmem:$0x1C180] =	vst v63  }
0x274: {  	_ =	swait.ge [sflag:s7], $0x4000  }
0x275: {  	[sflag:s7] =	ssyncset.done $0x0  }
0x276: {  	s28 =	rddreg [dreg:$0xc];
	[sflag:s7] =	ssyncadd.s32 $0xFFFFC000  }
0x277: {  	[hbm4b:s28+s1] =	stream.linear.scatter [tilespmem:s26], [sflag:$0x9], $0x4000, $0x38;
	[tilespmem:$0x1C180] =	vst v63  }
0x278: {  	_ =	swait.ge [sflag:s8], $0x4000  }
.Ltmp3:
0x279: {  	s28 =	sld [smem:$0x7FD];
	(pc) =	sbr.rel .LBB2_4-.Ltmp3, $4  }
0x27a: {  	_ = 	snop  }
0x27b: {  	[sflag:s8] =	ssyncset.done $0x0  }
0x27c: {  	[sflag:s8] =	ssyncadd.s32 $0xFFFFC000;
	s21 =	sadd.s32 s21, s28  }
0x27d: {  	[tilespmem:s26], [sflag:$0x2] =	stream.linear.gather [hbm4b:s21+s1], $0x4000, $0x38;
	[tilespmem:$0x1C180] =	vst v63  }
.LBB2_5:
0x27e: {  	_ =	sfence.sel $0x180000  }
0x27f: {  	[bflag:$0x0] =	sbarrier.arrive $0xFFFF  }
0x280: {  	_ =	strace $0x90000047  }
0x281: {  	s0 =	stileid.u32;
	[bflag:$0x2] =	sbarrier.arrive $0xFFFF  }
0x282: {  	p0 =	sne.s32 s0, $0x0;
	s0 =	rddreg [dreg:$0x3]  }
0x283: {  	s0 =	sadd.s32 @!p0 $0x100000, s0  }
0x284: {  	[sflag:s0] =	ssyncadd.tile.s32 @!p0 $0x1;
	_ =	shalt  }
.Lfunc_end2:
_tile_overlayer_lowered:
.L_overlay_start_2:
0x285: {  	(tag) =	ssettag $0x2  }
0x286: {  	s0 =	rddreg [dreg:$0x0];
	s2 =	stileid.u32  }
0x287: {  	s1 =	rddreg [dreg:$0x1];
	p0 =	sne.s32 s2, $0x0  }
0x288: {  	s3 =	rddreg [dreg:$0x2];
	[bflag:$0x3] =	sbarrier.arrive $0xFFFF;
	s2 =	simm.s32 @!p0 $0x1C0F  }
0x289: {  	[timem:s3], [sflag:s2] =	dma.local @!p0 [hbm:s0], s1  }
0x28a: {  	s0 =	simm.s32 @!p0 $0xF  }
0x28b: {  	_ =	swait.ge @!p0 [sflag:s0], s1  }
0x28c: {  	s1 =	ssub.s32 @!p0 $0x0, s1;
	[sflag:s0] =	ssyncset.done @!p0 $0x0  }
0x28d: {  	[sflag:s0] =	ssyncadd.s32 @!p0 s1  }
0x28e: {  	[bflag:$0x3] =	sbarrier.arrive $0xFFFF  }
0x28f: {  	_ =	shalt  }

</sc_bundles>
